<compile_context>
chip_gen: v7x
topology: tpu7x:2x2x1
jax: 0.10.2.dev20260603
libtpu: 0.0.44.dev20260713+nightly
codegen_flags: <defaults>
</compile_context>

<pallas_src>
import functools

import jax
import jax.numpy as jnp
from jax import lax
from jax.experimental import pallas as pl
from jax.experimental.pallas import tpu as pltpu
from jax.experimental.pallas import tpu_sc as plsc

N = 10000
NP = 10240
TRASH = 10200
E = 320000
F = 128
G = 64
NC = 2
NS = 16
NT = NC * NS
EPT = E // NT
C = 112
NB = 3
NCH = 90
NG = NCH // NB
EPT_PAD = NCH * C
RPT = NP // NS

_mesh = plsc.VectorSubcoreMesh(core_axis_name="c", subcore_axis_name="s")


@functools.partial(
    pl.kernel,
    mesh=_mesh,
    out_type=jax.ShapeDtypeStruct((NC, NP), jnp.float32),
    scratch_types=[
        pltpu.VMEM((NCH, 2, C), jnp.int32),
        pltpu.VMEM((C,), jnp.float32),
        pltpu.VMEM_SHARED((NP,), jnp.float32),
    ],
)
def _deg_kernel(ei_hbm, ones_hbm, zeros1_hbm, deg_hbm, ei_v, ones_v, deg_sh):
    c = lax.axis_index("c")
    s = lax.axis_index("s")
    w = c * NS + s
    base = s * RPT
    pltpu.sync_copy(zeros1_hbm.at[pl.ds(base, RPT)], deg_sh.at[pl.ds(base, RPT)])
    pltpu.sync_copy(ones_hbm, ones_v)
    pltpu.sync_copy(ei_hbm.at[w], ei_v)
    plsc.subcore_barrier()

    def body(j, carry):
        pltpu.sync_copy(ones_v, deg_sh.at[ei_v.at[j, 1]], add=True)
        return carry

    lax.fori_loop(0, NCH, body, 0)
    plsc.subcore_barrier()
    pltpu.sync_copy(deg_sh.at[pl.ds(base, RPT)], deg_hbm.at[c, pl.ds(base, RPT)])


@functools.partial(
    pl.kernel,
    mesh=_mesh,
    out_type=jax.ShapeDtypeStruct((NC, NP, F), jnp.float32),
    scratch_types=[
        pltpu.VMEM((4, NB, 2, C), jnp.int32),
        [pltpu.VMEM((C, F), jnp.float32) for _ in range(NB)],
        pltpu.VMEM_SHARED((NP, F), jnp.float32),
        [pltpu.SemaphoreType.DMA for _ in range(NB)],
        [pltpu.SemaphoreType.DMA for _ in range(NB)],
        pltpu.SemaphoreType.DMA,
    ],
)
def _msg_kernel(y_hbm, ei_hbm, zeros2_hbm, z_hbm,
                ei_v, rows_v, z_sh, gsem, ssem, isem):
    c = lax.axis_index("c")
    s = lax.axis_index("s")
    w = c * NS + s
    base = s * RPT
    pltpu.sync_copy(zeros2_hbm.at[pl.ds(base, RPT)], z_sh.at[pl.ds(base, RPT)])
    pltpu.sync_copy(ei_hbm.at[w, pl.ds(0, NB)], ei_v.at[0])
    plsc.subcore_barrier()

    def group(t, carry):
        p = lax.rem(t, 4)
        pp1 = lax.rem(t + 1, 4)
        pm1 = lax.rem(t + 3, 4)

        @pl.when(t > 0)
        def _():
            pltpu.make_async_copy(
                ei_hbm.at[w, pl.ds(t * NB, NB)], ei_v.at[p], isem).wait()

        @pl.when(t + 1 < NG)
        def _():
            pltpu.async_copy(
                ei_hbm.at[w, pl.ds((t + 1) * NB, NB)], ei_v.at[pp1], isem)

        descs = []
        for b in range(NB):

            @pl.when(t > 0)
            def _():
                pltpu.make_async_copy(
                    rows_v[b], z_sh.at[ei_v.at[pm1, b, 1]], ssem[b]).wait()

            descs.append(
                pltpu.async_copy(y_hbm.at[ei_v.at[p, b, 0]], rows_v[b],
                                 gsem[b]))
        for b in range(NB):
            descs[b].wait()
            pltpu.async_copy(rows_v[b], z_sh.at[ei_v.at[p, b, 1]], ssem[b],
                             add=True)
        return carry

    lax.fori_loop(0, NG, group, 0)
    pl_ = (NG - 1) % 4
    for b in range(NB):
        pltpu.make_async_copy(
            rows_v[b], z_sh.at[ei_v.at[pl_, b, 1]], ssem[b]).wait()
    plsc.subcore_barrier()
    pltpu.sync_copy(z_sh.at[pl.ds(base, RPT)], z_hbm.at[c, pl.ds(base, RPT)])


_BN = 1024


def _tc1_body(x_ref, deg_ref, wemb_ref, bemb_ref, w1_ref, out_ref):
    deg = deg_ref[0, :] + deg_ref[1, :] + 1.0
    dinv = lax.rsqrt(deg)
    h0 = jnp.dot(x_ref[...], wemb_ref[...], preferred_element_type=jnp.float32)
    h0 = h0 + bemb_ref[...][None, :]
    y1 = jnp.dot(h0, w1_ref[...], preferred_element_type=jnp.float32)
    out_ref[...] = y1 * dinv[:, None]


def _tc2_body(z_ref, y_ref, deg_ref, b_ref, w_ref, out_ref):
    deg = deg_ref[0, :] + deg_ref[1, :] + 1.0
    dinv = lax.rsqrt(deg)
    h = dinv[:, None] * (z_ref[0] + z_ref[1] + y_ref[...]) + b_ref[...][None, :]
    h = jnp.maximum(h, 0.0)
    out_ref[...] = jnp.dot(h, w_ref[...], preferred_element_type=jnp.float32) * dinv[:, None]


def _tc3_body(z_ref, y_ref, deg_ref, b_ref, batch_ref, out_ref):
    deg = deg_ref[0, :] + deg_ref[1, :] + 1.0
    dinv = lax.rsqrt(deg)
    h = dinv[:, None] * (z_ref[0] + z_ref[1] + y_ref[...]) + b_ref[...][None, :]
    bt = batch_ref[...]
    onehot = (bt[None, :] == lax.broadcasted_iota(jnp.int32, (G, _BN), 0))
    acc = jnp.dot(onehot.astype(jnp.float32), h, preferred_element_type=jnp.float32)

    @pl.when(pl.program_id(0) == 0)
    def _():
        out_ref[...] = acc

    @pl.when(pl.program_id(0) != 0)
    def _():
        out_ref[...] += acc


_row_spec = pl.BlockSpec((_BN, F), lambda i: (i, 0))
_deg_spec = pl.BlockSpec((NC, _BN), lambda i: (0, i))
_z_spec = pl.BlockSpec((NC, _BN, F), lambda i: (0, i, 0))
_mat_spec = pl.BlockSpec((F, F), lambda i: (0, 0))
_vec_spec = pl.BlockSpec((F,), lambda i: (0,))

_tc1 = pl.pallas_call(
    _tc1_body,
    grid=(NP // _BN,),
    in_specs=[_row_spec, _deg_spec, _mat_spec, _vec_spec, _mat_spec],
    out_specs=_row_spec,
    out_shape=jax.ShapeDtypeStruct((NP, F), jnp.float32),
)

_tc2 = pl.pallas_call(
    _tc2_body,
    grid=(NP // _BN,),
    in_specs=[_z_spec, _row_spec, _deg_spec, _vec_spec, _mat_spec],
    out_specs=_row_spec,
    out_shape=jax.ShapeDtypeStruct((NP, F), jnp.float32),
)

_tc3 = pl.pallas_call(
    _tc3_body,
    grid=(NP // _BN,),
    in_specs=[_z_spec, _row_spec, _deg_spec, _vec_spec,
              pl.BlockSpec((_BN,), lambda i: (i,))],
    out_specs=pl.BlockSpec((G, F), lambda i: (0, 0)),
    out_shape=jax.ShapeDtypeStruct((G, F), jnp.float32),
)


def kernel(x, edge_index, batch, W_emb, b_emb, W1, b1, W2, b2, W3, b3):
    src = edge_index[0].reshape(NT, EPT)
    dst = edge_index[1].reshape(NT, EPT)
    pad = EPT_PAD - EPT
    srcp = jnp.pad(src, ((0, 0), (0, pad))).reshape(NT, NCH, C)
    dstp = jnp.pad(dst, ((0, 0), (0, pad)),
                   constant_values=TRASH).reshape(NT, NCH, C)
    eip = jnp.stack([srcp, dstp], axis=2)
    xp = jnp.pad(x, ((0, NP - N), (0, 0)))
    batchp = jnp.pad(batch, (0, NP - N), constant_values=G)
    zeros1 = jnp.zeros((NP,), jnp.float32)
    zeros2 = jnp.zeros((NP, F), jnp.float32)
    ones_c = jnp.ones((C,), jnp.float32)

    deg = _deg_kernel(eip, ones_c, zeros1)
    y1 = _tc1(xp, deg, W_emb, b_emb, W1)
    z1 = _msg_kernel(y1, eip, zeros2)
    y2 = _tc2(z1, y1, deg, b1, W2)
    z2 = _msg_kernel(y2, eip, zeros2)
    y3 = _tc2(z2, y2, deg, b2, W3)
    z3 = _msg_kernel(y3, eip, zeros2)
    yhat = _tc3(z3, y3, deg, b3, batchp)
    return yhat

# --- scband reference (transcript-rebuilt; emitter-appended) ---
"""Pipeline reference for scband-basic-gcn-72765335929134 (READ-ONLY COPY).

The authoritative reference and input builder live on the scoring server;
editing this copy changes nothing except your own understanding.
"""

import jax, jax.numpy as jnp
import numpy as np

N = 10000
E = 320000
D = 128
H = 128
O = 128
G = 64


def setup_inputs(seed: int = 0) -> dict:
    key = jax.random.key(seed)
    ks = jax.random.split(key, 12)
    x = jax.random.normal(ks[0], (N, D), dtype=jnp.float32)
    edge_index = jax.random.randint(ks[1], (2, E), 0, N, dtype=jnp.int32)
    batch = jnp.sort(jax.random.randint(ks[2], (N,), 0, G, dtype=jnp.int32))
    s = 1.0 / np.sqrt(D)
    W_emb = jax.random.uniform(ks[3], (D, H), jnp.float32, -s, s)
    b_emb = jnp.zeros((H,), jnp.float32)
    W1 = jax.random.uniform(ks[4], (H, H), jnp.float32, -s, s)
    b1 = jnp.zeros((H,), jnp.float32)
    W2 = jax.random.uniform(ks[5], (H, H), jnp.float32, -s, s)
    b2 = jnp.zeros((H,), jnp.float32)
    W3 = jax.random.uniform(ks[6], (H, O), jnp.float32, -s, s)
    b3 = jnp.zeros((O,), jnp.float32)
    return {"x": x, "edge_index": edge_index, "batch": batch,
            "W_emb": W_emb, "b_emb": b_emb, "W1": W1, "b1": b1,
            "W2": W2, "b2": b2, "W3": W3, "b3": b3}


def _gcn_conv(x, W, b, src, dst, n_nodes):
    # PyG GCNConv: linear transform, then normalized propagation with self-loops
    x = x @ W
    sl = jnp.arange(n_nodes, dtype=src.dtype)
    src_sl = jnp.concatenate([src, sl])
    dst_sl = jnp.concatenate([dst, sl])
    deg = jax.ops.segment_sum(jnp.ones_like(dst_sl, jnp.float32), dst_sl, num_segments=n_nodes)
    dinv = jnp.where(deg > 0, jax.lax.rsqrt(jnp.maximum(deg, 1e-12)), 0.0)
    norm = dinv[src_sl] * dinv[dst_sl]
    msg = x[src_sl] * norm[:, None]
    out = jax.ops.segment_sum(msg, dst_sl, num_segments=n_nodes)
    return out + b


def reference(x, edge_index, batch, W_emb, b_emb, W1, b1, W2, b2, W3, b3):
    src = edge_index[0]
    dst = edge_index[1]
    h = x @ W_emb + b_emb
    h = _gcn_conv(h, W1, b1, src, dst, N)
    h = jax.nn.relu(h)  # dropout is identity at eval
    h = _gcn_conv(h, W2, b2, src, dst, N)
    h = jax.nn.relu(h)
    h = _gcn_conv(h, W3, b3, src, dst, N)
    yhat = jax.ops.segment_sum(h, batch, num_segments=G)  # global_add_pool
    return yhat

if __name__ == "__main__":
    import jax
    _d = setup_inputs()
    print(jax.jit(kernel)(*tuple(_d.values())))

</pallas_src>

<mosaic_0001>
#map = affine_map<(d0, d1) -> (0, 0, 0, 0)>
#map1 = affine_map<(d0, d1) -> (0)>
#map2 = affine_map<(d0, d1) -> (0, 0)>
module attributes {stable_mosaic.version = 14 : i64} {
  func.func @_deg_kernel(%arg0: i32, %arg1: i32, %arg2: memref<32x90x2x112xi32, #tpu.memory_space<hbm>>, %arg3: memref<112xf32, #tpu.memory_space<hbm>>, %arg4: memref<10240xf32, #tpu.memory_space<hbm>>, %arg5: memref<2x10240xf32, #tpu.memory_space<hbm>>, %arg6: memref<90x2x112xi32, #tpu.memory_space<vmem>>, %arg7: memref<112xf32, #tpu.memory_space<vmem>>, %arg8: memref<10240xf32, #tpu.memory_space<vmem_shared>>) attributes {dimension_semantics = [#tpu.dimension_semantics<core_parallel>, #tpu.dimension_semantics<subcore_parallel>], iteration_bounds = array<i64: 2, 16>, scalar_prefetch = 0 : i64, scratch_operands = 3 : i64, tpu.core_type = #tpu.core_type<sc_vector_subcore>, window_params = [{transform_indices = #map}, {transform_indices = #map1}, {transform_indices = #map1}, {transform_indices = #map2}]} {
    %mul3A = arith.constant 16 : i32
    %mul3A_0 = arith.muli %arg0, %mul3A : i32
    %add3A = arith.addi %mul3A_0, %arg1 : i32
    %mul3A_1 = arith.constant 640 : i32
    %mul3A_2 = arith.muli %arg1, %mul3A_1 : i32
    "tpu.region"() ({
      %run_scoped3A = tpu.sem_alloc : memref<!tpu.dma_semaphore, #tpu.memory_space<semaphore_mem>>
      %dma_start3A = tpu.memref_slice %arg8[%mul3A_2] : memref<10240xf32, #tpu.memory_space<vmem_shared>> -> memref<640xf32, #tpu.memory_space<vmem_shared>>
      %dma_start3A_9 = tpu.memref_slice %arg4[%mul3A_2] : memref<10240xf32, #tpu.memory_space<hbm>> -> memref<640xf32, #tpu.memory_space<hbm>>
      tpu.enqueue_dma source(%dma_start3A_9 : memref<640xf32, #tpu.memory_space<hbm>>) target(%dma_start3A : memref<640xf32, #tpu.memory_space<vmem_shared>>) target_semaphore(%run_scoped3A : memref<!tpu.dma_semaphore, #tpu.memory_space<semaphore_mem>>)
      %dma_wait3A = tpu.memref_slice %arg8[%mul3A_2] : memref<10240xf32, #tpu.memory_space<vmem_shared>> -> memref<640xf32, #tpu.memory_space<vmem_shared>>
      %dma_wait3A_10 = tpu.memref_slice %arg4[%mul3A_2] : memref<10240xf32, #tpu.memory_space<hbm>> -> memref<640xf32, #tpu.memory_space<hbm>>
      tpu.wait_dma2 semaphore(%run_scoped3A : memref<!tpu.dma_semaphore, #tpu.memory_space<semaphore_mem>>) src(%dma_wait3A_10 : memref<640xf32, #tpu.memory_space<hbm>>) dst(%dma_wait3A : memref<640xf32, #tpu.memory_space<vmem_shared>>)
      tpu.yield
    }) : () -> ()
    "tpu.region"() ({
      %run_scoped3A = tpu.sem_alloc : memref<!tpu.dma_semaphore, #tpu.memory_space<semaphore_mem>>
      tpu.enqueue_dma source(%arg3 : memref<112xf32, #tpu.memory_space<hbm>>) target(%arg7 : memref<112xf32, #tpu.memory_space<vmem>>) target_semaphore(%run_scoped3A : memref<!tpu.dma_semaphore, #tpu.memory_space<semaphore_mem>>)
      tpu.wait_dma2 semaphore(%run_scoped3A : memref<!tpu.dma_semaphore, #tpu.memory_space<semaphore_mem>>) src(%arg3 : memref<112xf32, #tpu.memory_space<hbm>>) dst(%arg7 : memref<112xf32, #tpu.memory_space<vmem>>)
      tpu.yield
    }) : () -> ()
    "tpu.region"() ({
      %run_scoped3A = tpu.sem_alloc : memref<!tpu.dma_semaphore, #tpu.memory_space<semaphore_mem>>
      %dma_start3A = arith.constant 0 : i32
      %dma_start3A_9 = arith.constant 0 : i32
      %dma_start3A_10 = arith.constant 0 : i32
      %dma_start3A_11 = tpu.memref_slice %arg2[%add3A, %dma_start3A, %dma_start3A_9, %dma_start3A_10] : memref<32x90x2x112xi32, #tpu.memory_space<hbm>> -> memref<1x90x2x112xi32, #tpu.memory_space<hbm>>
      %dma_start3A_12 = tpu.memref_squeeze %dma_start3A_11 : memref<1x90x2x112xi32, #tpu.memory_space<hbm>> -> memref<90x2x112xi32, #tpu.memory_space<hbm>>
      %dma_start3A_13 = arith.constant 0 : i32
      %dma_start3A_14 = arith.constant 0 : i32
      %dma_start3A_15 = arith.constant 0 : i32
      %dma_start3A_16 = tpu.memref_slice %arg2[%add3A, %dma_start3A_13, %dma_start3A_14, %dma_start3A_15] : memref<32x90x2x112xi32, #tpu.memory_space<hbm>> -> memref<1x90x2x112xi32, #tpu.memory_space<hbm>>
      %dma_start3A_17 = tpu.memref_squeeze %dma_start3A_16 : memref<1x90x2x112xi32, #tpu.memory_space<hbm>> -> memref<90x2x112xi32, #tpu.memory_space<hbm>>
      tpu.enqueue_dma source(%dma_start3A_17 : memref<90x2x112xi32, #tpu.memory_space<hbm>>) target(%arg6 : memref<90x2x112xi32, #tpu.memory_space<vmem>>) target_semaphore(%run_scoped3A : memref<!tpu.dma_semaphore, #tpu.memory_space<semaphore_mem>>)
      %dma_wait3A = arith.constant 0 : i32
      %dma_wait3A_18 = arith.constant 0 : i32
      %dma_wait3A_19 = arith.constant 0 : i32
      %dma_wait3A_20 = tpu.memref_slice %arg2[%add3A, %dma_wait3A, %dma_wait3A_18, %dma_wait3A_19] : memref<32x90x2x112xi32, #tpu.memory_space<hbm>> -> memref<1x90x2x112xi32, #tpu.memory_space<hbm>>
      %dma_wait3A_21 = tpu.memref_squeeze %dma_wait3A_20 : memref<1x90x2x112xi32, #tpu.memory_space<hbm>> -> memref<90x2x112xi32, #tpu.memory_space<hbm>>
      %dma_wait3A_22 = arith.constant 0 : i32
      %dma_wait3A_23 = arith.constant 0 : i32
      %dma_wait3A_24 = arith.constant 0 : i32
      %dma_wait3A_25 = tpu.memref_slice %arg2[%add3A, %dma_wait3A_22, %dma_wait3A_23, %dma_wait3A_24] : memref<32x90x2x112xi32, #tpu.memory_space<hbm>> -> memref<1x90x2x112xi32, #tpu.memory_space<hbm>>
      %dma_wait3A_26 = tpu.memref_squeeze %dma_wait3A_25 : memref<1x90x2x112xi32, #tpu.memory_space<hbm>> -> memref<90x2x112xi32, #tpu.memory_space<hbm>>
      tpu.wait_dma2 semaphore(%run_scoped3A : memref<!tpu.dma_semaphore, #tpu.memory_space<semaphore_mem>>) src(%dma_wait3A_26 : memref<90x2x112xi32, #tpu.memory_space<hbm>>) dst(%arg6 : memref<90x2x112xi32, #tpu.memory_space<vmem>>)
      tpu.yield
    }) : () -> ()
    %barrier3A = arith.constant 0 : index
    tpu.barrier barrier_id(%barrier3A)
    %scan3A = arith.constant 0 : i32
    %scan3A_3 = arith.constant 0 : i32
    %scan3A_4 = arith.constant 90 : i32
    %scan3A_5 = arith.addi %scan3A_3, %scan3A_4 : i32
    %scan3A_6 = arith.constant 1 : i32
    scf.for %scan3A_9 = %scan3A_3 to %scan3A_5 step %scan3A_6  : i32 {
      %run_scoped3A = arith.constant 1 : i32
      "tpu.region"() ({
        %run_scoped3A_10 = tpu.sem_alloc : memref<!tpu.dma_semaphore, #tpu.memory_space<semaphore_mem>>
        %dma_start3A = arith.constant 0 : i32
        %dma_start3A_11 = tpu.memref_slice %arg6[%scan3A_9, %run_scoped3A, %dma_start3A] : memref<90x2x112xi32, #tpu.memory_space<vmem>> -> memref<1x1x112xi32, #tpu.memory_space<vmem>>
        %dma_start3A_12 = tpu.memref_squeeze %dma_start3A_11 : memref<1x1x112xi32, #tpu.memory_space<vmem>> -> memref<112xi32, #tpu.memory_space<vmem>>
        %dma_start3A_13 = arith.constant 0 : i32
        %dma_start3A_14 = tpu.memref_slice %arg8[%dma_start3A_13] : memref<10240xf32, #tpu.memory_space<vmem_shared>> -> memref<10240xf32, #tpu.memory_space<vmem_shared>>
        tpu.enqueue_indirect_dma source(%arg7 : memref<112xf32, #tpu.memory_space<vmem>>) target(%dma_start3A_14 : memref<10240xf32, #tpu.memory_space<vmem_shared>>) offsets(%dma_start3A_12 : memref<112xi32, #tpu.memory_space<vmem>>) semaphore(%run_scoped3A_10 : memref<!tpu.dma_semaphore, #tpu.memory_space<semaphore_mem>>) {add = true}
        %dma_wait3A = arith.constant 0 : i32
        %dma_wait3A_15 = tpu.memref_slice %arg6[%scan3A_9, %run_scoped3A, %dma_wait3A] : memref<90x2x112xi32, #tpu.memory_space<vmem>> -> memref<1x1x112xi32, #tpu.memory_space<vmem>>
        %dma_wait3A_16 = tpu.memref_squeeze %dma_wait3A_15 : memref<1x1x112xi32, #tpu.memory_space<vmem>> -> memref<112xi32, #tpu.memory_space<vmem>>
        %dma_wait3A_17 = arith.constant 0 : i32
        %dma_wait3A_18 = tpu.memref_slice %arg8[%dma_wait3A_17] : memref<10240xf32, #tpu.memory_space<vmem_shared>> -> memref<10240xf32, #tpu.memory_space<vmem_shared>>
        tpu.wait_indirect_dma semaphore(%run_scoped3A_10 : memref<!tpu.dma_semaphore, #tpu.memory_space<semaphore_mem>>) src(%arg7 : memref<112xf32, #tpu.memory_space<vmem>>) dst(%dma_wait3A_18 : memref<10240xf32, #tpu.memory_space<vmem_shared>>)
        tpu.yield
      }) : () -> ()
    }
    %scan3A_7 = arith.constant 90 : i32
    %barrier3A_8 = arith.constant 0 : index
    tpu.barrier barrier_id(%barrier3A_8)
    "tpu.region"() ({
      %run_scoped3A = tpu.sem_alloc : memref<!tpu.dma_semaphore, #tpu.memory_space<semaphore_mem>>
      %dma_start3A = tpu.memref_slice %arg5[%arg0, %mul3A_2] : memref<2x10240xf32, #tpu.memory_space<hbm>> -> memref<1x640xf32, #tpu.memory_space<hbm>>
      %dma_start3A_9 = tpu.memref_squeeze %dma_start3A : memref<1x640xf32, #tpu.memory_space<hbm>> -> memref<640xf32, #tpu.memory_space<hbm>>
      %dma_start3A_10 = tpu.memref_slice %arg8[%mul3A_2] : memref<10240xf32, #tpu.memory_space<vmem_shared>> -> memref<640xf32, #tpu.memory_space<vmem_shared>>
      tpu.enqueue_dma source(%dma_start3A_10 : memref<640xf32, #tpu.memory_space<vmem_shared>>) target(%dma_start3A_9 : memref<640xf32, #tpu.memory_space<hbm>>) target_semaphore(%run_scoped3A : memref<!tpu.dma_semaphore, #tpu.memory_space<semaphore_mem>>)
      %dma_wait3A = tpu.memref_slice %arg5[%arg0, %mul3A_2] : memref<2x10240xf32, #tpu.memory_space<hbm>> -> memref<1x640xf32, #tpu.memory_space<hbm>>
      %dma_wait3A_11 = tpu.memref_squeeze %dma_wait3A : memref<1x640xf32, #tpu.memory_space<hbm>> -> memref<640xf32, #tpu.memory_space<hbm>>
      %dma_wait3A_12 = tpu.memref_slice %arg8[%mul3A_2] : memref<10240xf32, #tpu.memory_space<vmem_shared>> -> memref<640xf32, #tpu.memory_space<vmem_shared>>
      tpu.wait_dma2 semaphore(%run_scoped3A : memref<!tpu.dma_semaphore, #tpu.memory_space<semaphore_mem>>) src(%dma_wait3A_12 : memref<640xf32, #tpu.memory_space<vmem_shared>>) dst(%dma_wait3A_11 : memref<640xf32, #tpu.memory_space<hbm>>)
      tpu.yield
    }) : () -> ()
    return
  }
}

#map = affine_map<(d0, d1) -> (0, 0)>
#map1 = affine_map<(d0, d1) -> (0, 0, 0, 0)>
#map2 = affine_map<(d0, d1) -> (0, 0, 0)>
module attributes {stable_mosaic.version = 14 : i64} {
  func.func @_msg_kernel(%arg0: i32, %arg1: i32, %arg2: memref<10240x128xf32, #tpu.memory_space<hbm>>, %arg3: memref<32x90x2x112xi32, #tpu.memory_space<hbm>>, %arg4: memref<10240x128xf32, #tpu.memory_space<hbm>>, %arg5: memref<2x10240x128xf32, #tpu.memory_space<hbm>>, %arg6: memref<4x3x2x112xi32, #tpu.memory_space<vmem>>, %arg7: memref<112x128xf32, #tpu.memory_space<vmem>>, %arg8: memref<112x128xf32, #tpu.memory_space<vmem>>, %arg9: memref<112x128xf32, #tpu.memory_space<vmem>>, %arg10: memref<10240x128xf32, #tpu.memory_space<vmem_shared>>, %arg11: memref<!tpu.dma_semaphore, #tpu.memory_space<semaphore_mem>>, %arg12: memref<!tpu.dma_semaphore, #tpu.memory_space<semaphore_mem>>, %arg13: memref<!tpu.dma_semaphore, #tpu.memory_space<semaphore_mem>>, %arg14: memref<!tpu.dma_semaphore, #tpu.memory_space<semaphore_mem>>, %arg15: memref<!tpu.dma_semaphore, #tpu.memory_space<semaphore_mem>>, %arg16: memref<!tpu.dma_semaphore, #tpu.memory_space<semaphore_mem>>, %arg17: memref<!tpu.dma_semaphore, #tpu.memory_space<semaphore_mem>>) attributes {dimension_semantics = [#tpu.dimension_semantics<core_parallel>, #tpu.dimension_semantics<subcore_parallel>], iteration_bounds = array<i64: 2, 16>, scalar_prefetch = 0 : i64, scratch_operands = 12 : i64, tpu.core_type = #tpu.core_type<sc_vector_subcore>, window_params = [{transform_indices = #map}, {transform_indices = #map1}, {transform_indices = #map}, {transform_indices = #map2}]} {
    %mul3A = arith.constant 16 : i32
    %mul3A_0 = arith.muli %arg0, %mul3A : i32
    %add3A = arith.addi %mul3A_0, %arg1 : i32
    %mul3A_1 = arith.constant 640 : i32
    %mul3A_2 = arith.muli %arg1, %mul3A_1 : i32
    "tpu.region"() ({
      %run_scoped3A_35 = tpu.sem_alloc : memref<!tpu.dma_semaphore, #tpu.memory_space<semaphore_mem>>
      %dma_start3A = arith.constant 0 : i32
      %dma_start3A_36 = tpu.memref_slice %arg10[%mul3A_2, %dma_start3A] : memref<10240x128xf32, #tpu.memory_space<vmem_shared>> -> memref<640x128xf32, #tpu.memory_space<vmem_shared>>
      %dma_start3A_37 = arith.constant 0 : i32
      %dma_start3A_38 = tpu.memref_slice %arg4[%mul3A_2, %dma_start3A_37] : memref<10240x128xf32, #tpu.memory_space<hbm>> -> memref<640x128xf32, #tpu.memory_space<hbm>>
      tpu.enqueue_dma source(%dma_start3A_38 : memref<640x128xf32, #tpu.memory_space<hbm>>) target(%dma_start3A_36 : memref<640x128xf32, #tpu.memory_space<vmem_shared>>) target_semaphore(%run_scoped3A_35 : memref<!tpu.dma_semaphore, #tpu.memory_space<semaphore_mem>>)
      %dma_wait3A_39 = arith.constant 0 : i32
      %dma_wait3A_40 = tpu.memref_slice %arg10[%mul3A_2, %dma_wait3A_39] : memref<10240x128xf32, #tpu.memory_space<vmem_shared>> -> memref<640x128xf32, #tpu.memory_space<vmem_shared>>
      %dma_wait3A_41 = arith.constant 0 : i32
      %dma_wait3A_42 = tpu.memref_slice %arg4[%mul3A_2, %dma_wait3A_41] : memref<10240x128xf32, #tpu.memory_space<hbm>> -> memref<640x128xf32, #tpu.memory_space<hbm>>
      tpu.wait_dma2 semaphore(%run_scoped3A_35 : memref<!tpu.dma_semaphore, #tpu.memory_space<semaphore_mem>>) src(%dma_wait3A_42 : memref<640x128xf32, #tpu.memory_space<hbm>>) dst(%dma_wait3A_40 : memref<640x128xf32, #tpu.memory_space<vmem_shared>>)
      tpu.yield
    }) : () -> ()
    %run_scoped3A = arith.constant 0 : i32
    "tpu.region"() ({
      %run_scoped3A_35 = tpu.sem_alloc : memref<!tpu.dma_semaphore, #tpu.memory_space<semaphore_mem>>
      %dma_start3A = arith.constant 0 : i32
      %dma_start3A_36 = arith.constant 0 : i32
      %dma_start3A_37 = arith.constant 0 : i32
      %dma_start3A_38 = tpu.memref_slice %arg6[%run_scoped3A, %dma_start3A, %dma_start3A_36, %dma_start3A_37] : memref<4x3x2x112xi32, #tpu.memory_space<vmem>> -> memref<1x3x2x112xi32, #tpu.memory_space<vmem>>
      %dma_start3A_39 = tpu.memref_squeeze %dma_start3A_38 : memref<1x3x2x112xi32, #tpu.memory_space<vmem>> -> memref<3x2x112xi32, #tpu.memory_space<vmem>>
      %dma_start3A_40 = arith.constant 0 : i32
      %dma_start3A_41 = arith.constant 0 : i32
      %dma_start3A_42 = arith.constant 0 : i32
      %dma_start3A_43 = tpu.memref_slice %arg3[%add3A, %dma_start3A_40, %dma_start3A_41, %dma_start3A_42] : memref<32x90x2x112xi32, #tpu.memory_space<hbm>> -> memref<1x3x2x112xi32, #tpu.memory_space<hbm>>
      %dma_start3A_44 = tpu.memref_squeeze %dma_start3A_43 : memref<1x3x2x112xi32, #tpu.memory_space<hbm>> -> memref<3x2x112xi32, #tpu.memory_space<hbm>>
      %dma_start3A_45 = arith.constant 0 : i32
      %dma_start3A_46 = arith.constant 0 : i32
      %dma_start3A_47 = arith.constant 0 : i32
      %dma_start3A_48 = tpu.memref_slice %arg6[%run_scoped3A, %dma_start3A_45, %dma_start3A_46, %dma_start3A_47] : memref<4x3x2x112xi32, #tpu.memory_space<vmem>> -> memref<1x3x2x112xi32, #tpu.memory_space<vmem>>
      %dma_start3A_49 = tpu.memref_squeeze %dma_start3A_48 : memref<1x3x2x112xi32, #tpu.memory_space<vmem>> -> memref<3x2x112xi32, #tpu.memory_space<vmem>>
      %dma_start3A_50 = arith.constant 0 : i32
      %dma_start3A_51 = arith.constant 0 : i32
      %dma_start3A_52 = arith.constant 0 : i32
      %dma_start3A_53 = tpu.memref_slice %arg3[%add3A, %dma_start3A_50, %dma_start3A_51, %dma_start3A_52] : memref<32x90x2x112xi32, #tpu.memory_space<hbm>> -> memref<1x3x2x112xi32, #tpu.memory_space<hbm>>
      %dma_start3A_54 = tpu.memref_squeeze %dma_start3A_53 : memref<1x3x2x112xi32, #tpu.memory_space<hbm>> -> memref<3x2x112xi32, #tpu.memory_space<hbm>>
      tpu.enqueue_dma source(%dma_start3A_54 : memref<3x2x112xi32, #tpu.memory_space<hbm>>) target(%dma_start3A_49 : memref<3x2x112xi32, #tpu.memory_space<vmem>>) target_semaphore(%run_scoped3A_35 : memref<!tpu.dma_semaphore, #tpu.memory_space<semaphore_mem>>)
      %dma_wait3A_55 = arith.constant 0 : i32
      %dma_wait3A_56 = arith.constant 0 : i32
      %dma_wait3A_57 = arith.constant 0 : i32
      %dma_wait3A_58 = tpu.memref_slice %arg6[%run_scoped3A, %dma_wait3A_55, %dma_wait3A_56, %dma_wait3A_57] : memref<4x3x2x112xi32, #tpu.memory_space<vmem>> -> memref<1x3x2x112xi32, #tpu.memory_space<vmem>>
      %dma_wait3A_59 = tpu.memref_squeeze %dma_wait3A_58 : memref<1x3x2x112xi32, #tpu.memory_space<vmem>> -> memref<3x2x112xi32, #tpu.memory_space<vmem>>
      %dma_wait3A_60 = arith.constant 0 : i32
      %dma_wait3A_61 = arith.constant 0 : i32
      %dma_wait3A_62 = arith.constant 0 : i32
      %dma_wait3A_63 = tpu.memref_slice %arg3[%add3A, %dma_wait3A_60, %dma_wait3A_61, %dma_wait3A_62] : memref<32x90x2x112xi32, #tpu.memory_space<hbm>> -> memref<1x3x2x112xi32, #tpu.memory_space<hbm>>
      %dma_wait3A_64 = tpu.memref_squeeze %dma_wait3A_63 : memref<1x3x2x112xi32, #tpu.memory_space<hbm>> -> memref<3x2x112xi32, #tpu.memory_space<hbm>>
      %dma_wait3A_65 = arith.constant 0 : i32
      %dma_wait3A_66 = arith.constant 0 : i32
      %dma_wait3A_67 = arith.constant 0 : i32
      %dma_wait3A_68 = tpu.memref_slice %arg6[%run_scoped3A, %dma_wait3A_65, %dma_wait3A_66, %dma_wait3A_67] : memref<4x3x2x112xi32, #tpu.memory_space<vmem>> -> memref<1x3x2x112xi32, #tpu.memory_space<vmem>>
      %dma_wait3A_69 = tpu.memref_squeeze %dma_wait3A_68 : memref<1x3x2x112xi32, #tpu.memory_space<vmem>> -> memref<3x2x112xi32, #tpu.memory_space<vmem>>
      %dma_wait3A_70 = arith.constant 0 : i32
      %dma_wait3A_71 = arith.constant 0 : i32
      %dma_wait3A_72 = arith.constant 0 : i32
      %dma_wait3A_73 = tpu.memref_slice %arg3[%add3A, %dma_wait3A_70, %dma_wait3A_71, %dma_wait3A_72] : memref<32x90x2x112xi32, #tpu.memory_space<hbm>> -> memref<1x3x2x112xi32, #tpu.memory_space<hbm>>
      %dma_wait3A_74 = tpu.memref_squeeze %dma_wait3A_73 : memref<1x3x2x112xi32, #tpu.memory_space<hbm>> -> memref<3x2x112xi32, #tpu.memory_space<hbm>>
      tpu.wait_dma2 semaphore(%run_scoped3A_35 : memref<!tpu.dma_semaphore, #tpu.memory_space<semaphore_mem>>) src(%dma_wait3A_74 : memref<3x2x112xi32, #tpu.memory_space<hbm>>) dst(%dma_wait3A_69 : memref<3x2x112xi32, #tpu.memory_space<vmem>>)
      tpu.yield
    }) : () -> ()
    %barrier3A = arith.constant 0 : index
    tpu.barrier barrier_id(%barrier3A)
    %scan3A = arith.constant 0 : i32
    %scan3A_3 = arith.constant 0 : i32
    %scan3A_4 = arith.constant 30 : i32
    %scan3A_5 = arith.addi %scan3A_3, %scan3A_4 : i32
    %scan3A_6 = arith.constant 1 : i32
    scf.for %scan3A_35 = %scan3A_3 to %scan3A_5 step %scan3A_6  : i32 {
      %rem3A = arith.constant 4 : i32
      %rem3A_36 = arith.remsi %scan3A_35, %rem3A : i32
      %add3A_37 = arith.constant 1 : i32
      %add3A_38 = arith.addi %scan3A_35, %add3A_37 : i32
      %rem3A_39 = arith.constant 4 : i32
      %rem3A_40 = arith.remsi %add3A_38, %rem3A_39 : i32
      %add3A_41 = arith.constant 3 : i32
      %add3A_42 = arith.addi %scan3A_35, %add3A_41 : i32
      %rem3A_43 = arith.constant 4 : i32
      %rem3A_44 = arith.remsi %add3A_42, %rem3A_43 : i32
      %gt3A = arith.constant 0 : i32
      %gt3A_45 = arith.cmpi sgt, %scan3A_35, %gt3A : i32
      %convert_element_type3A = arith.extui %gt3A_45 : i1 to i32
      %cond3A = arith.constant 0 : i32
      %cond3A_46 = arith.cmpi ne, %convert_element_type3A, %cond3A : i32
      scf.if %cond3A_46 {
        %mul3A_139 = arith.constant 3 : i32
        %mul3A_140 = arith.muli %scan3A_35, %mul3A_139 : i32
        %dma_wait3A_141 = arith.constant 0 : i32
        %dma_wait3A_142 = arith.constant 0 : i32
        %dma_wait3A_143 = arith.constant 0 : i32
        %dma_wait3A_144 = tpu.memref_slice %arg6[%rem3A_36, %dma_wait3A_141, %dma_wait3A_142, %dma_wait3A_143] : memref<4x3x2x112xi32, #tpu.memory_space<vmem>> -> memref<1x3x2x112xi32, #tpu.memory_space<vmem>>
        %dma_wait3A_145 = tpu.memref_squeeze %dma_wait3A_144 : memref<1x3x2x112xi32, #tpu.memory_space<vmem>> -> memref<3x2x112xi32, #tpu.memory_space<vmem>>
        %dma_wait3A_146 = arith.constant 0 : i32
        %dma_wait3A_147 = arith.constant 0 : i32
        %dma_wait3A_148 = tpu.memref_slice %arg3[%add3A, %mul3A_140, %dma_wait3A_146, %dma_wait3A_147] : memref<32x90x2x112xi32, #tpu.memory_space<hbm>> -> memref<1x3x2x112xi32, #tpu.memory_space<hbm>>
        %dma_wait3A_149 = tpu.memref_squeeze %dma_wait3A_148 : memref<1x3x2x112xi32, #tpu.memory_space<hbm>> -> memref<3x2x112xi32, #tpu.memory_space<hbm>>
        %dma_wait3A_150 = arith.constant 0 : i32
        %dma_wait3A_151 = arith.constant 0 : i32
        %dma_wait3A_152 = arith.constant 0 : i32
        %dma_wait3A_153 = tpu.memref_slice %arg6[%rem3A_36, %dma_wait3A_150, %dma_wait3A_151, %dma_wait3A_152] : memref<4x3x2x112xi32, #tpu.memory_space<vmem>> -> memref<1x3x2x112xi32, #tpu.memory_space<vmem>>
        %dma_wait3A_154 = tpu.memref_squeeze %dma_wait3A_153 : memref<1x3x2x112xi32, #tpu.memory_space<vmem>> -> memref<3x2x112xi32, #tpu.memory_space<vmem>>
        %dma_wait3A_155 = arith.constant 0 : i32
        %dma_wait3A_156 = arith.constant 0 : i32
        %dma_wait3A_157 = tpu.memref_slice %arg3[%add3A, %mul3A_140, %dma_wait3A_155, %dma_wait3A_156] : memref<32x90x2x112xi32, #tpu.memory_space<hbm>> -> memref<1x3x2x112xi32, #tpu.memory_space<hbm>>
        %dma_wait3A_158 = tpu.memref_squeeze %dma_wait3A_157 : memref<1x3x2x112xi32, #tpu.memory_space<hbm>> -> memref<3x2x112xi32, #tpu.memory_space<hbm>>
        tpu.wait_dma2 semaphore(%arg17 : memref<!tpu.dma_semaphore, #tpu.memory_space<semaphore_mem>>) src(%dma_wait3A_158 : memref<3x2x112xi32, #tpu.memory_space<hbm>>) dst(%dma_wait3A_154 : memref<3x2x112xi32, #tpu.memory_space<vmem>>)
      } else {
      }
      %add3A_47 = arith.constant 1 : i32
      %add3A_48 = arith.addi %scan3A_35, %add3A_47 : i32
      %lt3A = arith.constant 30 : i32
      %lt3A_49 = arith.cmpi slt, %add3A_48, %lt3A : i32
      %convert_element_type3A_50 = arith.extui %lt3A_49 : i1 to i32
      %cond3A_51 = arith.constant 0 : i32
      %cond3A_52 = arith.cmpi ne, %convert_element_type3A_50, %cond3A_51 : i32
      scf.if %cond3A_52 {
        %add3A_139 = arith.constant 1 : i32
        %add3A_140 = arith.addi %scan3A_35, %add3A_139 : i32
        %mul3A_141 = arith.constant 3 : i32
        %mul3A_142 = arith.muli %add3A_140, %mul3A_141 : i32
        %dma_start3A_143 = arith.constant 0 : i32
        %dma_start3A_144 = arith.constant 0 : i32
        %dma_start3A_145 = arith.constant 0 : i32
        %dma_start3A_146 = tpu.memref_slice %arg6[%rem3A_40, %dma_start3A_143, %dma_start3A_144, %dma_start3A_145] : memref<4x3x2x112xi32, #tpu.memory_space<vmem>> -> memref<1x3x2x112xi32, #tpu.memory_space<vmem>>
        %dma_start3A_147 = tpu.memref_squeeze %dma_start3A_146 : memref<1x3x2x112xi32, #tpu.memory_space<vmem>> -> memref<3x2x112xi32, #tpu.memory_space<vmem>>
        %dma_start3A_148 = arith.constant 0 : i32
        %dma_start3A_149 = arith.constant 0 : i32
        %dma_start3A_150 = tpu.memref_slice %arg3[%add3A, %mul3A_142, %dma_start3A_148, %dma_start3A_149] : memref<32x90x2x112xi32, #tpu.memory_space<hbm>> -> memref<1x3x2x112xi32, #tpu.memory_space<hbm>>
        %dma_start3A_151 = tpu.memref_squeeze %dma_start3A_150 : memref<1x3x2x112xi32, #tpu.memory_space<hbm>> -> memref<3x2x112xi32, #tpu.memory_space<hbm>>
        %dma_start3A_152 = arith.constant 0 : i32
        %dma_start3A_153 = arith.constant 0 : i32
        %dma_start3A_154 = arith.constant 0 : i32
        %dma_start3A_155 = tpu.memref_slice %arg6[%rem3A_40, %dma_start3A_152, %dma_start3A_153, %dma_start3A_154] : memref<4x3x2x112xi32, #tpu.memory_space<vmem>> -> memref<1x3x2x112xi32, #tpu.memory_space<vmem>>
        %dma_start3A_156 = tpu.memref_squeeze %dma_start3A_155 : memref<1x3x2x112xi32, #tpu.memory_space<vmem>> -> memref<3x2x112xi32, #tpu.memory_space<vmem>>
        %dma_start3A_157 = arith.constant 0 : i32
        %dma_start3A_158 = arith.constant 0 : i32
        %dma_start3A_159 = tpu.memref_slice %arg3[%add3A, %mul3A_142, %dma_start3A_157, %dma_start3A_158] : memref<32x90x2x112xi32, #tpu.memory_space<hbm>> -> memref<1x3x2x112xi32, #tpu.memory_space<hbm>>
        %dma_start3A_160 = tpu.memref_squeeze %dma_start3A_159 : memref<1x3x2x112xi32, #tpu.memory_space<hbm>> -> memref<3x2x112xi32, #tpu.memory_space<hbm>>
        tpu.enqueue_dma source(%dma_start3A_160 : memref<3x2x112xi32, #tpu.memory_space<hbm>>) target(%dma_start3A_156 : memref<3x2x112xi32, #tpu.memory_space<vmem>>) target_semaphore(%arg17 : memref<!tpu.dma_semaphore, #tpu.memory_space<semaphore_mem>>)
      } else {
      }
      %gt3A_53 = arith.constant 0 : i32
      %gt3A_54 = arith.cmpi sgt, %scan3A_35, %gt3A_53 : i32
      %convert_element_type3A_55 = arith.extui %gt3A_54 : i1 to i32
      %cond3A_56 = arith.constant 0 : i32
      %cond3A_57 = arith.cmpi ne, %convert_element_type3A_55, %cond3A_56 : i32
      scf.if %cond3A_57 {
        %dma_wait3A_139 = arith.constant 0 : i32
        %dma_wait3A_140 = arith.constant 1 : i32
        %dma_wait3A_141 = arith.constant 0 : i32
        %dma_wait3A_142 = tpu.memref_slice %arg6[%rem3A_44, %dma_wait3A_139, %dma_wait3A_140, %dma_wait3A_141] : memref<4x3x2x112xi32, #tpu.memory_space<vmem>> -> memref<1x1x1x112xi32, #tpu.memory_space<vmem>>
        %dma_wait3A_143 = tpu.memref_squeeze %dma_wait3A_142 : memref<1x1x1x112xi32, #tpu.memory_space<vmem>> -> memref<112xi32, #tpu.memory_space<vmem>>
        %dma_wait3A_144 = arith.constant 0 : i32
        %dma_wait3A_145 = arith.constant 0 : i32
        %dma_wait3A_146 = tpu.memref_slice %arg10[%dma_wait3A_144, %dma_wait3A_145] : memref<10240x128xf32, #tpu.memory_space<vmem_shared>> -> memref<10240x128xf32, #tpu.memory_space<vmem_shared>>
        tpu.wait_indirect_dma semaphore(%arg14 : memref<!tpu.dma_semaphore, #tpu.memory_space<semaphore_mem>>) src(%arg7 : memref<112x128xf32, #tpu.memory_space<vmem>>) dst(%dma_wait3A_146 : memref<10240x128xf32, #tpu.memory_space<vmem_shared>>)
      } else {
      }
      %dma_start3A = arith.constant 0 : i32
      %dma_start3A_58 = arith.constant 0 : i32
      %dma_start3A_59 = arith.constant 0 : i32
      %dma_start3A_60 = tpu.memref_slice %arg6[%rem3A_36, %dma_start3A, %dma_start3A_58, %dma_start3A_59] : memref<4x3x2x112xi32, #tpu.memory_space<vmem>> -> memref<1x1x1x112xi32, #tpu.memory_space<vmem>>
      %dma_start3A_61 = tpu.memref_squeeze %dma_start3A_60 : memref<1x1x1x112xi32, #tpu.memory_space<vmem>> -> memref<112xi32, #tpu.memory_space<vmem>>
      %dma_start3A_62 = arith.constant 0 : i32
      %dma_start3A_63 = arith.constant 0 : i32
      %dma_start3A_64 = tpu.memref_slice %arg2[%dma_start3A_62, %dma_start3A_63] : memref<10240x128xf32, #tpu.memory_space<hbm>> -> memref<10240x128xf32, #tpu.memory_space<hbm>>
      tpu.enqueue_indirect_dma source(%dma_start3A_64 : memref<10240x128xf32, #tpu.memory_space<hbm>>) target(%arg7 : memref<112x128xf32, #tpu.memory_space<vmem>>) offsets(%dma_start3A_61 : memref<112xi32, #tpu.memory_space<vmem>>) semaphore(%arg11 : memref<!tpu.dma_semaphore, #tpu.memory_space<semaphore_mem>>)
      %gt3A_65 = arith.constant 0 : i32
      %gt3A_66 = arith.cmpi sgt, %scan3A_35, %gt3A_65 : i32
      %convert_element_type3A_67 = arith.extui %gt3A_66 : i1 to i32
      %cond3A_68 = arith.constant 0 : i32
      %cond3A_69 = arith.cmpi ne, %convert_element_type3A_67, %cond3A_68 : i32
      scf.if %cond3A_69 {
        %dma_wait3A_139 = arith.constant 1 : i32
        %dma_wait3A_140 = arith.constant 1 : i32
        %dma_wait3A_141 = arith.constant 0 : i32
        %dma_wait3A_142 = tpu.memref_slice %arg6[%rem3A_44, %dma_wait3A_139, %dma_wait3A_140, %dma_wait3A_141] : memref<4x3x2x112xi32, #tpu.memory_space<vmem>> -> memref<1x1x1x112xi32, #tpu.memory_space<vmem>>
        %dma_wait3A_143 = tpu.memref_squeeze %dma_wait3A_142 : memref<1x1x1x112xi32, #tpu.memory_space<vmem>> -> memref<112xi32, #tpu.memory_space<vmem>>
        %dma_wait3A_144 = arith.constant 0 : i32
        %dma_wait3A_145 = arith.constant 0 : i32
        %dma_wait3A_146 = tpu.memref_slice %arg10[%dma_wait3A_144, %dma_wait3A_145] : memref<10240x128xf32, #tpu.memory_space<vmem_shared>> -> memref<10240x128xf32, #tpu.memory_space<vmem_shared>>
        tpu.wait_indirect_dma semaphore(%arg15 : memref<!tpu.dma_semaphore, #tpu.memory_space<semaphore_mem>>) src(%arg8 : memref<112x128xf32, #tpu.memory_space<vmem>>) dst(%dma_wait3A_146 : memref<10240x128xf32, #tpu.memory_space<vmem_shared>>)
      } else {
      }
      %dma_start3A_70 = arith.constant 1 : i32
      %dma_start3A_71 = arith.constant 0 : i32
      %dma_start3A_72 = arith.constant 0 : i32
      %dma_start3A_73 = tpu.memref_slice %arg6[%rem3A_36, %dma_start3A_70, %dma_start3A_71, %dma_start3A_72] : memref<4x3x2x112xi32, #tpu.memory_space<vmem>> -> memref<1x1x1x112xi32, #tpu.memory_space<vmem>>
      %dma_start3A_74 = tpu.memref_squeeze %dma_start3A_73 : memref<1x1x1x112xi32, #tpu.memory_space<vmem>> -> memref<112xi32, #tpu.memory_space<vmem>>
      %dma_start3A_75 = arith.constant 0 : i32
      %dma_start3A_76 = arith.constant 0 : i32
      %dma_start3A_77 = tpu.memref_slice %arg2[%dma_start3A_75, %dma_start3A_76] : memref<10240x128xf32, #tpu.memory_space<hbm>> -> memref<10240x128xf32, #tpu.memory_space<hbm>>
      tpu.enqueue_indirect_dma source(%dma_start3A_77 : memref<10240x128xf32, #tpu.memory_space<hbm>>) target(%arg8 : memref<112x128xf32, #tpu.memory_space<vmem>>) offsets(%dma_start3A_74 : memref<112xi32, #tpu.memory_space<vmem>>) semaphore(%arg12 : memref<!tpu.dma_semaphore, #tpu.memory_space<semaphore_mem>>)
      %gt3A_78 = arith.constant 0 : i32
      %gt3A_79 = arith.cmpi sgt, %scan3A_35, %gt3A_78 : i32
      %convert_element_type3A_80 = arith.extui %gt3A_79 : i1 to i32
      %cond3A_81 = arith.constant 0 : i32
      %cond3A_82 = arith.cmpi ne, %convert_element_type3A_80, %cond3A_81 : i32
      scf.if %cond3A_82 {
        %dma_wait3A_139 = arith.constant 2 : i32
        %dma_wait3A_140 = arith.constant 1 : i32
        %dma_wait3A_141 = arith.constant 0 : i32
        %dma_wait3A_142 = tpu.memref_slice %arg6[%rem3A_44, %dma_wait3A_139, %dma_wait3A_140, %dma_wait3A_141] : memref<4x3x2x112xi32, #tpu.memory_space<vmem>> -> memref<1x1x1x112xi32, #tpu.memory_space<vmem>>
        %dma_wait3A_143 = tpu.memref_squeeze %dma_wait3A_142 : memref<1x1x1x112xi32, #tpu.memory_space<vmem>> -> memref<112xi32, #tpu.memory_space<vmem>>
        %dma_wait3A_144 = arith.constant 0 : i32
        %dma_wait3A_145 = arith.constant 0 : i32
        %dma_wait3A_146 = tpu.memref_slice %arg10[%dma_wait3A_144, %dma_wait3A_145] : memref<10240x128xf32, #tpu.memory_space<vmem_shared>> -> memref<10240x128xf32, #tpu.memory_space<vmem_shared>>
        tpu.wait_indirect_dma semaphore(%arg16 : memref<!tpu.dma_semaphore, #tpu.memory_space<semaphore_mem>>) src(%arg9 : memref<112x128xf32, #tpu.memory_space<vmem>>) dst(%dma_wait3A_146 : memref<10240x128xf32, #tpu.memory_space<vmem_shared>>)
      } else {
      }
      %dma_start3A_83 = arith.constant 2 : i32
      %dma_start3A_84 = arith.constant 0 : i32
      %dma_start3A_85 = arith.constant 0 : i32
      %dma_start3A_86 = tpu.memref_slice %arg6[%rem3A_36, %dma_start3A_83, %dma_start3A_84, %dma_start3A_85] : memref<4x3x2x112xi32, #tpu.memory_space<vmem>> -> memref<1x1x1x112xi32, #tpu.memory_space<vmem>>
      %dma_start3A_87 = tpu.memref_squeeze %dma_start3A_86 : memref<1x1x1x112xi32, #tpu.memory_space<vmem>> -> memref<112xi32, #tpu.memory_space<vmem>>
      %dma_start3A_88 = arith.constant 0 : i32
      %dma_start3A_89 = arith.constant 0 : i32
      %dma_start3A_90 = tpu.memref_slice %arg2[%dma_start3A_88, %dma_start3A_89] : memref<10240x128xf32, #tpu.memory_space<hbm>> -> memref<10240x128xf32, #tpu.memory_space<hbm>>
      tpu.enqueue_indirect_dma source(%dma_start3A_90 : memref<10240x128xf32, #tpu.memory_space<hbm>>) target(%arg9 : memref<112x128xf32, #tpu.memory_space<vmem>>) offsets(%dma_start3A_87 : memref<112xi32, #tpu.memory_space<vmem>>) semaphore(%arg13 : memref<!tpu.dma_semaphore, #tpu.memory_space<semaphore_mem>>)
      %dma_wait3A_91 = arith.constant 0 : i32
      %dma_wait3A_92 = arith.constant 0 : i32
      %dma_wait3A_93 = arith.constant 0 : i32
      %dma_wait3A_94 = tpu.memref_slice %arg6[%rem3A_36, %dma_wait3A_91, %dma_wait3A_92, %dma_wait3A_93] : memref<4x3x2x112xi32, #tpu.memory_space<vmem>> -> memref<1x1x1x112xi32, #tpu.memory_space<vmem>>
      %dma_wait3A_95 = tpu.memref_squeeze %dma_wait3A_94 : memref<1x1x1x112xi32, #tpu.memory_space<vmem>> -> memref<112xi32, #tpu.memory_space<vmem>>
      %dma_wait3A_96 = arith.constant 0 : i32
      %dma_wait3A_97 = arith.constant 0 : i32
      %dma_wait3A_98 = tpu.memref_slice %arg2[%dma_wait3A_96, %dma_wait3A_97] : memref<10240x128xf32, #tpu.memory_space<hbm>> -> memref<10240x128xf32, #tpu.memory_space<hbm>>
      tpu.wait_indirect_dma semaphore(%arg11 : memref<!tpu.dma_semaphore, #tpu.memory_space<semaphore_mem>>) src(%dma_wait3A_98 : memref<10240x128xf32, #tpu.memory_space<hbm>>) dst(%arg7 : memref<112x128xf32, #tpu.memory_space<vmem>>)
      %dma_start3A_99 = arith.constant 0 : i32
      %dma_start3A_100 = arith.constant 1 : i32
      %dma_start3A_101 = arith.constant 0 : i32
      %dma_start3A_102 = tpu.memref_slice %arg6[%rem3A_36, %dma_start3A_99, %dma_start3A_100, %dma_start3A_101] : memref<4x3x2x112xi32, #tpu.memory_space<vmem>> -> memref<1x1x1x112xi32, #tpu.memory_space<vmem>>
      %dma_start3A_103 = tpu.memref_squeeze %dma_start3A_102 : memref<1x1x1x112xi32, #tpu.memory_space<vmem>> -> memref<112xi32, #tpu.memory_space<vmem>>
      %dma_start3A_104 = arith.constant 0 : i32
      %dma_start3A_105 = arith.constant 0 : i32
      %dma_start3A_106 = tpu.memref_slice %arg10[%dma_start3A_104, %dma_start3A_105] : memref<10240x128xf32, #tpu.memory_space<vmem_shared>> -> memref<10240x128xf32, #tpu.memory_space<vmem_shared>>
      tpu.enqueue_indirect_dma source(%arg7 : memref<112x128xf32, #tpu.memory_space<vmem>>) target(%dma_start3A_106 : memref<10240x128xf32, #tpu.memory_space<vmem_shared>>) offsets(%dma_start3A_103 : memref<112xi32, #tpu.memory_space<vmem>>) semaphore(%arg14 : memref<!tpu.dma_semaphore, #tpu.memory_space<semaphore_mem>>) {add = true}
      %dma_wait3A_107 = arith.constant 1 : i32
      %dma_wait3A_108 = arith.constant 0 : i32
      %dma_wait3A_109 = arith.constant 0 : i32
      %dma_wait3A_110 = tpu.memref_slice %arg6[%rem3A_36, %dma_wait3A_107, %dma_wait3A_108, %dma_wait3A_109] : memref<4x3x2x112xi32, #tpu.memory_space<vmem>> -> memref<1x1x1x112xi32, #tpu.memory_space<vmem>>
      %dma_wait3A_111 = tpu.memref_squeeze %dma_wait3A_110 : memref<1x1x1x112xi32, #tpu.memory_space<vmem>> -> memref<112xi32, #tpu.memory_space<vmem>>
      %dma_wait3A_112 = arith.constant 0 : i32
      %dma_wait3A_113 = arith.constant 0 : i32
      %dma_wait3A_114 = tpu.memref_slice %arg2[%dma_wait3A_112, %dma_wait3A_113] : memref<10240x128xf32, #tpu.memory_space<hbm>> -> memref<10240x128xf32, #tpu.memory_space<hbm>>
      tpu.wait_indirect_dma semaphore(%arg12 : memref<!tpu.dma_semaphore, #tpu.memory_space<semaphore_mem>>) src(%dma_wait3A_114 : memref<10240x128xf32, #tpu.memory_space<hbm>>) dst(%arg8 : memref<112x128xf32, #tpu.memory_space<vmem>>)
      %dma_start3A_115 = arith.constant 1 : i32
      %dma_start3A_116 = arith.constant 1 : i32
      %dma_start3A_117 = arith.constant 0 : i32
      %dma_start3A_118 = tpu.memref_slice %arg6[%rem3A_36, %dma_start3A_115, %dma_start3A_116, %dma_start3A_117] : memref<4x3x2x112xi32, #tpu.memory_space<vmem>> -> memref<1x1x1x112xi32, #tpu.memory_space<vmem>>
      %dma_start3A_119 = tpu.memref_squeeze %dma_start3A_118 : memref<1x1x1x112xi32, #tpu.memory_space<vmem>> -> memref<112xi32, #tpu.memory_space<vmem>>
      %dma_start3A_120 = arith.constant 0 : i32
      %dma_start3A_121 = arith.constant 0 : i32
      %dma_start3A_122 = tpu.memref_slice %arg10[%dma_start3A_120, %dma_start3A_121] : memref<10240x128xf32, #tpu.memory_space<vmem_shared>> -> memref<10240x128xf32, #tpu.memory_space<vmem_shared>>
      tpu.enqueue_indirect_dma source(%arg8 : memref<112x128xf32, #tpu.memory_space<vmem>>) target(%dma_start3A_122 : memref<10240x128xf32, #tpu.memory_space<vmem_shared>>) offsets(%dma_start3A_119 : memref<112xi32, #tpu.memory_space<vmem>>) semaphore(%arg15 : memref<!tpu.dma_semaphore, #tpu.memory_space<semaphore_mem>>) {add = true}
      %dma_wait3A_123 = arith.constant 2 : i32
      %dma_wait3A_124 = arith.constant 0 : i32
      %dma_wait3A_125 = arith.constant 0 : i32
      %dma_wait3A_126 = tpu.memref_slice %arg6[%rem3A_36, %dma_wait3A_123, %dma_wait3A_124, %dma_wait3A_125] : memref<4x3x2x112xi32, #tpu.memory_space<vmem>> -> memref<1x1x1x112xi32, #tpu.memory_space<vmem>>
      %dma_wait3A_127 = tpu.memref_squeeze %dma_wait3A_126 : memref<1x1x1x112xi32, #tpu.memory_space<vmem>> -> memref<112xi32, #tpu.memory_space<vmem>>
      %dma_wait3A_128 = arith.constant 0 : i32
      %dma_wait3A_129 = arith.constant 0 : i32
      %dma_wait3A_130 = tpu.memref_slice %arg2[%dma_wait3A_128, %dma_wait3A_129] : memref<10240x128xf32, #tpu.memory_space<hbm>> -> memref<10240x128xf32, #tpu.memory_space<hbm>>
      tpu.wait_indirect_dma semaphore(%arg13 : memref<!tpu.dma_semaphore, #tpu.memory_space<semaphore_mem>>) src(%dma_wait3A_130 : memref<10240x128xf32, #tpu.memory_space<hbm>>) dst(%arg9 : memref<112x128xf32, #tpu.memory_space<vmem>>)
      %dma_start3A_131 = arith.constant 2 : i32
      %dma_start3A_132 = arith.constant 1 : i32
      %dma_start3A_133 = arith.constant 0 : i32
      %dma_start3A_134 = tpu.memref_slice %arg6[%rem3A_36, %dma_start3A_131, %dma_start3A_132, %dma_start3A_133] : memref<4x3x2x112xi32, #tpu.memory_space<vmem>> -> memref<1x1x1x112xi32, #tpu.memory_space<vmem>>
      %dma_start3A_135 = tpu.memref_squeeze %dma_start3A_134 : memref<1x1x1x112xi32, #tpu.memory_space<vmem>> -> memref<112xi32, #tpu.memory_space<vmem>>
      %dma_start3A_136 = arith.constant 0 : i32
      %dma_start3A_137 = arith.constant 0 : i32
      %dma_start3A_138 = tpu.memref_slice %arg10[%dma_start3A_136, %dma_start3A_137] : memref<10240x128xf32, #tpu.memory_space<vmem_shared>> -> memref<10240x128xf32, #tpu.memory_space<vmem_shared>>
      tpu.enqueue_indirect_dma source(%arg9 : memref<112x128xf32, #tpu.memory_space<vmem>>) target(%dma_start3A_138 : memref<10240x128xf32, #tpu.memory_space<vmem_shared>>) offsets(%dma_start3A_135 : memref<112xi32, #tpu.memory_space<vmem>>) semaphore(%arg16 : memref<!tpu.dma_semaphore, #tpu.memory_space<semaphore_mem>>) {add = true}
    }
    %scan3A_7 = arith.constant 30 : i32
    %dma_wait3A = arith.constant 1 : i32
    %dma_wait3A_8 = arith.constant 0 : i32
    %dma_wait3A_9 = arith.constant 1 : i32
    %dma_wait3A_10 = arith.constant 0 : i32
    %dma_wait3A_11 = tpu.memref_slice %arg6[%dma_wait3A, %dma_wait3A_8, %dma_wait3A_9, %dma_wait3A_10] : memref<4x3x2x112xi32, #tpu.memory_space<vmem>> -> memref<1x1x1x112xi32, #tpu.memory_space<vmem>>
    %dma_wait3A_12 = tpu.memref_squeeze %dma_wait3A_11 : memref<1x1x1x112xi32, #tpu.memory_space<vmem>> -> memref<112xi32, #tpu.memory_space<vmem>>
    %dma_wait3A_13 = arith.constant 0 : i32
    %dma_wait3A_14 = arith.constant 0 : i32
    %dma_wait3A_15 = tpu.memref_slice %arg10[%dma_wait3A_13, %dma_wait3A_14] : memref<10240x128xf32, #tpu.memory_space<vmem_shared>> -> memref<10240x128xf32, #tpu.memory_space<vmem_shared>>
    tpu.wait_indirect_dma semaphore(%arg14 : memref<!tpu.dma_semaphore, #tpu.memory_space<semaphore_mem>>) src(%arg7 : memref<112x128xf32, #tpu.memory_space<vmem>>) dst(%dma_wait3A_15 : memref<10240x128xf32, #tpu.memory_space<vmem_shared>>)
    %dma_wait3A_16 = arith.constant 1 : i32
    %dma_wait3A_17 = arith.constant 1 : i32
    %dma_wait3A_18 = arith.constant 1 : i32
    %dma_wait3A_19 = arith.constant 0 : i32
    %dma_wait3A_20 = tpu.memref_slice %arg6[%dma_wait3A_16, %dma_wait3A_17, %dma_wait3A_18, %dma_wait3A_19] : memref<4x3x2x112xi32, #tpu.memory_space<vmem>> -> memref<1x1x1x112xi32, #tpu.memory_space<vmem>>
    %dma_wait3A_21 = tpu.memref_squeeze %dma_wait3A_20 : memref<1x1x1x112xi32, #tpu.memory_space<vmem>> -> memref<112xi32, #tpu.memory_space<vmem>>
    %dma_wait3A_22 = arith.constant 0 : i32
    %dma_wait3A_23 = arith.constant 0 : i32
    %dma_wait3A_24 = tpu.memref_slice %arg10[%dma_wait3A_22, %dma_wait3A_23] : memref<10240x128xf32, #tpu.memory_space<vmem_shared>> -> memref<10240x128xf32, #tpu.memory_space<vmem_shared>>
    tpu.wait_indirect_dma semaphore(%arg15 : memref<!tpu.dma_semaphore, #tpu.memory_space<semaphore_mem>>) src(%arg8 : memref<112x128xf32, #tpu.memory_space<vmem>>) dst(%dma_wait3A_24 : memref<10240x128xf32, #tpu.memory_space<vmem_shared>>)
    %dma_wait3A_25 = arith.constant 1 : i32
    %dma_wait3A_26 = arith.constant 2 : i32
    %dma_wait3A_27 = arith.constant 1 : i32
    %dma_wait3A_28 = arith.constant 0 : i32
    %dma_wait3A_29 = tpu.memref_slice %arg6[%dma_wait3A_25, %dma_wait3A_26, %dma_wait3A_27, %dma_wait3A_28] : memref<4x3x2x112xi32, #tpu.memory_space<vmem>> -> memref<1x1x1x112xi32, #tpu.memory_space<vmem>>
    %dma_wait3A_30 = tpu.memref_squeeze %dma_wait3A_29 : memref<1x1x1x112xi32, #tpu.memory_space<vmem>> -> memref<112xi32, #tpu.memory_space<vmem>>
    %dma_wait3A_31 = arith.constant 0 : i32
    %dma_wait3A_32 = arith.constant 0 : i32
    %dma_wait3A_33 = tpu.memref_slice %arg10[%dma_wait3A_31, %dma_wait3A_32] : memref<10240x128xf32, #tpu.memory_space<vmem_shared>> -> memref<10240x128xf32, #tpu.memory_space<vmem_shared>>
    tpu.wait_indirect_dma semaphore(%arg16 : memref<!tpu.dma_semaphore, #tpu.memory_space<semaphore_mem>>) src(%arg9 : memref<112x128xf32, #tpu.memory_space<vmem>>) dst(%dma_wait3A_33 : memref<10240x128xf32, #tpu.memory_space<vmem_shared>>)
    %barrier3A_34 = arith.constant 0 : index
    tpu.barrier barrier_id(%barrier3A_34)
    "tpu.region"() ({
      %run_scoped3A_35 = tpu.sem_alloc : memref<!tpu.dma_semaphore, #tpu.memory_space<semaphore_mem>>
      %dma_start3A = arith.constant 0 : i32
      %dma_start3A_36 = tpu.memref_slice %arg5[%arg0, %mul3A_2, %dma_start3A] : memref<2x10240x128xf32, #tpu.memory_space<hbm>> -> memref<1x640x128xf32, #tpu.memory_space<hbm>>
      %dma_start3A_37 = tpu.memref_squeeze %dma_start3A_36 : memref<1x640x128xf32, #tpu.memory_space<hbm>> -> memref<640x128xf32, #tpu.memory_space<hbm>>
      %dma_start3A_38 = arith.constant 0 : i32
      %dma_start3A_39 = tpu.memref_slice %arg10[%mul3A_2, %dma_start3A_38] : memref<10240x128xf32, #tpu.memory_space<vmem_shared>> -> memref<640x128xf32, #tpu.memory_space<vmem_shared>>
      tpu.enqueue_dma source(%dma_start3A_39 : memref<640x128xf32, #tpu.memory_space<vmem_shared>>) target(%dma_start3A_37 : memref<640x128xf32, #tpu.memory_space<hbm>>) target_semaphore(%run_scoped3A_35 : memref<!tpu.dma_semaphore, #tpu.memory_space<semaphore_mem>>)
      %dma_wait3A_40 = arith.constant 0 : i32
      %dma_wait3A_41 = tpu.memref_slice %arg5[%arg0, %mul3A_2, %dma_wait3A_40] : memref<2x10240x128xf32, #tpu.memory_space<hbm>> -> memref<1x640x128xf32, #tpu.memory_space<hbm>>
      %dma_wait3A_42 = tpu.memref_squeeze %dma_wait3A_41 : memref<1x640x128xf32, #tpu.memory_space<hbm>> -> memref<640x128xf32, #tpu.memory_space<hbm>>
      %dma_wait3A_43 = arith.constant 0 : i32
      %dma_wait3A_44 = tpu.memref_slice %arg10[%mul3A_2, %dma_wait3A_43] : memref<10240x128xf32, #tpu.memory_space<vmem_shared>> -> memref<640x128xf32, #tpu.memory_space<vmem_shared>>
      tpu.wait_dma2 semaphore(%run_scoped3A_35 : memref<!tpu.dma_semaphore, #tpu.memory_space<semaphore_mem>>) src(%dma_wait3A_44 : memref<640x128xf32, #tpu.memory_space<vmem_shared>>) dst(%dma_wait3A_42 : memref<640x128xf32, #tpu.memory_space<hbm>>)
      tpu.yield
    }) : () -> ()
    return
  }
}

#map = affine_map<(d0, d1) -> (0, 0)>
#map1 = affine_map<(d0, d1) -> (0, 0, 0, 0)>
#map2 = affine_map<(d0, d1) -> (0, 0, 0)>
module attributes {stable_mosaic.version = 14 : i64} {
  func.func @_msg_kernel(%arg0: i32, %arg1: i32, %arg2: memref<10240x128xf32, #tpu.memory_space<hbm>>, %arg3: memref<32x90x2x112xi32, #tpu.memory_space<hbm>>, %arg4: memref<10240x128xf32, #tpu.memory_space<hbm>>, %arg5: memref<2x10240x128xf32, #tpu.memory_space<hbm>>, %arg6: memref<4x3x2x112xi32, #tpu.memory_space<vmem>>, %arg7: memref<112x128xf32, #tpu.memory_space<vmem>>, %arg8: memref<112x128xf32, #tpu.memory_space<vmem>>, %arg9: memref<112x128xf32, #tpu.memory_space<vmem>>, %arg10: memref<10240x128xf32, #tpu.memory_space<vmem_shared>>, %arg11: memref<!tpu.dma_semaphore, #tpu.memory_space<semaphore_mem>>, %arg12: memref<!tpu.dma_semaphore, #tpu.memory_space<semaphore_mem>>, %arg13: memref<!tpu.dma_semaphore, #tpu.memory_space<semaphore_mem>>, %arg14: memref<!tpu.dma_semaphore, #tpu.memory_space<semaphore_mem>>, %arg15: memref<!tpu.dma_semaphore, #tpu.memory_space<semaphore_mem>>, %arg16: memref<!tpu.dma_semaphore, #tpu.memory_space<semaphore_mem>>, %arg17: memref<!tpu.dma_semaphore, #tpu.memory_space<semaphore_mem>>) attributes {dimension_semantics = [#tpu.dimension_semantics<core_parallel>, #tpu.dimension_semantics<subcore_parallel>], iteration_bounds = array<i64: 2, 16>, scalar_prefetch = 0 : i64, scratch_operands = 12 : i64, tpu.core_type = #tpu.core_type<sc_vector_subcore>, window_params = [{transform_indices = #map}, {transform_indices = #map1}, {transform_indices = #map}, {transform_indices = #map2}]} {
    %mul3A = arith.constant 16 : i32
    %mul3A_0 = arith.muli %arg0, %mul3A : i32
    %add3A = arith.addi %mul3A_0, %arg1 : i32
    %mul3A_1 = arith.constant 640 : i32
    %mul3A_2 = arith.muli %arg1, %mul3A_1 : i32
    "tpu.region"() ({
      %run_scoped3A_35 = tpu.sem_alloc : memref<!tpu.dma_semaphore, #tpu.memory_space<semaphore_mem>>
      %dma_start3A = arith.constant 0 : i32
      %dma_start3A_36 = tpu.memref_slice %arg10[%mul3A_2, %dma_start3A] : memref<10240x128xf32, #tpu.memory_space<vmem_shared>> -> memref<640x128xf32, #tpu.memory_space<vmem_shared>>
      %dma_start3A_37 = arith.constant 0 : i32
      %dma_start3A_38 = tpu.memref_slice %arg4[%mul3A_2, %dma_start3A_37] : memref<10240x128xf32, #tpu.memory_space<hbm>> -> memref<640x128xf32, #tpu.memory_space<hbm>>
      tpu.enqueue_dma source(%dma_start3A_38 : memref<640x128xf32, #tpu.memory_space<hbm>>) target(%dma_start3A_36 : memref<640x128xf32, #tpu.memory_space<vmem_shared>>) target_semaphore(%run_scoped3A_35 : memref<!tpu.dma_semaphore, #tpu.memory_space<semaphore_mem>>)
      %dma_wait3A_39 = arith.constant 0 : i32
      %dma_wait3A_40 = tpu.memref_slice %arg10[%mul3A_2, %dma_wait3A_39] : memref<10240x128xf32, #tpu.memory_space<vmem_shared>> -> memref<640x128xf32, #tpu.memory_space<vmem_shared>>
      %dma_wait3A_41 = arith.constant 0 : i32
      %dma_wait3A_42 = tpu.memref_slice %arg4[%mul3A_2, %dma_wait3A_41] : memref<10240x128xf32, #tpu.memory_space<hbm>> -> memref<640x128xf32, #tpu.memory_space<hbm>>
      tpu.wait_dma2 semaphore(%run_scoped3A_35 : memref<!tpu.dma_semaphore, #tpu.memory_space<semaphore_mem>>) src(%dma_wait3A_42 : memref<640x128xf32, #tpu.memory_space<hbm>>) dst(%dma_wait3A_40 : memref<640x128xf32, #tpu.memory_space<vmem_shared>>)
      tpu.yield
    }) : () -> ()
    %run_scoped3A = arith.constant 0 : i32
    "tpu.region"() ({
      %run_scoped3A_35 = tpu.sem_alloc : memref<!tpu.dma_semaphore, #tpu.memory_space<semaphore_mem>>
      %dma_start3A = arith.constant 0 : i32
      %dma_start3A_36 = arith.constant 0 : i32
      %dma_start3A_37 = arith.constant 0 : i32
      %dma_start3A_38 = tpu.memref_slice %arg6[%run_scoped3A, %dma_start3A, %dma_start3A_36, %dma_start3A_37] : memref<4x3x2x112xi32, #tpu.memory_space<vmem>> -> memref<1x3x2x112xi32, #tpu.memory_space<vmem>>
      %dma_start3A_39 = tpu.memref_squeeze %dma_start3A_38 : memref<1x3x2x112xi32, #tpu.memory_space<vmem>> -> memref<3x2x112xi32, #tpu.memory_space<vmem>>
      %dma_start3A_40 = arith.constant 0 : i32
      %dma_start3A_41 = arith.constant 0 : i32
      %dma_start3A_42 = arith.constant 0 : i32
      %dma_start3A_43 = tpu.memref_slice %arg3[%add3A, %dma_start3A_40, %dma_start3A_41, %dma_start3A_42] : memref<32x90x2x112xi32, #tpu.memory_space<hbm>> -> memref<1x3x2x112xi32, #tpu.memory_space<hbm>>
      %dma_start3A_44 = tpu.memref_squeeze %dma_start3A_43 : memref<1x3x2x112xi32, #tpu.memory_space<hbm>> -> memref<3x2x112xi32, #tpu.memory_space<hbm>>
      %dma_start3A_45 = arith.constant 0 : i32
      %dma_start3A_46 = arith.constant 0 : i32
      %dma_start3A_47 = arith.constant 0 : i32
      %dma_start3A_48 = tpu.memref_slice %arg6[%run_scoped3A, %dma_start3A_45, %dma_start3A_46, %dma_start3A_47] : memref<4x3x2x112xi32, #tpu.memory_space<vmem>> -> memref<1x3x2x112xi32, #tpu.memory_space<vmem>>
      %dma_start3A_49 = tpu.memref_squeeze %dma_start3A_48 : memref<1x3x2x112xi32, #tpu.memory_space<vmem>> -> memref<3x2x112xi32, #tpu.memory_space<vmem>>
      %dma_start3A_50 = arith.constant 0 : i32
      %dma_start3A_51 = arith.constant 0 : i32
      %dma_start3A_52 = arith.constant 0 : i32
      %dma_start3A_53 = tpu.memref_slice %arg3[%add3A, %dma_start3A_50, %dma_start3A_51, %dma_start3A_52] : memref<32x90x2x112xi32, #tpu.memory_space<hbm>> -> memref<1x3x2x112xi32, #tpu.memory_space<hbm>>
      %dma_start3A_54 = tpu.memref_squeeze %dma_start3A_53 : memref<1x3x2x112xi32, #tpu.memory_space<hbm>> -> memref<3x2x112xi32, #tpu.memory_space<hbm>>
      tpu.enqueue_dma source(%dma_start3A_54 : memref<3x2x112xi32, #tpu.memory_space<hbm>>) target(%dma_start3A_49 : memref<3x2x112xi32, #tpu.memory_space<vmem>>) target_semaphore(%run_scoped3A_35 : memref<!tpu.dma_semaphore, #tpu.memory_space<semaphore_mem>>)
      %dma_wait3A_55 = arith.constant 0 : i32
      %dma_wait3A_56 = arith.constant 0 : i32
      %dma_wait3A_57 = arith.constant 0 : i32
      %dma_wait3A_58 = tpu.memref_slice %arg6[%run_scoped3A, %dma_wait3A_55, %dma_wait3A_56, %dma_wait3A_57] : memref<4x3x2x112xi32, #tpu.memory_space<vmem>> -> memref<1x3x2x112xi32, #tpu.memory_space<vmem>>
      %dma_wait3A_59 = tpu.memref_squeeze %dma_wait3A_58 : memref<1x3x2x112xi32, #tpu.memory_space<vmem>> -> memref<3x2x112xi32, #tpu.memory_space<vmem>>
      %dma_wait3A_60 = arith.constant 0 : i32
      %dma_wait3A_61 = arith.constant 0 : i32
      %dma_wait3A_62 = arith.constant 0 : i32
      %dma_wait3A_63 = tpu.memref_slice %arg3[%add3A, %dma_wait3A_60, %dma_wait3A_61, %dma_wait3A_62] : memref<32x90x2x112xi32, #tpu.memory_space<hbm>> -> memref<1x3x2x112xi32, #tpu.memory_space<hbm>>
      %dma_wait3A_64 = tpu.memref_squeeze %dma_wait3A_63 : memref<1x3x2x112xi32, #tpu.memory_space<hbm>> -> memref<3x2x112xi32, #tpu.memory_space<hbm>>
      %dma_wait3A_65 = arith.constant 0 : i32
      %dma_wait3A_66 = arith.constant 0 : i32
      %dma_wait3A_67 = arith.constant 0 : i32
      %dma_wait3A_68 = tpu.memref_slice %arg6[%run_scoped3A, %dma_wait3A_65, %dma_wait3A_66, %dma_wait3A_67] : memref<4x3x2x112xi32, #tpu.memory_space<vmem>> -> memref<1x3x2x112xi32, #tpu.memory_space<vmem>>
      %dma_wait3A_69 = tpu.memref_squeeze %dma_wait3A_68 : memref<1x3x2x112xi32, #tpu.memory_space<vmem>> -> memref<3x2x112xi32, #tpu.memory_space<vmem>>
      %dma_wait3A_70 = arith.constant 0 : i32
      %dma_wait3A_71 = arith.constant 0 : i32
      %dma_wait3A_72 = arith.constant 0 : i32
      %dma_wait3A_73 = tpu.memref_slice %arg3[%add3A, %dma_wait3A_70, %dma_wait3A_71, %dma_wait3A_72] : memref<32x90x2x112xi32, #tpu.memory_space<hbm>> -> memref<1x3x2x112xi32, #tpu.memory_space<hbm>>
      %dma_wait3A_74 = tpu.memref_squeeze %dma_wait3A_73 : memref<1x3x2x112xi32, #tpu.memory_space<hbm>> -> memref<3x2x112xi32, #tpu.memory_space<hbm>>
      tpu.wait_dma2 semaphore(%run_scoped3A_35 : memref<!tpu.dma_semaphore, #tpu.memory_space<semaphore_mem>>) src(%dma_wait3A_74 : memref<3x2x112xi32, #tpu.memory_space<hbm>>) dst(%dma_wait3A_69 : memref<3x2x112xi32, #tpu.memory_space<vmem>>)
      tpu.yield
    }) : () -> ()
    %barrier3A = arith.constant 0 : index
    tpu.barrier barrier_id(%barrier3A)
    %scan3A = arith.constant 0 : i32
    %scan3A_3 = arith.constant 0 : i32
    %scan3A_4 = arith.constant 30 : i32
    %scan3A_5 = arith.addi %scan3A_3, %scan3A_4 : i32
    %scan3A_6 = arith.constant 1 : i32
    scf.for %scan3A_35 = %scan3A_3 to %scan3A_5 step %scan3A_6  : i32 {
      %rem3A = arith.constant 4 : i32
      %rem3A_36 = arith.remsi %scan3A_35, %rem3A : i32
      %add3A_37 = arith.constant 1 : i32
      %add3A_38 = arith.addi %scan3A_35, %add3A_37 : i32
      %rem3A_39 = arith.constant 4 : i32
      %rem3A_40 = arith.remsi %add3A_38, %rem3A_39 : i32
      %add3A_41 = arith.constant 3 : i32
      %add3A_42 = arith.addi %scan3A_35, %add3A_41 : i32
      %rem3A_43 = arith.constant 4 : i32
      %rem3A_44 = arith.remsi %add3A_42, %rem3A_43 : i32
      %gt3A = arith.constant 0 : i32
      %gt3A_45 = arith.cmpi sgt, %scan3A_35, %gt3A : i32
      %convert_element_type3A = arith.extui %gt3A_45 : i1 to i32
      %cond3A = arith.constant 0 : i32
      %cond3A_46 = arith.cmpi ne, %convert_element_type3A, %cond3A : i32
      scf.if %cond3A_46 {
        %mul3A_139 = arith.constant 3 : i32
        %mul3A_140 = arith.muli %scan3A_35, %mul3A_139 : i32
        %dma_wait3A_141 = arith.constant 0 : i32
        %dma_wait3A_142 = arith.constant 0 : i32
        %dma_wait3A_143 = arith.constant 0 : i32
        %dma_wait3A_144 = tpu.memref_slice %arg6[%rem3A_36, %dma_wait3A_141, %dma_wait3A_142, %dma_wait3A_143] : memref<4x3x2x112xi32, #tpu.memory_space<vmem>> -> memref<1x3x2x112xi32, #tpu.memory_space<vmem>>
        %dma_wait3A_145 = tpu.memref_squeeze %dma_wait3A_144 : memref<1x3x2x112xi32, #tpu.memory_space<vmem>> -> memref<3x2x112xi32, #tpu.memory_space<vmem>>
        %dma_wait3A_146 = arith.constant 0 : i32
        %dma_wait3A_147 = arith.constant 0 : i32
        %dma_wait3A_148 = tpu.memref_slice %arg3[%add3A, %mul3A_140, %dma_wait3A_146, %dma_wait3A_147] : memref<32x90x2x112xi32, #tpu.memory_space<hbm>> -> memref<1x3x2x112xi32, #tpu.memory_space<hbm>>
        %dma_wait3A_149 = tpu.memref_squeeze %dma_wait3A_148 : memref<1x3x2x112xi32, #tpu.memory_space<hbm>> -> memref<3x2x112xi32, #tpu.memory_space<hbm>>
        %dma_wait3A_150 = arith.constant 0 : i32
        %dma_wait3A_151 = arith.constant 0 : i32
        %dma_wait3A_152 = arith.constant 0 : i32
        %dma_wait3A_153 = tpu.memref_slice %arg6[%rem3A_36, %dma_wait3A_150, %dma_wait3A_151, %dma_wait3A_152] : memref<4x3x2x112xi32, #tpu.memory_space<vmem>> -> memref<1x3x2x112xi32, #tpu.memory_space<vmem>>
        %dma_wait3A_154 = tpu.memref_squeeze %dma_wait3A_153 : memref<1x3x2x112xi32, #tpu.memory_space<vmem>> -> memref<3x2x112xi32, #tpu.memory_space<vmem>>
        %dma_wait3A_155 = arith.constant 0 : i32
        %dma_wait3A_156 = arith.constant 0 : i32
        %dma_wait3A_157 = tpu.memref_slice %arg3[%add3A, %mul3A_140, %dma_wait3A_155, %dma_wait3A_156] : memref<32x90x2x112xi32, #tpu.memory_space<hbm>> -> memref<1x3x2x112xi32, #tpu.memory_space<hbm>>
        %dma_wait3A_158 = tpu.memref_squeeze %dma_wait3A_157 : memref<1x3x2x112xi32, #tpu.memory_space<hbm>> -> memref<3x2x112xi32, #tpu.memory_space<hbm>>
        tpu.wait_dma2 semaphore(%arg17 : memref<!tpu.dma_semaphore, #tpu.memory_space<semaphore_mem>>) src(%dma_wait3A_158 : memref<3x2x112xi32, #tpu.memory_space<hbm>>) dst(%dma_wait3A_154 : memref<3x2x112xi32, #tpu.memory_space<vmem>>)
      } else {
      }
      %add3A_47 = arith.constant 1 : i32
      %add3A_48 = arith.addi %scan3A_35, %add3A_47 : i32
      %lt3A = arith.constant 30 : i32
      %lt3A_49 = arith.cmpi slt, %add3A_48, %lt3A : i32
      %convert_element_type3A_50 = arith.extui %lt3A_49 : i1 to i32
      %cond3A_51 = arith.constant 0 : i32
      %cond3A_52 = arith.cmpi ne, %convert_element_type3A_50, %cond3A_51 : i32
      scf.if %cond3A_52 {
        %add3A_139 = arith.constant 1 : i32
        %add3A_140 = arith.addi %scan3A_35, %add3A_139 : i32
        %mul3A_141 = arith.constant 3 : i32
        %mul3A_142 = arith.muli %add3A_140, %mul3A_141 : i32
        %dma_start3A_143 = arith.constant 0 : i32
        %dma_start3A_144 = arith.constant 0 : i32
        %dma_start3A_145 = arith.constant 0 : i32
        %dma_start3A_146 = tpu.memref_slice %arg6[%rem3A_40, %dma_start3A_143, %dma_start3A_144, %dma_start3A_145] : memref<4x3x2x112xi32, #tpu.memory_space<vmem>> -> memref<1x3x2x112xi32, #tpu.memory_space<vmem>>
        %dma_start3A_147 = tpu.memref_squeeze %dma_start3A_146 : memref<1x3x2x112xi32, #tpu.memory_space<vmem>> -> memref<3x2x112xi32, #tpu.memory_space<vmem>>
        %dma_start3A_148 = arith.constant 0 : i32
        %dma_start3A_149 = arith.constant 0 : i32
        %dma_start3A_150 = tpu.memref_slice %arg3[%add3A, %mul3A_142, %dma_start3A_148, %dma_start3A_149] : memref<32x90x2x112xi32, #tpu.memory_space<hbm>> -> memref<1x3x2x112xi32, #tpu.memory_space<hbm>>
        %dma_start3A_151 = tpu.memref_squeeze %dma_start3A_150 : memref<1x3x2x112xi32, #tpu.memory_space<hbm>> -> memref<3x2x112xi32, #tpu.memory_space<hbm>>
        %dma_start3A_152 = arith.constant 0 : i32
        %dma_start3A_153 = arith.constant 0 : i32
        %dma_start3A_154 = arith.constant 0 : i32
        %dma_start3A_155 = tpu.memref_slice %arg6[%rem3A_40, %dma_start3A_152, %dma_start3A_153, %dma_start3A_154] : memref<4x3x2x112xi32, #tpu.memory_space<vmem>> -> memref<1x3x2x112xi32, #tpu.memory_space<vmem>>
        %dma_start3A_156 = tpu.memref_squeeze %dma_start3A_155 : memref<1x3x2x112xi32, #tpu.memory_space<vmem>> -> memref<3x2x112xi32, #tpu.memory_space<vmem>>
        %dma_start3A_157 = arith.constant 0 : i32
        %dma_start3A_158 = arith.constant 0 : i32
        %dma_start3A_159 = tpu.memref_slice %arg3[%add3A, %mul3A_142, %dma_start3A_157, %dma_start3A_158] : memref<32x90x2x112xi32, #tpu.memory_space<hbm>> -> memref<1x3x2x112xi32, #tpu.memory_space<hbm>>
        %dma_start3A_160 = tpu.memref_squeeze %dma_start3A_159 : memref<1x3x2x112xi32, #tpu.memory_space<hbm>> -> memref<3x2x112xi32, #tpu.memory_space<hbm>>
        tpu.enqueue_dma source(%dma_start3A_160 : memref<3x2x112xi32, #tpu.memory_space<hbm>>) target(%dma_start3A_156 : memref<3x2x112xi32, #tpu.memory_space<vmem>>) target_semaphore(%arg17 : memref<!tpu.dma_semaphore, #tpu.memory_space<semaphore_mem>>)
      } else {
      }
      %gt3A_53 = arith.constant 0 : i32
      %gt3A_54 = arith.cmpi sgt, %scan3A_35, %gt3A_53 : i32
      %convert_element_type3A_55 = arith.extui %gt3A_54 : i1 to i32
      %cond3A_56 = arith.constant 0 : i32
      %cond3A_57 = arith.cmpi ne, %convert_element_type3A_55, %cond3A_56 : i32
      scf.if %cond3A_57 {
        %dma_wait3A_139 = arith.constant 0 : i32
        %dma_wait3A_140 = arith.constant 1 : i32
        %dma_wait3A_141 = arith.constant 0 : i32
        %dma_wait3A_142 = tpu.memref_slice %arg6[%rem3A_44, %dma_wait3A_139, %dma_wait3A_140, %dma_wait3A_141] : memref<4x3x2x112xi32, #tpu.memory_space<vmem>> -> memref<1x1x1x112xi32, #tpu.memory_space<vmem>>
        %dma_wait3A_143 = tpu.memref_squeeze %dma_wait3A_142 : memref<1x1x1x112xi32, #tpu.memory_space<vmem>> -> memref<112xi32, #tpu.memory_space<vmem>>
        %dma_wait3A_144 = arith.constant 0 : i32
        %dma_wait3A_145 = arith.constant 0 : i32
        %dma_wait3A_146 = tpu.memref_slice %arg10[%dma_wait3A_144, %dma_wait3A_145] : memref<10240x128xf32, #tpu.memory_space<vmem_shared>> -> memref<10240x128xf32, #tpu.memory_space<vmem_shared>>
        tpu.wait_indirect_dma semaphore(%arg14 : memref<!tpu.dma_semaphore, #tpu.memory_space<semaphore_mem>>) src(%arg7 : memref<112x128xf32, #tpu.memory_space<vmem>>) dst(%dma_wait3A_146 : memref<10240x128xf32, #tpu.memory_space<vmem_shared>>)
      } else {
      }
      %dma_start3A = arith.constant 0 : i32
      %dma_start3A_58 = arith.constant 0 : i32
      %dma_start3A_59 = arith.constant 0 : i32
      %dma_start3A_60 = tpu.memref_slice %arg6[%rem3A_36, %dma_start3A, %dma_start3A_58, %dma_start3A_59] : memref<4x3x2x112xi32, #tpu.memory_space<vmem>> -> memref<1x1x1x112xi32, #tpu.memory_space<vmem>>
      %dma_start3A_61 = tpu.memref_squeeze %dma_start3A_60 : memref<1x1x1x112xi32, #tpu.memory_space<vmem>> -> memref<112xi32, #tpu.memory_space<vmem>>
      %dma_start3A_62 = arith.constant 0 : i32
      %dma_start3A_63 = arith.constant 0 : i32
      %dma_start3A_64 = tpu.memref_slice %arg2[%dma_start3A_62, %dma_start3A_63] : memref<10240x128xf32, #tpu.memory_space<hbm>> -> memref<10240x128xf32, #tpu.memory_space<hbm>>
      tpu.enqueue_indirect_dma source(%dma_start3A_64 : memref<10240x128xf32, #tpu.memory_space<hbm>>) target(%arg7 : memref<112x128xf32, #tpu.memory_space<vmem>>) offsets(%dma_start3A_61 : memref<112xi32, #tpu.memory_space<vmem>>) semaphore(%arg11 : memref<!tpu.dma_semaphore, #tpu.memory_space<semaphore_mem>>)
      %gt3A_65 = arith.constant 0 : i32
      %gt3A_66 = arith.cmpi sgt, %scan3A_35, %gt3A_65 : i32
      %convert_element_type3A_67 = arith.extui %gt3A_66 : i1 to i32
      %cond3A_68 = arith.constant 0 : i32
      %cond3A_69 = arith.cmpi ne, %convert_element_type3A_67, %cond3A_68 : i32
      scf.if %cond3A_69 {
        %dma_wait3A_139 = arith.constant 1 : i32
        %dma_wait3A_140 = arith.constant 1 : i32
        %dma_wait3A_141 = arith.constant 0 : i32
        %dma_wait3A_142 = tpu.memref_slice %arg6[%rem3A_44, %dma_wait3A_139, %dma_wait3A_140, %dma_wait3A_141] : memref<4x3x2x112xi32, #tpu.memory_space<vmem>> -> memref<1x1x1x112xi32, #tpu.memory_space<vmem>>
        %dma_wait3A_143 = tpu.memref_squeeze %dma_wait3A_142 : memref<1x1x1x112xi32, #tpu.memory_space<vmem>> -> memref<112xi32, #tpu.memory_space<vmem>>
        %dma_wait3A_144 = arith.constant 0 : i32
        %dma_wait3A_145 = arith.constant 0 : i32
        %dma_wait3A_146 = tpu.memref_slice %arg10[%dma_wait3A_144, %dma_wait3A_145] : memref<10240x128xf32, #tpu.memory_space<vmem_shared>> -> memref<10240x128xf32, #tpu.memory_space<vmem_shared>>
        tpu.wait_indirect_dma semaphore(%arg15 : memref<!tpu.dma_semaphore, #tpu.memory_space<semaphore_mem>>) src(%arg8 : memref<112x128xf32, #tpu.memory_space<vmem>>) dst(%dma_wait3A_146 : memref<10240x128xf32, #tpu.memory_space<vmem_shared>>)
      } else {
      }
      %dma_start3A_70 = arith.constant 1 : i32
      %dma_start3A_71 = arith.constant 0 : i32
      %dma_start3A_72 = arith.constant 0 : i32
      %dma_start3A_73 = tpu.memref_slice %arg6[%rem3A_36, %dma_start3A_70, %dma_start3A_71, %dma_start3A_72] : memref<4x3x2x112xi32, #tpu.memory_space<vmem>> -> memref<1x1x1x112xi32, #tpu.memory_space<vmem>>
      %dma_start3A_74 = tpu.memref_squeeze %dma_start3A_73 : memref<1x1x1x112xi32, #tpu.memory_space<vmem>> -> memref<112xi32, #tpu.memory_space<vmem>>
      %dma_start3A_75 = arith.constant 0 : i32
      %dma_start3A_76 = arith.constant 0 : i32
      %dma_start3A_77 = tpu.memref_slice %arg2[%dma_start3A_75, %dma_start3A_76] : memref<10240x128xf32, #tpu.memory_space<hbm>> -> memref<10240x128xf32, #tpu.memory_space<hbm>>
      tpu.enqueue_indirect_dma source(%dma_start3A_77 : memref<10240x128xf32, #tpu.memory_space<hbm>>) target(%arg8 : memref<112x128xf32, #tpu.memory_space<vmem>>) offsets(%dma_start3A_74 : memref<112xi32, #tpu.memory_space<vmem>>) semaphore(%arg12 : memref<!tpu.dma_semaphore, #tpu.memory_space<semaphore_mem>>)
      %gt3A_78 = arith.constant 0 : i32
      %gt3A_79 = arith.cmpi sgt, %scan3A_35, %gt3A_78 : i32
      %convert_element_type3A_80 = arith.extui %gt3A_79 : i1 to i32
      %cond3A_81 = arith.constant 0 : i32
      %cond3A_82 = arith.cmpi ne, %convert_element_type3A_80, %cond3A_81 : i32
      scf.if %cond3A_82 {
        %dma_wait3A_139 = arith.constant 2 : i32
        %dma_wait3A_140 = arith.constant 1 : i32
        %dma_wait3A_141 = arith.constant 0 : i32
        %dma_wait3A_142 = tpu.memref_slice %arg6[%rem3A_44, %dma_wait3A_139, %dma_wait3A_140, %dma_wait3A_141] : memref<4x3x2x112xi32, #tpu.memory_space<vmem>> -> memref<1x1x1x112xi32, #tpu.memory_space<vmem>>
        %dma_wait3A_143 = tpu.memref_squeeze %dma_wait3A_142 : memref<1x1x1x112xi32, #tpu.memory_space<vmem>> -> memref<112xi32, #tpu.memory_space<vmem>>
        %dma_wait3A_144 = arith.constant 0 : i32
        %dma_wait3A_145 = arith.constant 0 : i32
        %dma_wait3A_146 = tpu.memref_slice %arg10[%dma_wait3A_144, %dma_wait3A_145] : memref<10240x128xf32, #tpu.memory_space<vmem_shared>> -> memref<10240x128xf32, #tpu.memory_space<vmem_shared>>
        tpu.wait_indirect_dma semaphore(%arg16 : memref<!tpu.dma_semaphore, #tpu.memory_space<semaphore_mem>>) src(%arg9 : memref<112x128xf32, #tpu.memory_space<vmem>>) dst(%dma_wait3A_146 : memref<10240x128xf32, #tpu.memory_space<vmem_shared>>)
      } else {
      }
      %dma_start3A_83 = arith.constant 2 : i32
      %dma_start3A_84 = arith.constant 0 : i32
      %dma_start3A_85 = arith.constant 0 : i32
      %dma_start3A_86 = tpu.memref_slice %arg6[%rem3A_36, %dma_start3A_83, %dma_start3A_84, %dma_start3A_85] : memref<4x3x2x112xi32, #tpu.memory_space<vmem>> -> memref<1x1x1x112xi32, #tpu.memory_space<vmem>>
      %dma_start3A_87 = tpu.memref_squeeze %dma_start3A_86 : memref<1x1x1x112xi32, #tpu.memory_space<vmem>> -> memref<112xi32, #tpu.memory_space<vmem>>
      %dma_start3A_88 = arith.constant 0 : i32
      %dma_start3A_89 = arith.constant 0 : i32
      %dma_start3A_90 = tpu.memref_slice %arg2[%dma_start3A_88, %dma_start3A_89] : memref<10240x128xf32, #tpu.memory_space<hbm>> -> memref<10240x128xf32, #tpu.memory_space<hbm>>
      tpu.enqueue_indirect_dma source(%dma_start3A_90 : memref<10240x128xf32, #tpu.memory_space<hbm>>) target(%arg9 : memref<112x128xf32, #tpu.memory_space<vmem>>) offsets(%dma_start3A_87 : memref<112xi32, #tpu.memory_space<vmem>>) semaphore(%arg13 : memref<!tpu.dma_semaphore, #tpu.memory_space<semaphore_mem>>)
      %dma_wait3A_91 = arith.constant 0 : i32
      %dma_wait3A_92 = arith.constant 0 : i32
      %dma_wait3A_93 = arith.constant 0 : i32
      %dma_wait3A_94 = tpu.memref_slice %arg6[%rem3A_36, %dma_wait3A_91, %dma_wait3A_92, %dma_wait3A_93] : memref<4x3x2x112xi32, #tpu.memory_space<vmem>> -> memref<1x1x1x112xi32, #tpu.memory_space<vmem>>
      %dma_wait3A_95 = tpu.memref_squeeze %dma_wait3A_94 : memref<1x1x1x112xi32, #tpu.memory_space<vmem>> -> memref<112xi32, #tpu.memory_space<vmem>>
      %dma_wait3A_96 = arith.constant 0 : i32
      %dma_wait3A_97 = arith.constant 0 : i32
      %dma_wait3A_98 = tpu.memref_slice %arg2[%dma_wait3A_96, %dma_wait3A_97] : memref<10240x128xf32, #tpu.memory_space<hbm>> -> memref<10240x128xf32, #tpu.memory_space<hbm>>
      tpu.wait_indirect_dma semaphore(%arg11 : memref<!tpu.dma_semaphore, #tpu.memory_space<semaphore_mem>>) src(%dma_wait3A_98 : memref<10240x128xf32, #tpu.memory_space<hbm>>) dst(%arg7 : memref<112x128xf32, #tpu.memory_space<vmem>>)
      %dma_start3A_99 = arith.constant 0 : i32
      %dma_start3A_100 = arith.constant 1 : i32
      %dma_start3A_101 = arith.constant 0 : i32
      %dma_start3A_102 = tpu.memref_slice %arg6[%rem3A_36, %dma_start3A_99, %dma_start3A_100, %dma_start3A_101] : memref<4x3x2x112xi32, #tpu.memory_space<vmem>> -> memref<1x1x1x112xi32, #tpu.memory_space<vmem>>
      %dma_start3A_103 = tpu.memref_squeeze %dma_start3A_102 : memref<1x1x1x112xi32, #tpu.memory_space<vmem>> -> memref<112xi32, #tpu.memory_space<vmem>>
      %dma_start3A_104 = arith.constant 0 : i32
      %dma_start3A_105 = arith.constant 0 : i32
      %dma_start3A_106 = tpu.memref_slice %arg10[%dma_start3A_104, %dma_start3A_105] : memref<10240x128xf32, #tpu.memory_space<vmem_shared>> -> memref<10240x128xf32, #tpu.memory_space<vmem_shared>>
      tpu.enqueue_indirect_dma source(%arg7 : memref<112x128xf32, #tpu.memory_space<vmem>>) target(%dma_start3A_106 : memref<10240x128xf32, #tpu.memory_space<vmem_shared>>) offsets(%dma_start3A_103 : memref<112xi32, #tpu.memory_space<vmem>>) semaphore(%arg14 : memref<!tpu.dma_semaphore, #tpu.memory_space<semaphore_mem>>) {add = true}
      %dma_wait3A_107 = arith.constant 1 : i32
      %dma_wait3A_108 = arith.constant 0 : i32
      %dma_wait3A_109 = arith.constant 0 : i32
      %dma_wait3A_110 = tpu.memref_slice %arg6[%rem3A_36, %dma_wait3A_107, %dma_wait3A_108, %dma_wait3A_109] : memref<4x3x2x112xi32, #tpu.memory_space<vmem>> -> memref<1x1x1x112xi32, #tpu.memory_space<vmem>>
      %dma_wait3A_111 = tpu.memref_squeeze %dma_wait3A_110 : memref<1x1x1x112xi32, #tpu.memory_space<vmem>> -> memref<112xi32, #tpu.memory_space<vmem>>
      %dma_wait3A_112 = arith.constant 0 : i32
      %dma_wait3A_113 = arith.constant 0 : i32
      %dma_wait3A_114 = tpu.memref_slice %arg2[%dma_wait3A_112, %dma_wait3A_113] : memref<10240x128xf32, #tpu.memory_space<hbm>> -> memref<10240x128xf32, #tpu.memory_space<hbm>>
      tpu.wait_indirect_dma semaphore(%arg12 : memref<!tpu.dma_semaphore, #tpu.memory_space<semaphore_mem>>) src(%dma_wait3A_114 : memref<10240x128xf32, #tpu.memory_space<hbm>>) dst(%arg8 : memref<112x128xf32, #tpu.memory_space<vmem>>)
      %dma_start3A_115 = arith.constant 1 : i32
      %dma_start3A_116 = arith.constant 1 : i32
      %dma_start3A_117 = arith.constant 0 : i32
      %dma_start3A_118 = tpu.memref_slice %arg6[%rem3A_36, %dma_start3A_115, %dma_start3A_116, %dma_start3A_117] : memref<4x3x2x112xi32, #tpu.memory_space<vmem>> -> memref<1x1x1x112xi32, #tpu.memory_space<vmem>>
      %dma_start3A_119 = tpu.memref_squeeze %dma_start3A_118 : memref<1x1x1x112xi32, #tpu.memory_space<vmem>> -> memref<112xi32, #tpu.memory_space<vmem>>
      %dma_start3A_120 = arith.constant 0 : i32
      %dma_start3A_121 = arith.constant 0 : i32
      %dma_start3A_122 = tpu.memref_slice %arg10[%dma_start3A_120, %dma_start3A_121] : memref<10240x128xf32, #tpu.memory_space<vmem_shared>> -> memref<10240x128xf32, #tpu.memory_space<vmem_shared>>
      tpu.enqueue_indirect_dma source(%arg8 : memref<112x128xf32, #tpu.memory_space<vmem>>) target(%dma_start3A_122 : memref<10240x128xf32, #tpu.memory_space<vmem_shared>>) offsets(%dma_start3A_119 : memref<112xi32, #tpu.memory_space<vmem>>) semaphore(%arg15 : memref<!tpu.dma_semaphore, #tpu.memory_space<semaphore_mem>>) {add = true}
      %dma_wait3A_123 = arith.constant 2 : i32
      %dma_wait3A_124 = arith.constant 0 : i32
      %dma_wait3A_125 = arith.constant 0 : i32
      %dma_wait3A_126 = tpu.memref_slice %arg6[%rem3A_36, %dma_wait3A_123, %dma_wait3A_124, %dma_wait3A_125] : memref<4x3x2x112xi32, #tpu.memory_space<vmem>> -> memref<1x1x1x112xi32, #tpu.memory_space<vmem>>
      %dma_wait3A_127 = tpu.memref_squeeze %dma_wait3A_126 : memref<1x1x1x112xi32, #tpu.memory_space<vmem>> -> memref<112xi32, #tpu.memory_space<vmem>>
      %dma_wait3A_128 = arith.constant 0 : i32
      %dma_wait3A_129 = arith.constant 0 : i32
      %dma_wait3A_130 = tpu.memref_slice %arg2[%dma_wait3A_128, %dma_wait3A_129] : memref<10240x128xf32, #tpu.memory_space<hbm>> -> memref<10240x128xf32, #tpu.memory_space<hbm>>
      tpu.wait_indirect_dma semaphore(%arg13 : memref<!tpu.dma_semaphore, #tpu.memory_space<semaphore_mem>>) src(%dma_wait3A_130 : memref<10240x128xf32, #tpu.memory_space<hbm>>) dst(%arg9 : memref<112x128xf32, #tpu.memory_space<vmem>>)
      %dma_start3A_131 = arith.constant 2 : i32
      %dma_start3A_132 = arith.constant 1 : i32
      %dma_start3A_133 = arith.constant 0 : i32
      %dma_start3A_134 = tpu.memref_slice %arg6[%rem3A_36, %dma_start3A_131, %dma_start3A_132, %dma_start3A_133] : memref<4x3x2x112xi32, #tpu.memory_space<vmem>> -> memref<1x1x1x112xi32, #tpu.memory_space<vmem>>
      %dma_start3A_135 = tpu.memref_squeeze %dma_start3A_134 : memref<1x1x1x112xi32, #tpu.memory_space<vmem>> -> memref<112xi32, #tpu.memory_space<vmem>>
      %dma_start3A_136 = arith.constant 0 : i32
      %dma_start3A_137 = arith.constant 0 : i32
      %dma_start3A_138 = tpu.memref_slice %arg10[%dma_start3A_136, %dma_start3A_137] : memref<10240x128xf32, #tpu.memory_space<vmem_shared>> -> memref<10240x128xf32, #tpu.memory_space<vmem_shared>>
      tpu.enqueue_indirect_dma source(%arg9 : memref<112x128xf32, #tpu.memory_space<vmem>>) target(%dma_start3A_138 : memref<10240x128xf32, #tpu.memory_space<vmem_shared>>) offsets(%dma_start3A_135 : memref<112xi32, #tpu.memory_space<vmem>>) semaphore(%arg16 : memref<!tpu.dma_semaphore, #tpu.memory_space<semaphore_mem>>) {add = true}
    }
    %scan3A_7 = arith.constant 30 : i32
    %dma_wait3A = arith.constant 1 : i32
    %dma_wait3A_8 = arith.constant 0 : i32
    %dma_wait3A_9 = arith.constant 1 : i32
    %dma_wait3A_10 = arith.constant 0 : i32
    %dma_wait3A_11 = tpu.memref_slice %arg6[%dma_wait3A, %dma_wait3A_8, %dma_wait3A_9, %dma_wait3A_10] : memref<4x3x2x112xi32, #tpu.memory_space<vmem>> -> memref<1x1x1x112xi32, #tpu.memory_space<vmem>>
    %dma_wait3A_12 = tpu.memref_squeeze %dma_wait3A_11 : memref<1x1x1x112xi32, #tpu.memory_space<vmem>> -> memref<112xi32, #tpu.memory_space<vmem>>
    %dma_wait3A_13 = arith.constant 0 : i32
    %dma_wait3A_14 = arith.constant 0 : i32
    %dma_wait3A_15 = tpu.memref_slice %arg10[%dma_wait3A_13, %dma_wait3A_14] : memref<10240x128xf32, #tpu.memory_space<vmem_shared>> -> memref<10240x128xf32, #tpu.memory_space<vmem_shared>>
    tpu.wait_indirect_dma semaphore(%arg14 : memref<!tpu.dma_semaphore, #tpu.memory_space<semaphore_mem>>) src(%arg7 : memref<112x128xf32, #tpu.memory_space<vmem>>) dst(%dma_wait3A_15 : memref<10240x128xf32, #tpu.memory_space<vmem_shared>>)
    %dma_wait3A_16 = arith.constant 1 : i32
    %dma_wait3A_17 = arith.constant 1 : i32
    %dma_wait3A_18 = arith.constant 1 : i32
    %dma_wait3A_19 = arith.constant 0 : i32
    %dma_wait3A_20 = tpu.memref_slice %arg6[%dma_wait3A_16, %dma_wait3A_17, %dma_wait3A_18, %dma_wait3A_19] : memref<4x3x2x112xi32, #tpu.memory_space<vmem>> -> memref<1x1x1x112xi32, #tpu.memory_space<vmem>>
    %dma_wait3A_21 = tpu.memref_squeeze %dma_wait3A_20 : memref<1x1x1x112xi32, #tpu.memory_space<vmem>> -> memref<112xi32, #tpu.memory_space<vmem>>
    %dma_wait3A_22 = arith.constant 0 : i32
    %dma_wait3A_23 = arith.constant 0 : i32
    %dma_wait3A_24 = tpu.memref_slice %arg10[%dma_wait3A_22, %dma_wait3A_23] : memref<10240x128xf32, #tpu.memory_space<vmem_shared>> -> memref<10240x128xf32, #tpu.memory_space<vmem_shared>>
    tpu.wait_indirect_dma semaphore(%arg15 : memref<!tpu.dma_semaphore, #tpu.memory_space<semaphore_mem>>) src(%arg8 : memref<112x128xf32, #tpu.memory_space<vmem>>) dst(%dma_wait3A_24 : memref<10240x128xf32, #tpu.memory_space<vmem_shared>>)
    %dma_wait3A_25 = arith.constant 1 : i32
    %dma_wait3A_26 = arith.constant 2 : i32
    %dma_wait3A_27 = arith.constant 1 : i32
    %dma_wait3A_28 = arith.constant 0 : i32
    %dma_wait3A_29 = tpu.memref_slice %arg6[%dma_wait3A_25, %dma_wait3A_26, %dma_wait3A_27, %dma_wait3A_28] : memref<4x3x2x112xi32, #tpu.memory_space<vmem>> -> memref<1x1x1x112xi32, #tpu.memory_space<vmem>>
    %dma_wait3A_30 = tpu.memref_squeeze %dma_wait3A_29 : memref<1x1x1x112xi32, #tpu.memory_space<vmem>> -> memref<112xi32, #tpu.memory_space<vmem>>
    %dma_wait3A_31 = arith.constant 0 : i32
    %dma_wait3A_32 = arith.constant 0 : i32
    %dma_wait3A_33 = tpu.memref_slice %arg10[%dma_wait3A_31, %dma_wait3A_32] : memref<10240x128xf32, #tpu.memory_space<vmem_shared>> -> memref<10240x128xf32, #tpu.memory_space<vmem_shared>>
    tpu.wait_indirect_dma semaphore(%arg16 : memref<!tpu.dma_semaphore, #tpu.memory_space<semaphore_mem>>) src(%arg9 : memref<112x128xf32, #tpu.memory_space<vmem>>) dst(%dma_wait3A_33 : memref<10240x128xf32, #tpu.memory_space<vmem_shared>>)
    %barrier3A_34 = arith.constant 0 : index
    tpu.barrier barrier_id(%barrier3A_34)
    "tpu.region"() ({
      %run_scoped3A_35 = tpu.sem_alloc : memref<!tpu.dma_semaphore, #tpu.memory_space<semaphore_mem>>
      %dma_start3A = arith.constant 0 : i32
      %dma_start3A_36 = tpu.memref_slice %arg5[%arg0, %mul3A_2, %dma_start3A] : memref<2x10240x128xf32, #tpu.memory_space<hbm>> -> memref<1x640x128xf32, #tpu.memory_space<hbm>>
      %dma_start3A_37 = tpu.memref_squeeze %dma_start3A_36 : memref<1x640x128xf32, #tpu.memory_space<hbm>> -> memref<640x128xf32, #tpu.memory_space<hbm>>
      %dma_start3A_38 = arith.constant 0 : i32
      %dma_start3A_39 = tpu.memref_slice %arg10[%mul3A_2, %dma_start3A_38] : memref<10240x128xf32, #tpu.memory_space<vmem_shared>> -> memref<640x128xf32, #tpu.memory_space<vmem_shared>>
      tpu.enqueue_dma source(%dma_start3A_39 : memref<640x128xf32, #tpu.memory_space<vmem_shared>>) target(%dma_start3A_37 : memref<640x128xf32, #tpu.memory_space<hbm>>) target_semaphore(%run_scoped3A_35 : memref<!tpu.dma_semaphore, #tpu.memory_space<semaphore_mem>>)
      %dma_wait3A_40 = arith.constant 0 : i32
      %dma_wait3A_41 = tpu.memref_slice %arg5[%arg0, %mul3A_2, %dma_wait3A_40] : memref<2x10240x128xf32, #tpu.memory_space<hbm>> -> memref<1x640x128xf32, #tpu.memory_space<hbm>>
      %dma_wait3A_42 = tpu.memref_squeeze %dma_wait3A_41 : memref<1x640x128xf32, #tpu.memory_space<hbm>> -> memref<640x128xf32, #tpu.memory_space<hbm>>
      %dma_wait3A_43 = arith.constant 0 : i32
      %dma_wait3A_44 = tpu.memref_slice %arg10[%mul3A_2, %dma_wait3A_43] : memref<10240x128xf32, #tpu.memory_space<vmem_shared>> -> memref<640x128xf32, #tpu.memory_space<vmem_shared>>
      tpu.wait_dma2 semaphore(%run_scoped3A_35 : memref<!tpu.dma_semaphore, #tpu.memory_space<semaphore_mem>>) src(%dma_wait3A_44 : memref<640x128xf32, #tpu.memory_space<vmem_shared>>) dst(%dma_wait3A_42 : memref<640x128xf32, #tpu.memory_space<hbm>>)
      tpu.yield
    }) : () -> ()
    return
  }
}

#map = affine_map<(d0, d1) -> (0, 0)>
#map1 = affine_map<(d0, d1) -> (0, 0, 0, 0)>
#map2 = affine_map<(d0, d1) -> (0, 0, 0)>
module attributes {stable_mosaic.version = 14 : i64} {
  func.func @_msg_kernel(%arg0: i32, %arg1: i32, %arg2: memref<10240x128xf32, #tpu.memory_space<hbm>>, %arg3: memref<32x90x2x112xi32, #tpu.memory_space<hbm>>, %arg4: memref<10240x128xf32, #tpu.memory_space<hbm>>, %arg5: memref<2x10240x128xf32, #tpu.memory_space<hbm>>, %arg6: memref<4x3x2x112xi32, #tpu.memory_space<vmem>>, %arg7: memref<112x128xf32, #tpu.memory_space<vmem>>, %arg8: memref<112x128xf32, #tpu.memory_space<vmem>>, %arg9: memref<112x128xf32, #tpu.memory_space<vmem>>, %arg10: memref<10240x128xf32, #tpu.memory_space<vmem_shared>>, %arg11: memref<!tpu.dma_semaphore, #tpu.memory_space<semaphore_mem>>, %arg12: memref<!tpu.dma_semaphore, #tpu.memory_space<semaphore_mem>>, %arg13: memref<!tpu.dma_semaphore, #tpu.memory_space<semaphore_mem>>, %arg14: memref<!tpu.dma_semaphore, #tpu.memory_space<semaphore_mem>>, %arg15: memref<!tpu.dma_semaphore, #tpu.memory_space<semaphore_mem>>, %arg16: memref<!tpu.dma_semaphore, #tpu.memory_space<semaphore_mem>>, %arg17: memref<!tpu.dma_semaphore, #tpu.memory_space<semaphore_mem>>) attributes {dimension_semantics = [#tpu.dimension_semantics<core_parallel>, #tpu.dimension_semantics<subcore_parallel>], iteration_bounds = array<i64: 2, 16>, scalar_prefetch = 0 : i64, scratch_operands = 12 : i64, tpu.core_type = #tpu.core_type<sc_vector_subcore>, window_params = [{transform_indices = #map}, {transform_indices = #map1}, {transform_indices = #map}, {transform_indices = #map2}]} {
    %mul3A = arith.constant 16 : i32
    %mul3A_0 = arith.muli %arg0, %mul3A : i32
    %add3A = arith.addi %mul3A_0, %arg1 : i32
    %mul3A_1 = arith.constant 640 : i32
    %mul3A_2 = arith.muli %arg1, %mul3A_1 : i32
    "tpu.region"() ({
      %run_scoped3A_35 = tpu.sem_alloc : memref<!tpu.dma_semaphore, #tpu.memory_space<semaphore_mem>>
      %dma_start3A = arith.constant 0 : i32
      %dma_start3A_36 = tpu.memref_slice %arg10[%mul3A_2, %dma_start3A] : memref<10240x128xf32, #tpu.memory_space<vmem_shared>> -> memref<640x128xf32, #tpu.memory_space<vmem_shared>>
      %dma_start3A_37 = arith.constant 0 : i32
      %dma_start3A_38 = tpu.memref_slice %arg4[%mul3A_2, %dma_start3A_37] : memref<10240x128xf32, #tpu.memory_space<hbm>> -> memref<640x128xf32, #tpu.memory_space<hbm>>
      tpu.enqueue_dma source(%dma_start3A_38 : memref<640x128xf32, #tpu.memory_space<hbm>>) target(%dma_start3A_36 : memref<640x128xf32, #tpu.memory_space<vmem_shared>>) target_semaphore(%run_scoped3A_35 : memref<!tpu.dma_semaphore, #tpu.memory_space<semaphore_mem>>)
      %dma_wait3A_39 = arith.constant 0 : i32
      %dma_wait3A_40 = tpu.memref_slice %arg10[%mul3A_2, %dma_wait3A_39] : memref<10240x128xf32, #tpu.memory_space<vmem_shared>> -> memref<640x128xf32, #tpu.memory_space<vmem_shared>>
      %dma_wait3A_41 = arith.constant 0 : i32
      %dma_wait3A_42 = tpu.memref_slice %arg4[%mul3A_2, %dma_wait3A_41] : memref<10240x128xf32, #tpu.memory_space<hbm>> -> memref<640x128xf32, #tpu.memory_space<hbm>>
      tpu.wait_dma2 semaphore(%run_scoped3A_35 : memref<!tpu.dma_semaphore, #tpu.memory_space<semaphore_mem>>) src(%dma_wait3A_42 : memref<640x128xf32, #tpu.memory_space<hbm>>) dst(%dma_wait3A_40 : memref<640x128xf32, #tpu.memory_space<vmem_shared>>)
      tpu.yield
    }) : () -> ()
    %run_scoped3A = arith.constant 0 : i32
    "tpu.region"() ({
      %run_scoped3A_35 = tpu.sem_alloc : memref<!tpu.dma_semaphore, #tpu.memory_space<semaphore_mem>>
      %dma_start3A = arith.constant 0 : i32
      %dma_start3A_36 = arith.constant 0 : i32
      %dma_start3A_37 = arith.constant 0 : i32
      %dma_start3A_38 = tpu.memref_slice %arg6[%run_scoped3A, %dma_start3A, %dma_start3A_36, %dma_start3A_37] : memref<4x3x2x112xi32, #tpu.memory_space<vmem>> -> memref<1x3x2x112xi32, #tpu.memory_space<vmem>>
      %dma_start3A_39 = tpu.memref_squeeze %dma_start3A_38 : memref<1x3x2x112xi32, #tpu.memory_space<vmem>> -> memref<3x2x112xi32, #tpu.memory_space<vmem>>
      %dma_start3A_40 = arith.constant 0 : i32
      %dma_start3A_41 = arith.constant 0 : i32
      %dma_start3A_42 = arith.constant 0 : i32
      %dma_start3A_43 = tpu.memref_slice %arg3[%add3A, %dma_start3A_40, %dma_start3A_41, %dma_start3A_42] : memref<32x90x2x112xi32, #tpu.memory_space<hbm>> -> memref<1x3x2x112xi32, #tpu.memory_space<hbm>>
      %dma_start3A_44 = tpu.memref_squeeze %dma_start3A_43 : memref<1x3x2x112xi32, #tpu.memory_space<hbm>> -> memref<3x2x112xi32, #tpu.memory_space<hbm>>
      %dma_start3A_45 = arith.constant 0 : i32
      %dma_start3A_46 = arith.constant 0 : i32
      %dma_start3A_47 = arith.constant 0 : i32
      %dma_start3A_48 = tpu.memref_slice %arg6[%run_scoped3A, %dma_start3A_45, %dma_start3A_46, %dma_start3A_47] : memref<4x3x2x112xi32, #tpu.memory_space<vmem>> -> memref<1x3x2x112xi32, #tpu.memory_space<vmem>>
      %dma_start3A_49 = tpu.memref_squeeze %dma_start3A_48 : memref<1x3x2x112xi32, #tpu.memory_space<vmem>> -> memref<3x2x112xi32, #tpu.memory_space<vmem>>
      %dma_start3A_50 = arith.constant 0 : i32
      %dma_start3A_51 = arith.constant 0 : i32
      %dma_start3A_52 = arith.constant 0 : i32
      %dma_start3A_53 = tpu.memref_slice %arg3[%add3A, %dma_start3A_50, %dma_start3A_51, %dma_start3A_52] : memref<32x90x2x112xi32, #tpu.memory_space<hbm>> -> memref<1x3x2x112xi32, #tpu.memory_space<hbm>>
      %dma_start3A_54 = tpu.memref_squeeze %dma_start3A_53 : memref<1x3x2x112xi32, #tpu.memory_space<hbm>> -> memref<3x2x112xi32, #tpu.memory_space<hbm>>
      tpu.enqueue_dma source(%dma_start3A_54 : memref<3x2x112xi32, #tpu.memory_space<hbm>>) target(%dma_start3A_49 : memref<3x2x112xi32, #tpu.memory_space<vmem>>) target_semaphore(%run_scoped3A_35 : memref<!tpu.dma_semaphore, #tpu.memory_space<semaphore_mem>>)
      %dma_wait3A_55 = arith.constant 0 : i32
      %dma_wait3A_56 = arith.constant 0 : i32
      %dma_wait3A_57 = arith.constant 0 : i32
      %dma_wait3A_58 = tpu.memref_slice %arg6[%run_scoped3A, %dma_wait3A_55, %dma_wait3A_56, %dma_wait3A_57] : memref<4x3x2x112xi32, #tpu.memory_space<vmem>> -> memref<1x3x2x112xi32, #tpu.memory_space<vmem>>
      %dma_wait3A_59 = tpu.memref_squeeze %dma_wait3A_58 : memref<1x3x2x112xi32, #tpu.memory_space<vmem>> -> memref<3x2x112xi32, #tpu.memory_space<vmem>>
      %dma_wait3A_60 = arith.constant 0 : i32
      %dma_wait3A_61 = arith.constant 0 : i32
      %dma_wait3A_62 = arith.constant 0 : i32
      %dma_wait3A_63 = tpu.memref_slice %arg3[%add3A, %dma_wait3A_60, %dma_wait3A_61, %dma_wait3A_62] : memref<32x90x2x112xi32, #tpu.memory_space<hbm>> -> memref<1x3x2x112xi32, #tpu.memory_space<hbm>>
      %dma_wait3A_64 = tpu.memref_squeeze %dma_wait3A_63 : memref<1x3x2x112xi32, #tpu.memory_space<hbm>> -> memref<3x2x112xi32, #tpu.memory_space<hbm>>
      %dma_wait3A_65 = arith.constant 0 : i32
      %dma_wait3A_66 = arith.constant 0 : i32
      %dma_wait3A_67 = arith.constant 0 : i32
      %dma_wait3A_68 = tpu.memref_slice %arg6[%run_scoped3A, %dma_wait3A_65, %dma_wait3A_66, %dma_wait3A_67] : memref<4x3x2x112xi32, #tpu.memory_space<vmem>> -> memref<1x3x2x112xi32, #tpu.memory_space<vmem>>
      %dma_wait3A_69 = tpu.memref_squeeze %dma_wait3A_68 : memref<1x3x2x112xi32, #tpu.memory_space<vmem>> -> memref<3x2x112xi32, #tpu.memory_space<vmem>>
      %dma_wait3A_70 = arith.constant 0 : i32
      %dma_wait3A_71 = arith.constant 0 : i32
      %dma_wait3A_72 = arith.constant 0 : i32
      %dma_wait3A_73 = tpu.memref_slice %arg3[%add3A, %dma_wait3A_70, %dma_wait3A_71, %dma_wait3A_72] : memref<32x90x2x112xi32, #tpu.memory_space<hbm>> -> memref<1x3x2x112xi32, #tpu.memory_space<hbm>>
      %dma_wait3A_74 = tpu.memref_squeeze %dma_wait3A_73 : memref<1x3x2x112xi32, #tpu.memory_space<hbm>> -> memref<3x2x112xi32, #tpu.memory_space<hbm>>
      tpu.wait_dma2 semaphore(%run_scoped3A_35 : memref<!tpu.dma_semaphore, #tpu.memory_space<semaphore_mem>>) src(%dma_wait3A_74 : memref<3x2x112xi32, #tpu.memory_space<hbm>>) dst(%dma_wait3A_69 : memref<3x2x112xi32, #tpu.memory_space<vmem>>)
      tpu.yield
    }) : () -> ()
    %barrier3A = arith.constant 0 : index
    tpu.barrier barrier_id(%barrier3A)
    %scan3A = arith.constant 0 : i32
    %scan3A_3 = arith.constant 0 : i32
    %scan3A_4 = arith.constant 30 : i32
    %scan3A_5 = arith.addi %scan3A_3, %scan3A_4 : i32
    %scan3A_6 = arith.constant 1 : i32
    scf.for %scan3A_35 = %scan3A_3 to %scan3A_5 step %scan3A_6  : i32 {
      %rem3A = arith.constant 4 : i32
      %rem3A_36 = arith.remsi %scan3A_35, %rem3A : i32
      %add3A_37 = arith.constant 1 : i32
      %add3A_38 = arith.addi %scan3A_35, %add3A_37 : i32
      %rem3A_39 = arith.constant 4 : i32
      %rem3A_40 = arith.remsi %add3A_38, %rem3A_39 : i32
      %add3A_41 = arith.constant 3 : i32
      %add3A_42 = arith.addi %scan3A_35, %add3A_41 : i32
      %rem3A_43 = arith.constant 4 : i32
      %rem3A_44 = arith.remsi %add3A_42, %rem3A_43 : i32
      %gt3A = arith.constant 0 : i32
      %gt3A_45 = arith.cmpi sgt, %scan3A_35, %gt3A : i32
      %convert_element_type3A = arith.extui %gt3A_45 : i1 to i32
      %cond3A = arith.constant 0 : i32
      %cond3A_46 = arith.cmpi ne, %convert_element_type3A, %cond3A : i32
      scf.if %cond3A_46 {
        %mul3A_139 = arith.constant 3 : i32
        %mul3A_140 = arith.muli %scan3A_35, %mul3A_139 : i32
        %dma_wait3A_141 = arith.constant 0 : i32
        %dma_wait3A_142 = arith.constant 0 : i32
        %dma_wait3A_143 = arith.constant 0 : i32
        %dma_wait3A_144 = tpu.memref_slice %arg6[%rem3A_36, %dma_wait3A_141, %dma_wait3A_142, %dma_wait3A_143] : memref<4x3x2x112xi32, #tpu.memory_space<vmem>> -> memref<1x3x2x112xi32, #tpu.memory_space<vmem>>
        %dma_wait3A_145 = tpu.memref_squeeze %dma_wait3A_144 : memref<1x3x2x112xi32, #tpu.memory_space<vmem>> -> memref<3x2x112xi32, #tpu.memory_space<vmem>>
        %dma_wait3A_146 = arith.constant 0 : i32
        %dma_wait3A_147 = arith.constant 0 : i32
        %dma_wait3A_148 = tpu.memref_slice %arg3[%add3A, %mul3A_140, %dma_wait3A_146, %dma_wait3A_147] : memref<32x90x2x112xi32, #tpu.memory_space<hbm>> -> memref<1x3x2x112xi32, #tpu.memory_space<hbm>>
        %dma_wait3A_149 = tpu.memref_squeeze %dma_wait3A_148 : memref<1x3x2x112xi32, #tpu.memory_space<hbm>> -> memref<3x2x112xi32, #tpu.memory_space<hbm>>
        %dma_wait3A_150 = arith.constant 0 : i32
        %dma_wait3A_151 = arith.constant 0 : i32
        %dma_wait3A_152 = arith.constant 0 : i32
        %dma_wait3A_153 = tpu.memref_slice %arg6[%rem3A_36, %dma_wait3A_150, %dma_wait3A_151, %dma_wait3A_152] : memref<4x3x2x112xi32, #tpu.memory_space<vmem>> -> memref<1x3x2x112xi32, #tpu.memory_space<vmem>>
        %dma_wait3A_154 = tpu.memref_squeeze %dma_wait3A_153 : memref<1x3x2x112xi32, #tpu.memory_space<vmem>> -> memref<3x2x112xi32, #tpu.memory_space<vmem>>
        %dma_wait3A_155 = arith.constant 0 : i32
        %dma_wait3A_156 = arith.constant 0 : i32
        %dma_wait3A_157 = tpu.memref_slice %arg3[%add3A, %mul3A_140, %dma_wait3A_155, %dma_wait3A_156] : memref<32x90x2x112xi32, #tpu.memory_space<hbm>> -> memref<1x3x2x112xi32, #tpu.memory_space<hbm>>
        %dma_wait3A_158 = tpu.memref_squeeze %dma_wait3A_157 : memref<1x3x2x112xi32, #tpu.memory_space<hbm>> -> memref<3x2x112xi32, #tpu.memory_space<hbm>>
        tpu.wait_dma2 semaphore(%arg17 : memref<!tpu.dma_semaphore, #tpu.memory_space<semaphore_mem>>) src(%dma_wait3A_158 : memref<3x2x112xi32, #tpu.memory_space<hbm>>) dst(%dma_wait3A_154 : memref<3x2x112xi32, #tpu.memory_space<vmem>>)
      } else {
      }
      %add3A_47 = arith.constant 1 : i32
      %add3A_48 = arith.addi %scan3A_35, %add3A_47 : i32
      %lt3A = arith.constant 30 : i32
      %lt3A_49 = arith.cmpi slt, %add3A_48, %lt3A : i32
      %convert_element_type3A_50 = arith.extui %lt3A_49 : i1 to i32
      %cond3A_51 = arith.constant 0 : i32
      %cond3A_52 = arith.cmpi ne, %convert_element_type3A_50, %cond3A_51 : i32
      scf.if %cond3A_52 {
        %add3A_139 = arith.constant 1 : i32
        %add3A_140 = arith.addi %scan3A_35, %add3A_139 : i32
        %mul3A_141 = arith.constant 3 : i32
        %mul3A_142 = arith.muli %add3A_140, %mul3A_141 : i32
        %dma_start3A_143 = arith.constant 0 : i32
        %dma_start3A_144 = arith.constant 0 : i32
        %dma_start3A_145 = arith.constant 0 : i32
        %dma_start3A_146 = tpu.memref_slice %arg6[%rem3A_40, %dma_start3A_143, %dma_start3A_144, %dma_start3A_145] : memref<4x3x2x112xi32, #tpu.memory_space<vmem>> -> memref<1x3x2x112xi32, #tpu.memory_space<vmem>>
        %dma_start3A_147 = tpu.memref_squeeze %dma_start3A_146 : memref<1x3x2x112xi32, #tpu.memory_space<vmem>> -> memref<3x2x112xi32, #tpu.memory_space<vmem>>
        %dma_start3A_148 = arith.constant 0 : i32
        %dma_start3A_149 = arith.constant 0 : i32
        %dma_start3A_150 = tpu.memref_slice %arg3[%add3A, %mul3A_142, %dma_start3A_148, %dma_start3A_149] : memref<32x90x2x112xi32, #tpu.memory_space<hbm>> -> memref<1x3x2x112xi32, #tpu.memory_space<hbm>>
        %dma_start3A_151 = tpu.memref_squeeze %dma_start3A_150 : memref<1x3x2x112xi32, #tpu.memory_space<hbm>> -> memref<3x2x112xi32, #tpu.memory_space<hbm>>
        %dma_start3A_152 = arith.constant 0 : i32
        %dma_start3A_153 = arith.constant 0 : i32
        %dma_start3A_154 = arith.constant 0 : i32
        %dma_start3A_155 = tpu.memref_slice %arg6[%rem3A_40, %dma_start3A_152, %dma_start3A_153, %dma_start3A_154] : memref<4x3x2x112xi32, #tpu.memory_space<vmem>> -> memref<1x3x2x112xi32, #tpu.memory_space<vmem>>
        %dma_start3A_156 = tpu.memref_squeeze %dma_start3A_155 : memref<1x3x2x112xi32, #tpu.memory_space<vmem>> -> memref<3x2x112xi32, #tpu.memory_space<vmem>>
        %dma_start3A_157 = arith.constant 0 : i32
        %dma_start3A_158 = arith.constant 0 : i32
        %dma_start3A_159 = tpu.memref_slice %arg3[%add3A, %mul3A_142, %dma_start3A_157, %dma_start3A_158] : memref<32x90x2x112xi32, #tpu.memory_space<hbm>> -> memref<1x3x2x112xi32, #tpu.memory_space<hbm>>
        %dma_start3A_160 = tpu.memref_squeeze %dma_start3A_159 : memref<1x3x2x112xi32, #tpu.memory_space<hbm>> -> memref<3x2x112xi32, #tpu.memory_space<hbm>>
        tpu.enqueue_dma source(%dma_start3A_160 : memref<3x2x112xi32, #tpu.memory_space<hbm>>) target(%dma_start3A_156 : memref<3x2x112xi32, #tpu.memory_space<vmem>>) target_semaphore(%arg17 : memref<!tpu.dma_semaphore, #tpu.memory_space<semaphore_mem>>)
      } else {
      }
      %gt3A_53 = arith.constant 0 : i32
      %gt3A_54 = arith.cmpi sgt, %scan3A_35, %gt3A_53 : i32
      %convert_element_type3A_55 = arith.extui %gt3A_54 : i1 to i32
      %cond3A_56 = arith.constant 0 : i32
      %cond3A_57 = arith.cmpi ne, %convert_element_type3A_55, %cond3A_56 : i32
      scf.if %cond3A_57 {
        %dma_wait3A_139 = arith.constant 0 : i32
        %dma_wait3A_140 = arith.constant 1 : i32
        %dma_wait3A_141 = arith.constant 0 : i32
        %dma_wait3A_142 = tpu.memref_slice %arg6[%rem3A_44, %dma_wait3A_139, %dma_wait3A_140, %dma_wait3A_141] : memref<4x3x2x112xi32, #tpu.memory_space<vmem>> -> memref<1x1x1x112xi32, #tpu.memory_space<vmem>>
        %dma_wait3A_143 = tpu.memref_squeeze %dma_wait3A_142 : memref<1x1x1x112xi32, #tpu.memory_space<vmem>> -> memref<112xi32, #tpu.memory_space<vmem>>
        %dma_wait3A_144 = arith.constant 0 : i32
        %dma_wait3A_145 = arith.constant 0 : i32
        %dma_wait3A_146 = tpu.memref_slice %arg10[%dma_wait3A_144, %dma_wait3A_145] : memref<10240x128xf32, #tpu.memory_space<vmem_shared>> -> memref<10240x128xf32, #tpu.memory_space<vmem_shared>>
        tpu.wait_indirect_dma semaphore(%arg14 : memref<!tpu.dma_semaphore, #tpu.memory_space<semaphore_mem>>) src(%arg7 : memref<112x128xf32, #tpu.memory_space<vmem>>) dst(%dma_wait3A_146 : memref<10240x128xf32, #tpu.memory_space<vmem_shared>>)
      } else {
      }
      %dma_start3A = arith.constant 0 : i32
      %dma_start3A_58 = arith.constant 0 : i32
      %dma_start3A_59 = arith.constant 0 : i32
      %dma_start3A_60 = tpu.memref_slice %arg6[%rem3A_36, %dma_start3A, %dma_start3A_58, %dma_start3A_59] : memref<4x3x2x112xi32, #tpu.memory_space<vmem>> -> memref<1x1x1x112xi32, #tpu.memory_space<vmem>>
      %dma_start3A_61 = tpu.memref_squeeze %dma_start3A_60 : memref<1x1x1x112xi32, #tpu.memory_space<vmem>> -> memref<112xi32, #tpu.memory_space<vmem>>
      %dma_start3A_62 = arith.constant 0 : i32
      %dma_start3A_63 = arith.constant 0 : i32
      %dma_start3A_64 = tpu.memref_slice %arg2[%dma_start3A_62, %dma_start3A_63] : memref<10240x128xf32, #tpu.memory_space<hbm>> -> memref<10240x128xf32, #tpu.memory_space<hbm>>
      tpu.enqueue_indirect_dma source(%dma_start3A_64 : memref<10240x128xf32, #tpu.memory_space<hbm>>) target(%arg7 : memref<112x128xf32, #tpu.memory_space<vmem>>) offsets(%dma_start3A_61 : memref<112xi32, #tpu.memory_space<vmem>>) semaphore(%arg11 : memref<!tpu.dma_semaphore, #tpu.memory_space<semaphore_mem>>)
      %gt3A_65 = arith.constant 0 : i32
      %gt3A_66 = arith.cmpi sgt, %scan3A_35, %gt3A_65 : i32
      %convert_element_type3A_67 = arith.extui %gt3A_66 : i1 to i32
      %cond3A_68 = arith.constant 0 : i32
      %cond3A_69 = arith.cmpi ne, %convert_element_type3A_67, %cond3A_68 : i32
      scf.if %cond3A_69 {
        %dma_wait3A_139 = arith.constant 1 : i32
        %dma_wait3A_140 = arith.constant 1 : i32
        %dma_wait3A_141 = arith.constant 0 : i32
        %dma_wait3A_142 = tpu.memref_slice %arg6[%rem3A_44, %dma_wait3A_139, %dma_wait3A_140, %dma_wait3A_141] : memref<4x3x2x112xi32, #tpu.memory_space<vmem>> -> memref<1x1x1x112xi32, #tpu.memory_space<vmem>>
        %dma_wait3A_143 = tpu.memref_squeeze %dma_wait3A_142 : memref<1x1x1x112xi32, #tpu.memory_space<vmem>> -> memref<112xi32, #tpu.memory_space<vmem>>
        %dma_wait3A_144 = arith.constant 0 : i32
        %dma_wait3A_145 = arith.constant 0 : i32
        %dma_wait3A_146 = tpu.memref_slice %arg10[%dma_wait3A_144, %dma_wait3A_145] : memref<10240x128xf32, #tpu.memory_space<vmem_shared>> -> memref<10240x128xf32, #tpu.memory_space<vmem_shared>>
        tpu.wait_indirect_dma semaphore(%arg15 : memref<!tpu.dma_semaphore, #tpu.memory_space<semaphore_mem>>) src(%arg8 : memref<112x128xf32, #tpu.memory_space<vmem>>) dst(%dma_wait3A_146 : memref<10240x128xf32, #tpu.memory_space<vmem_shared>>)
      } else {
      }
      %dma_start3A_70 = arith.constant 1 : i32
      %dma_start3A_71 = arith.constant 0 : i32
      %dma_start3A_72 = arith.constant 0 : i32
      %dma_start3A_73 = tpu.memref_slice %arg6[%rem3A_36, %dma_start3A_70, %dma_start3A_71, %dma_start3A_72] : memref<4x3x2x112xi32, #tpu.memory_space<vmem>> -> memref<1x1x1x112xi32, #tpu.memory_space<vmem>>
      %dma_start3A_74 = tpu.memref_squeeze %dma_start3A_73 : memref<1x1x1x112xi32, #tpu.memory_space<vmem>> -> memref<112xi32, #tpu.memory_space<vmem>>
      %dma_start3A_75 = arith.constant 0 : i32
      %dma_start3A_76 = arith.constant 0 : i32
      %dma_start3A_77 = tpu.memref_slice %arg2[%dma_start3A_75, %dma_start3A_76] : memref<10240x128xf32, #tpu.memory_space<hbm>> -> memref<10240x128xf32, #tpu.memory_space<hbm>>
      tpu.enqueue_indirect_dma source(%dma_start3A_77 : memref<10240x128xf32, #tpu.memory_space<hbm>>) target(%arg8 : memref<112x128xf32, #tpu.memory_space<vmem>>) offsets(%dma_start3A_74 : memref<112xi32, #tpu.memory_space<vmem>>) semaphore(%arg12 : memref<!tpu.dma_semaphore, #tpu.memory_space<semaphore_mem>>)
      %gt3A_78 = arith.constant 0 : i32
      %gt3A_79 = arith.cmpi sgt, %scan3A_35, %gt3A_78 : i32
      %convert_element_type3A_80 = arith.extui %gt3A_79 : i1 to i32
      %cond3A_81 = arith.constant 0 : i32
      %cond3A_82 = arith.cmpi ne, %convert_element_type3A_80, %cond3A_81 : i32
      scf.if %cond3A_82 {
        %dma_wait3A_139 = arith.constant 2 : i32
        %dma_wait3A_140 = arith.constant 1 : i32
        %dma_wait3A_141 = arith.constant 0 : i32
        %dma_wait3A_142 = tpu.memref_slice %arg6[%rem3A_44, %dma_wait3A_139, %dma_wait3A_140, %dma_wait3A_141] : memref<4x3x2x112xi32, #tpu.memory_space<vmem>> -> memref<1x1x1x112xi32, #tpu.memory_space<vmem>>
        %dma_wait3A_143 = tpu.memref_squeeze %dma_wait3A_142 : memref<1x1x1x112xi32, #tpu.memory_space<vmem>> -> memref<112xi32, #tpu.memory_space<vmem>>
        %dma_wait3A_144 = arith.constant 0 : i32
        %dma_wait3A_145 = arith.constant 0 : i32
        %dma_wait3A_146 = tpu.memref_slice %arg10[%dma_wait3A_144, %dma_wait3A_145] : memref<10240x128xf32, #tpu.memory_space<vmem_shared>> -> memref<10240x128xf32, #tpu.memory_space<vmem_shared>>
        tpu.wait_indirect_dma semaphore(%arg16 : memref<!tpu.dma_semaphore, #tpu.memory_space<semaphore_mem>>) src(%arg9 : memref<112x128xf32, #tpu.memory_space<vmem>>) dst(%dma_wait3A_146 : memref<10240x128xf32, #tpu.memory_space<vmem_shared>>)
      } else {
      }
      %dma_start3A_83 = arith.constant 2 : i32
      %dma_start3A_84 = arith.constant 0 : i32
      %dma_start3A_85 = arith.constant 0 : i32
      %dma_start3A_86 = tpu.memref_slice %arg6[%rem3A_36, %dma_start3A_83, %dma_start3A_84, %dma_start3A_85] : memref<4x3x2x112xi32, #tpu.memory_space<vmem>> -> memref<1x1x1x112xi32, #tpu.memory_space<vmem>>
      %dma_start3A_87 = tpu.memref_squeeze %dma_start3A_86 : memref<1x1x1x112xi32, #tpu.memory_space<vmem>> -> memref<112xi32, #tpu.memory_space<vmem>>
      %dma_start3A_88 = arith.constant 0 : i32
      %dma_start3A_89 = arith.constant 0 : i32
      %dma_start3A_90 = tpu.memref_slice %arg2[%dma_start3A_88, %dma_start3A_89] : memref<10240x128xf32, #tpu.memory_space<hbm>> -> memref<10240x128xf32, #tpu.memory_space<hbm>>
      tpu.enqueue_indirect_dma source(%dma_start3A_90 : memref<10240x128xf32, #tpu.memory_space<hbm>>) target(%arg9 : memref<112x128xf32, #tpu.memory_space<vmem>>) offsets(%dma_start3A_87 : memref<112xi32, #tpu.memory_space<vmem>>) semaphore(%arg13 : memref<!tpu.dma_semaphore, #tpu.memory_space<semaphore_mem>>)
      %dma_wait3A_91 = arith.constant 0 : i32
      %dma_wait3A_92 = arith.constant 0 : i32
      %dma_wait3A_93 = arith.constant 0 : i32
      %dma_wait3A_94 = tpu.memref_slice %arg6[%rem3A_36, %dma_wait3A_91, %dma_wait3A_92, %dma_wait3A_93] : memref<4x3x2x112xi32, #tpu.memory_space<vmem>> -> memref<1x1x1x112xi32, #tpu.memory_space<vmem>>
      %dma_wait3A_95 = tpu.memref_squeeze %dma_wait3A_94 : memref<1x1x1x112xi32, #tpu.memory_space<vmem>> -> memref<112xi32, #tpu.memory_space<vmem>>
      %dma_wait3A_96 = arith.constant 0 : i32
      %dma_wait3A_97 = arith.constant 0 : i32
      %dma_wait3A_98 = tpu.memref_slice %arg2[%dma_wait3A_96, %dma_wait3A_97] : memref<10240x128xf32, #tpu.memory_space<hbm>> -> memref<10240x128xf32, #tpu.memory_space<hbm>>
      tpu.wait_indirect_dma semaphore(%arg11 : memref<!tpu.dma_semaphore, #tpu.memory_space<semaphore_mem>>) src(%dma_wait3A_98 : memref<10240x128xf32, #tpu.memory_space<hbm>>) dst(%arg7 : memref<112x128xf32, #tpu.memory_space<vmem>>)
      %dma_start3A_99 = arith.constant 0 : i32
      %dma_start3A_100 = arith.constant 1 : i32
      %dma_start3A_101 = arith.constant 0 : i32
      %dma_start3A_102 = tpu.memref_slice %arg6[%rem3A_36, %dma_start3A_99, %dma_start3A_100, %dma_start3A_101] : memref<4x3x2x112xi32, #tpu.memory_space<vmem>> -> memref<1x1x1x112xi32, #tpu.memory_space<vmem>>
      %dma_start3A_103 = tpu.memref_squeeze %dma_start3A_102 : memref<1x1x1x112xi32, #tpu.memory_space<vmem>> -> memref<112xi32, #tpu.memory_space<vmem>>
      %dma_start3A_104 = arith.constant 0 : i32
      %dma_start3A_105 = arith.constant 0 : i32
      %dma_start3A_106 = tpu.memref_slice %arg10[%dma_start3A_104, %dma_start3A_105] : memref<10240x128xf32, #tpu.memory_space<vmem_shared>> -> memref<10240x128xf32, #tpu.memory_space<vmem_shared>>
      tpu.enqueue_indirect_dma source(%arg7 : memref<112x128xf32, #tpu.memory_space<vmem>>) target(%dma_start3A_106 : memref<10240x128xf32, #tpu.memory_space<vmem_shared>>) offsets(%dma_start3A_103 : memref<112xi32, #tpu.memory_space<vmem>>) semaphore(%arg14 : memref<!tpu.dma_semaphore, #tpu.memory_space<semaphore_mem>>) {add = true}
      %dma_wait3A_107 = arith.constant 1 : i32
      %dma_wait3A_108 = arith.constant 0 : i32
      %dma_wait3A_109 = arith.constant 0 : i32
      %dma_wait3A_110 = tpu.memref_slice %arg6[%rem3A_36, %dma_wait3A_107, %dma_wait3A_108, %dma_wait3A_109] : memref<4x3x2x112xi32, #tpu.memory_space<vmem>> -> memref<1x1x1x112xi32, #tpu.memory_space<vmem>>
      %dma_wait3A_111 = tpu.memref_squeeze %dma_wait3A_110 : memref<1x1x1x112xi32, #tpu.memory_space<vmem>> -> memref<112xi32, #tpu.memory_space<vmem>>
      %dma_wait3A_112 = arith.constant 0 : i32
      %dma_wait3A_113 = arith.constant 0 : i32
      %dma_wait3A_114 = tpu.memref_slice %arg2[%dma_wait3A_112, %dma_wait3A_113] : memref<10240x128xf32, #tpu.memory_space<hbm>> -> memref<10240x128xf32, #tpu.memory_space<hbm>>
      tpu.wait_indirect_dma semaphore(%arg12 : memref<!tpu.dma_semaphore, #tpu.memory_space<semaphore_mem>>) src(%dma_wait3A_114 : memref<10240x128xf32, #tpu.memory_space<hbm>>) dst(%arg8 : memref<112x128xf32, #tpu.memory_space<vmem>>)
      %dma_start3A_115 = arith.constant 1 : i32
      %dma_start3A_116 = arith.constant 1 : i32
      %dma_start3A_117 = arith.constant 0 : i32
      %dma_start3A_118 = tpu.memref_slice %arg6[%rem3A_36, %dma_start3A_115, %dma_start3A_116, %dma_start3A_117] : memref<4x3x2x112xi32, #tpu.memory_space<vmem>> -> memref<1x1x1x112xi32, #tpu.memory_space<vmem>>
      %dma_start3A_119 = tpu.memref_squeeze %dma_start3A_118 : memref<1x1x1x112xi32, #tpu.memory_space<vmem>> -> memref<112xi32, #tpu.memory_space<vmem>>
      %dma_start3A_120 = arith.constant 0 : i32
      %dma_start3A_121 = arith.constant 0 : i32
      %dma_start3A_122 = tpu.memref_slice %arg10[%dma_start3A_120, %dma_start3A_121] : memref<10240x128xf32, #tpu.memory_space<vmem_shared>> -> memref<10240x128xf32, #tpu.memory_space<vmem_shared>>
      tpu.enqueue_indirect_dma source(%arg8 : memref<112x128xf32, #tpu.memory_space<vmem>>) target(%dma_start3A_122 : memref<10240x128xf32, #tpu.memory_space<vmem_shared>>) offsets(%dma_start3A_119 : memref<112xi32, #tpu.memory_space<vmem>>) semaphore(%arg15 : memref<!tpu.dma_semaphore, #tpu.memory_space<semaphore_mem>>) {add = true}
      %dma_wait3A_123 = arith.constant 2 : i32
      %dma_wait3A_124 = arith.constant 0 : i32
      %dma_wait3A_125 = arith.constant 0 : i32
      %dma_wait3A_126 = tpu.memref_slice %arg6[%rem3A_36, %dma_wait3A_123, %dma_wait3A_124, %dma_wait3A_125] : memref<4x3x2x112xi32, #tpu.memory_space<vmem>> -> memref<1x1x1x112xi32, #tpu.memory_space<vmem>>
      %dma_wait3A_127 = tpu.memref_squeeze %dma_wait3A_126 : memref<1x1x1x112xi32, #tpu.memory_space<vmem>> -> memref<112xi32, #tpu.memory_space<vmem>>
      %dma_wait3A_128 = arith.constant 0 : i32
      %dma_wait3A_129 = arith.constant 0 : i32
      %dma_wait3A_130 = tpu.memref_slice %arg2[%dma_wait3A_128, %dma_wait3A_129] : memref<10240x128xf32, #tpu.memory_space<hbm>> -> memref<10240x128xf32, #tpu.memory_space<hbm>>
      tpu.wait_indirect_dma semaphore(%arg13 : memref<!tpu.dma_semaphore, #tpu.memory_space<semaphore_mem>>) src(%dma_wait3A_130 : memref<10240x128xf32, #tpu.memory_space<hbm>>) dst(%arg9 : memref<112x128xf32, #tpu.memory_space<vmem>>)
      %dma_start3A_131 = arith.constant 2 : i32
      %dma_start3A_132 = arith.constant 1 : i32
      %dma_start3A_133 = arith.constant 0 : i32
      %dma_start3A_134 = tpu.memref_slice %arg6[%rem3A_36, %dma_start3A_131, %dma_start3A_132, %dma_start3A_133] : memref<4x3x2x112xi32, #tpu.memory_space<vmem>> -> memref<1x1x1x112xi32, #tpu.memory_space<vmem>>
      %dma_start3A_135 = tpu.memref_squeeze %dma_start3A_134 : memref<1x1x1x112xi32, #tpu.memory_space<vmem>> -> memref<112xi32, #tpu.memory_space<vmem>>
      %dma_start3A_136 = arith.constant 0 : i32
      %dma_start3A_137 = arith.constant 0 : i32
      %dma_start3A_138 = tpu.memref_slice %arg10[%dma_start3A_136, %dma_start3A_137] : memref<10240x128xf32, #tpu.memory_space<vmem_shared>> -> memref<10240x128xf32, #tpu.memory_space<vmem_shared>>
      tpu.enqueue_indirect_dma source(%arg9 : memref<112x128xf32, #tpu.memory_space<vmem>>) target(%dma_start3A_138 : memref<10240x128xf32, #tpu.memory_space<vmem_shared>>) offsets(%dma_start3A_135 : memref<112xi32, #tpu.memory_space<vmem>>) semaphore(%arg16 : memref<!tpu.dma_semaphore, #tpu.memory_space<semaphore_mem>>) {add = true}
    }
    %scan3A_7 = arith.constant 30 : i32
    %dma_wait3A = arith.constant 1 : i32
    %dma_wait3A_8 = arith.constant 0 : i32
    %dma_wait3A_9 = arith.constant 1 : i32
    %dma_wait3A_10 = arith.constant 0 : i32
    %dma_wait3A_11 = tpu.memref_slice %arg6[%dma_wait3A, %dma_wait3A_8, %dma_wait3A_9, %dma_wait3A_10] : memref<4x3x2x112xi32, #tpu.memory_space<vmem>> -> memref<1x1x1x112xi32, #tpu.memory_space<vmem>>
    %dma_wait3A_12 = tpu.memref_squeeze %dma_wait3A_11 : memref<1x1x1x112xi32, #tpu.memory_space<vmem>> -> memref<112xi32, #tpu.memory_space<vmem>>
    %dma_wait3A_13 = arith.constant 0 : i32
    %dma_wait3A_14 = arith.constant 0 : i32
    %dma_wait3A_15 = tpu.memref_slice %arg10[%dma_wait3A_13, %dma_wait3A_14] : memref<10240x128xf32, #tpu.memory_space<vmem_shared>> -> memref<10240x128xf32, #tpu.memory_space<vmem_shared>>
    tpu.wait_indirect_dma semaphore(%arg14 : memref<!tpu.dma_semaphore, #tpu.memory_space<semaphore_mem>>) src(%arg7 : memref<112x128xf32, #tpu.memory_space<vmem>>) dst(%dma_wait3A_15 : memref<10240x128xf32, #tpu.memory_space<vmem_shared>>)
    %dma_wait3A_16 = arith.constant 1 : i32
    %dma_wait3A_17 = arith.constant 1 : i32
    %dma_wait3A_18 = arith.constant 1 : i32
    %dma_wait3A_19 = arith.constant 0 : i32
    %dma_wait3A_20 = tpu.memref_slice %arg6[%dma_wait3A_16, %dma_wait3A_17, %dma_wait3A_18, %dma_wait3A_19] : memref<4x3x2x112xi32, #tpu.memory_space<vmem>> -> memref<1x1x1x112xi32, #tpu.memory_space<vmem>>
    %dma_wait3A_21 = tpu.memref_squeeze %dma_wait3A_20 : memref<1x1x1x112xi32, #tpu.memory_space<vmem>> -> memref<112xi32, #tpu.memory_space<vmem>>
    %dma_wait3A_22 = arith.constant 0 : i32
    %dma_wait3A_23 = arith.constant 0 : i32
    %dma_wait3A_24 = tpu.memref_slice %arg10[%dma_wait3A_22, %dma_wait3A_23] : memref<10240x128xf32, #tpu.memory_space<vmem_shared>> -> memref<10240x128xf32, #tpu.memory_space<vmem_shared>>
    tpu.wait_indirect_dma semaphore(%arg15 : memref<!tpu.dma_semaphore, #tpu.memory_space<semaphore_mem>>) src(%arg8 : memref<112x128xf32, #tpu.memory_space<vmem>>) dst(%dma_wait3A_24 : memref<10240x128xf32, #tpu.memory_space<vmem_shared>>)
    %dma_wait3A_25 = arith.constant 1 : i32
    %dma_wait3A_26 = arith.constant 2 : i32
    %dma_wait3A_27 = arith.constant 1 : i32
    %dma_wait3A_28 = arith.constant 0 : i32
    %dma_wait3A_29 = tpu.memref_slice %arg6[%dma_wait3A_25, %dma_wait3A_26, %dma_wait3A_27, %dma_wait3A_28] : memref<4x3x2x112xi32, #tpu.memory_space<vmem>> -> memref<1x1x1x112xi32, #tpu.memory_space<vmem>>
    %dma_wait3A_30 = tpu.memref_squeeze %dma_wait3A_29 : memref<1x1x1x112xi32, #tpu.memory_space<vmem>> -> memref<112xi32, #tpu.memory_space<vmem>>
    %dma_wait3A_31 = arith.constant 0 : i32
    %dma_wait3A_32 = arith.constant 0 : i32
    %dma_wait3A_33 = tpu.memref_slice %arg10[%dma_wait3A_31, %dma_wait3A_32] : memref<10240x128xf32, #tpu.memory_space<vmem_shared>> -> memref<10240x128xf32, #tpu.memory_space<vmem_shared>>
    tpu.wait_indirect_dma semaphore(%arg16 : memref<!tpu.dma_semaphore, #tpu.memory_space<semaphore_mem>>) src(%arg9 : memref<112x128xf32, #tpu.memory_space<vmem>>) dst(%dma_wait3A_33 : memref<10240x128xf32, #tpu.memory_space<vmem_shared>>)
    %barrier3A_34 = arith.constant 0 : index
    tpu.barrier barrier_id(%barrier3A_34)
    "tpu.region"() ({
      %run_scoped3A_35 = tpu.sem_alloc : memref<!tpu.dma_semaphore, #tpu.memory_space<semaphore_mem>>
      %dma_start3A = arith.constant 0 : i32
      %dma_start3A_36 = tpu.memref_slice %arg5[%arg0, %mul3A_2, %dma_start3A] : memref<2x10240x128xf32, #tpu.memory_space<hbm>> -> memref<1x640x128xf32, #tpu.memory_space<hbm>>
      %dma_start3A_37 = tpu.memref_squeeze %dma_start3A_36 : memref<1x640x128xf32, #tpu.memory_space<hbm>> -> memref<640x128xf32, #tpu.memory_space<hbm>>
      %dma_start3A_38 = arith.constant 0 : i32
      %dma_start3A_39 = tpu.memref_slice %arg10[%mul3A_2, %dma_start3A_38] : memref<10240x128xf32, #tpu.memory_space<vmem_shared>> -> memref<640x128xf32, #tpu.memory_space<vmem_shared>>
      tpu.enqueue_dma source(%dma_start3A_39 : memref<640x128xf32, #tpu.memory_space<vmem_shared>>) target(%dma_start3A_37 : memref<640x128xf32, #tpu.memory_space<hbm>>) target_semaphore(%run_scoped3A_35 : memref<!tpu.dma_semaphore, #tpu.memory_space<semaphore_mem>>)
      %dma_wait3A_40 = arith.constant 0 : i32
      %dma_wait3A_41 = tpu.memref_slice %arg5[%arg0, %mul3A_2, %dma_wait3A_40] : memref<2x10240x128xf32, #tpu.memory_space<hbm>> -> memref<1x640x128xf32, #tpu.memory_space<hbm>>
      %dma_wait3A_42 = tpu.memref_squeeze %dma_wait3A_41 : memref<1x640x128xf32, #tpu.memory_space<hbm>> -> memref<640x128xf32, #tpu.memory_space<hbm>>
      %dma_wait3A_43 = arith.constant 0 : i32
      %dma_wait3A_44 = tpu.memref_slice %arg10[%mul3A_2, %dma_wait3A_43] : memref<10240x128xf32, #tpu.memory_space<vmem_shared>> -> memref<640x128xf32, #tpu.memory_space<vmem_shared>>
      tpu.wait_dma2 semaphore(%run_scoped3A_35 : memref<!tpu.dma_semaphore, #tpu.memory_space<semaphore_mem>>) src(%dma_wait3A_44 : memref<640x128xf32, #tpu.memory_space<vmem_shared>>) dst(%dma_wait3A_42 : memref<640x128xf32, #tpu.memory_space<hbm>>)
      tpu.yield
    }) : () -> ()
    return
  }
}

module attributes {stable_mosaic.version = 14 : i64} {
  func.func @_tc1_body(%arg0: i32, %arg1: memref<1024x128xf32, #tpu.memory_space<vmem>>, %arg2: memref<2x1024xf32, #tpu.memory_space<vmem>>, %arg3: memref<128x128xf32, #tpu.memory_space<vmem>>, %arg4: memref<128xf32, #tpu.memory_space<vmem>>, %arg5: memref<128x128xf32, #tpu.memory_space<vmem>>, %arg6: memref<1024x128xf32, #tpu.memory_space<vmem>>) attributes {dimension_semantics = [#tpu.dimension_semantics<arbitrary>], iteration_bounds = array<i64: 10>, scalar_prefetch = 0 : i64, scratch_operands = 0 : i64, tpu.core_type = #tpu.core_type<tc>, window_params = [{transform_indices = @transform_0, window_bounds = array<i64: 1024, 128>}, {transform_indices = @transform_1, window_bounds = array<i64: 2, 1024>}, {pipeline_mode = #tpu.pipeline_mode<synchronous>, transform_indices = @transform_2, window_bounds = array<i64: 128, 128>}, {pipeline_mode = #tpu.pipeline_mode<synchronous>, transform_indices = @transform_3, window_bounds = array<i64: 128>}, {pipeline_mode = #tpu.pipeline_mode<synchronous>, transform_indices = @transform_4, window_bounds = array<i64: 128, 128>}, {transform_indices = @transform_5, window_bounds = array<i64: 1024, 128>}]} {
    %get3A = arith.constant 0 : index
    %get3A_0 = arith.constant 0 : index
    %get3A_1 = vector.load %arg2[%get3A, %get3A_0] : memref<2x1024xf32, #tpu.memory_space<vmem>>, vector<1x1024xf32>
    %get3A_2 = vector.shape_cast %get3A_1 : vector<1x1024xf32> to vector<1024xf32>
    %get3A_3 = arith.constant 1 : index
    %get3A_4 = arith.constant 0 : index
    %get3A_5 = vector.load %arg2[%get3A_3, %get3A_4] : memref<2x1024xf32, #tpu.memory_space<vmem>>, vector<1x1024xf32>
    %get3A_6 = vector.shape_cast %get3A_5 : vector<1x1024xf32> to vector<1024xf32>
    %add3A = arith.addf %get3A_2, %get3A_6 : vector<1024xf32>
    %add3A_7 = arith.constant 1.000000e+00 : f32
    %add3A_8 = vector.broadcast %add3A_7 : f32 to vector<1024xf32>
    %add3A_9 = arith.addf %add3A, %add3A_8 : vector<1024xf32>
    %rsqrt3A = math.rsqrt %add3A_9 : vector<1024xf32>
    %get3A_10 = arith.constant 0 : index
    %get3A_11 = arith.constant 0 : index
    %get3A_12 = vector.load %arg1[%get3A_10, %get3A_11] : memref<1024x128xf32, #tpu.memory_space<vmem>>, vector<1024x128xf32>
    %get3A_13 = arith.constant 0 : index
    %get3A_14 = arith.constant 0 : index
    %get3A_15 = vector.load %arg3[%get3A_13, %get3A_14] : memref<128x128xf32, #tpu.memory_space<vmem>>, vector<128x128xf32>
    %dot_general3A = arith.constant dense<0.000000e+00> : vector<1024x128xf32>
    %dot_general3A_16 = tpu.matmul %get3A_12, %get3A_15, %dot_general3A {dimension_numbers = #tpu.dot_dimension_numbers<[1], [0], [0], [1], [0, 0, 1, 1], [], []>, transpose_lhs_hint = false} : vector<1024x128xf32>, vector<128x128xf32>, vector<1024x128xf32> -> vector<1024x128xf32>
    %get3A_17 = arith.constant 0 : index
    %get3A_18 = vector.load %arg4[%get3A_17] : memref<128xf32, #tpu.memory_space<vmem>>, vector<128xf32>
    %broadcast_in_dim3A = vector.shape_cast %get3A_18 : vector<128xf32> to vector<1x128xf32>
    %add3A_19 = vector.broadcast %broadcast_in_dim3A : vector<1x128xf32> to vector<1024x128xf32>
    %add3A_20 = arith.addf %dot_general3A_16, %add3A_19 : vector<1024x128xf32>
    %get3A_21 = arith.constant 0 : index
    %get3A_22 = arith.constant 0 : index
    %get3A_23 = vector.load %arg5[%get3A_21, %get3A_22] : memref<128x128xf32, #tpu.memory_space<vmem>>, vector<128x128xf32>
    %dot_general3A_24 = arith.constant dense<0.000000e+00> : vector<1024x128xf32>
    %dot_general3A_25 = tpu.matmul %add3A_20, %get3A_23, %dot_general3A_24 {dimension_numbers = #tpu.dot_dimension_numbers<[1], [0], [0], [1], [0, 0, 1, 1], [], []>, transpose_lhs_hint = false} : vector<1024x128xf32>, vector<128x128xf32>, vector<1024x128xf32> -> vector<1024x128xf32>
    %broadcast_in_dim3A_26 = vector.shape_cast %rsqrt3A : vector<1024xf32> to vector<1024x1xf32>
    %mul3A = vector.broadcast %broadcast_in_dim3A_26 : vector<1024x1xf32> to vector<1024x128xf32>
    %mul3A_27 = arith.mulf %dot_general3A_25, %mul3A : vector<1024x128xf32>
    %swap3A = arith.constant 0 : index
    %swap3A_28 = arith.constant 0 : index
    %swap3A_29 = vector.load %arg6[%swap3A, %swap3A_28] : memref<1024x128xf32, #tpu.memory_space<vmem>>, vector<1024x128xf32>
    tpu.vector_store %arg6[%swap3A, %swap3A_28], %mul3A_27 {strides = array<i32>} : memref<1024x128xf32, #tpu.memory_space<vmem>>, vector<1024x128xf32>,
    return
  }
  func.func @transform_0(%arg0: i32) -> (i32, i32) {
    %c0_i32 = arith.constant 0 : i32
    %c0_i32_0 = arith.constant 0 : i32
    return %arg0, %c0_i32 : i32, i32
  }
  func.func @transform_1(%arg0: i32) -> (i32, i32) {
    %c0_i32 = arith.constant 0 : i32
    %c0_i32_0 = arith.constant 0 : i32
    return %c0_i32, %arg0 : i32, i32
  }
  func.func @transform_2(%arg0: i32) -> (i32, i32) {
    %c0_i32 = arith.constant 0 : i32
    %c0_i32_0 = arith.constant 0 : i32
    %c0_i32_1 = arith.constant 0 : i32
    return %c0_i32, %c0_i32_0 : i32, i32
  }
  func.func @transform_3(%arg0: i32) -> i32 {
    %c0_i32 = arith.constant 0 : i32
    %c0_i32_0 = arith.constant 0 : i32
    return %c0_i32 : i32
  }
  func.func @transform_4(%arg0: i32) -> (i32, i32) {
    %c0_i32 = arith.constant 0 : i32
    %c0_i32_0 = arith.constant 0 : i32
    %c0_i32_1 = arith.constant 0 : i32
    return %c0_i32, %c0_i32_0 : i32, i32
  }
  func.func @transform_5(%arg0: i32) -> (i32, i32) {
    %c0_i32 = arith.constant 0 : i32
    %c0_i32_0 = arith.constant 0 : i32
    return %arg0, %c0_i32 : i32, i32
  }
}

module attributes {stable_mosaic.version = 14 : i64} {
  func.func @_tc2_body(%arg0: i32, %arg1: memref<2x1024x128xf32, #tpu.memory_space<vmem>>, %arg2: memref<1024x128xf32, #tpu.memory_space<vmem>>, %arg3: memref<2x1024xf32, #tpu.memory_space<vmem>>, %arg4: memref<128xf32, #tpu.memory_space<vmem>>, %arg5: memref<128x128xf32, #tpu.memory_space<vmem>>, %arg6: memref<1024x128xf32, #tpu.memory_space<vmem>>) attributes {dimension_semantics = [#tpu.dimension_semantics<arbitrary>], iteration_bounds = array<i64: 10>, scalar_prefetch = 0 : i64, scratch_operands = 0 : i64, tpu.core_type = #tpu.core_type<tc>, window_params = [{transform_indices = @transform_0, window_bounds = array<i64: 2, 1024, 128>}, {transform_indices = @transform_1, window_bounds = array<i64: 1024, 128>}, {transform_indices = @transform_2, window_bounds = array<i64: 2, 1024>}, {pipeline_mode = #tpu.pipeline_mode<synchronous>, transform_indices = @transform_3, window_bounds = array<i64: 128>}, {pipeline_mode = #tpu.pipeline_mode<synchronous>, transform_indices = @transform_4, window_bounds = array<i64: 128, 128>}, {transform_indices = @transform_5, window_bounds = array<i64: 1024, 128>}]} {
    %get3A = arith.constant 0 : index
    %get3A_0 = arith.constant 0 : index
    %get3A_1 = vector.load %arg3[%get3A, %get3A_0] : memref<2x1024xf32, #tpu.memory_space<vmem>>, vector<1x1024xf32>
    %get3A_2 = vector.shape_cast %get3A_1 : vector<1x1024xf32> to vector<1024xf32>
    %get3A_3 = arith.constant 1 : index
    %get3A_4 = arith.constant 0 : index
    %get3A_5 = vector.load %arg3[%get3A_3, %get3A_4] : memref<2x1024xf32, #tpu.memory_space<vmem>>, vector<1x1024xf32>
    %get3A_6 = vector.shape_cast %get3A_5 : vector<1x1024xf32> to vector<1024xf32>
    %add3A = arith.addf %get3A_2, %get3A_6 : vector<1024xf32>
    %add3A_7 = arith.constant 1.000000e+00 : f32
    %add3A_8 = vector.broadcast %add3A_7 : f32 to vector<1024xf32>
    %add3A_9 = arith.addf %add3A, %add3A_8 : vector<1024xf32>
    %rsqrt3A = math.rsqrt %add3A_9 : vector<1024xf32>
    %broadcast_in_dim3A = vector.shape_cast %rsqrt3A : vector<1024xf32> to vector<1024x1xf32>
    %get3A_10 = arith.constant 0 : index
    %get3A_11 = arith.constant 0 : index
    %get3A_12 = arith.constant 0 : index
    %get3A_13 = vector.load %arg1[%get3A_10, %get3A_11, %get3A_12] : memref<2x1024x128xf32, #tpu.memory_space<vmem>>, vector<1x1024x128xf32>
    %get3A_14 = vector.shape_cast %get3A_13 : vector<1x1024x128xf32> to vector<1024x128xf32>
    %get3A_15 = arith.constant 1 : index
    %get3A_16 = arith.constant 0 : index
    %get3A_17 = arith.constant 0 : index
    %get3A_18 = vector.load %arg1[%get3A_15, %get3A_16, %get3A_17] : memref<2x1024x128xf32, #tpu.memory_space<vmem>>, vector<1x1024x128xf32>
    %get3A_19 = vector.shape_cast %get3A_18 : vector<1x1024x128xf32> to vector<1024x128xf32>
    %add3A_20 = arith.addf %get3A_14, %get3A_19 : vector<1024x128xf32>
    %get3A_21 = arith.constant 0 : index
    %get3A_22 = arith.constant 0 : index
    %get3A_23 = vector.load %arg2[%get3A_21, %get3A_22] : memref<1024x128xf32, #tpu.memory_space<vmem>>, vector<1024x128xf32>
    %add3A_24 = arith.addf %add3A_20, %get3A_23 : vector<1024x128xf32>
    %mul3A = vector.broadcast %broadcast_in_dim3A : vector<1024x1xf32> to vector<1024x128xf32>
    %mul3A_25 = arith.mulf %mul3A, %add3A_24 : vector<1024x128xf32>
    %get3A_26 = arith.constant 0 : index
    %get3A_27 = vector.load %arg4[%get3A_26] : memref<128xf32, #tpu.memory_space<vmem>>, vector<128xf32>
    %broadcast_in_dim3A_28 = vector.shape_cast %get3A_27 : vector<128xf32> to vector<1x128xf32>
    %add3A_29 = vector.broadcast %broadcast_in_dim3A_28 : vector<1x128xf32> to vector<1024x128xf32>
    %add3A_30 = arith.addf %mul3A_25, %add3A_29 : vector<1024x128xf32>
    %max3A = arith.constant 0.000000e+00 : f32
    %max3A_31 = vector.broadcast %max3A : f32 to vector<1024x128xf32>
    %max3A_32 = arith.maximumf %add3A_30, %max3A_31 : vector<1024x128xf32>
    %get3A_33 = arith.constant 0 : index
    %get3A_34 = arith.constant 0 : index
    %get3A_35 = vector.load %arg5[%get3A_33, %get3A_34] : memref<128x128xf32, #tpu.memory_space<vmem>>, vector<128x128xf32>
    %dot_general3A = arith.constant dense<0.000000e+00> : vector<1024x128xf32>
    %dot_general3A_36 = tpu.matmul %max3A_32, %get3A_35, %dot_general3A {dimension_numbers = #tpu.dot_dimension_numbers<[1], [0], [0], [1], [0, 0, 1, 1], [], []>, transpose_lhs_hint = false} : vector<1024x128xf32>, vector<128x128xf32>, vector<1024x128xf32> -> vector<1024x128xf32>
    %broadcast_in_dim3A_37 = vector.shape_cast %rsqrt3A : vector<1024xf32> to vector<1024x1xf32>
    %mul3A_38 = vector.broadcast %broadcast_in_dim3A_37 : vector<1024x1xf32> to vector<1024x128xf32>
    %mul3A_39 = arith.mulf %dot_general3A_36, %mul3A_38 : vector<1024x128xf32>
    %swap3A = arith.constant 0 : index
    %swap3A_40 = arith.constant 0 : index
    %swap3A_41 = vector.load %arg6[%swap3A, %swap3A_40] : memref<1024x128xf32, #tpu.memory_space<vmem>>, vector<1024x128xf32>
    tpu.vector_store %arg6[%swap3A, %swap3A_40], %mul3A_39 {strides = array<i32>} : memref<1024x128xf32, #tpu.memory_space<vmem>>, vector<1024x128xf32>,
    return
  }
  func.func @transform_0(%arg0: i32) -> (i32, i32, i32) {
    %c0_i32 = arith.constant 0 : i32
    %c0_i32_0 = arith.constant 0 : i32
    %c0_i32_1 = arith.constant 0 : i32
    return %c0_i32, %arg0, %c0_i32_0 : i32, i32, i32
  }
  func.func @transform_1(%arg0: i32) -> (i32, i32) {
    %c0_i32 = arith.constant 0 : i32
    %c0_i32_0 = arith.constant 0 : i32
    return %arg0, %c0_i32 : i32, i32
  }
  func.func @transform_2(%arg0: i32) -> (i32, i32) {
    %c0_i32 = arith.constant 0 : i32
    %c0_i32_0 = arith.constant 0 : i32
    return %c0_i32, %arg0 : i32, i32
  }
  func.func @transform_3(%arg0: i32) -> i32 {
    %c0_i32 = arith.constant 0 : i32
    %c0_i32_0 = arith.constant 0 : i32
    return %c0_i32 : i32
  }
  func.func @transform_4(%arg0: i32) -> (i32, i32) {
    %c0_i32 = arith.constant 0 : i32
    %c0_i32_0 = arith.constant 0 : i32
    %c0_i32_1 = arith.constant 0 : i32
    return %c0_i32, %c0_i32_0 : i32, i32
  }
  func.func @transform_5(%arg0: i32) -> (i32, i32) {
    %c0_i32 = arith.constant 0 : i32
    %c0_i32_0 = arith.constant 0 : i32
    return %arg0, %c0_i32 : i32, i32
  }
}

module attributes {stable_mosaic.version = 14 : i64} {
  func.func @_tc3_body(%arg0: i32, %arg1: memref<2x1024x128xf32, #tpu.memory_space<vmem>>, %arg2: memref<1024x128xf32, #tpu.memory_space<vmem>>, %arg3: memref<2x1024xf32, #tpu.memory_space<vmem>>, %arg4: memref<128xf32, #tpu.memory_space<vmem>>, %arg5: memref<1024xi32, #tpu.memory_space<vmem>>, %arg6: memref<64x128xf32, #tpu.memory_space<vmem>>) attributes {dimension_semantics = [#tpu.dimension_semantics<arbitrary>], iteration_bounds = array<i64: 10>, scalar_prefetch = 0 : i64, scratch_operands = 0 : i64, tpu.core_type = #tpu.core_type<tc>, window_params = [{transform_indices = @transform_0, window_bounds = array<i64: 2, 1024, 128>}, {transform_indices = @transform_1, window_bounds = array<i64: 1024, 128>}, {transform_indices = @transform_2, window_bounds = array<i64: 2, 1024>}, {pipeline_mode = #tpu.pipeline_mode<synchronous>, transform_indices = @transform_3, window_bounds = array<i64: 128>}, {transform_indices = @transform_4, window_bounds = array<i64: 1024>}, {pipeline_mode = #tpu.pipeline_mode<synchronous>, transform_indices = @transform_5, window_bounds = array<i64: 64, 128>}]} {
    %get3A = arith.constant 0 : index
    %get3A_0 = arith.constant 0 : index
    %get3A_1 = vector.load %arg3[%get3A, %get3A_0] : memref<2x1024xf32, #tpu.memory_space<vmem>>, vector<1x1024xf32>
    %get3A_2 = vector.shape_cast %get3A_1 : vector<1x1024xf32> to vector<1024xf32>
    %get3A_3 = arith.constant 1 : index
    %get3A_4 = arith.constant 0 : index
    %get3A_5 = vector.load %arg3[%get3A_3, %get3A_4] : memref<2x1024xf32, #tpu.memory_space<vmem>>, vector<1x1024xf32>
    %get3A_6 = vector.shape_cast %get3A_5 : vector<1x1024xf32> to vector<1024xf32>
    %add3A = arith.addf %get3A_2, %get3A_6 : vector<1024xf32>
    %add3A_7 = arith.constant 1.000000e+00 : f32
    %add3A_8 = vector.broadcast %add3A_7 : f32 to vector<1024xf32>
    %add3A_9 = arith.addf %add3A, %add3A_8 : vector<1024xf32>
    %rsqrt3A = math.rsqrt %add3A_9 : vector<1024xf32>
    %broadcast_in_dim3A = vector.shape_cast %rsqrt3A : vector<1024xf32> to vector<1024x1xf32>
    %get3A_10 = arith.constant 0 : index
    %get3A_11 = arith.constant 0 : index
    %get3A_12 = arith.constant 0 : index
    %get3A_13 = vector.load %arg1[%get3A_10, %get3A_11, %get3A_12] : memref<2x1024x128xf32, #tpu.memory_space<vmem>>, vector<1x1024x128xf32>
    %get3A_14 = vector.shape_cast %get3A_13 : vector<1x1024x128xf32> to vector<1024x128xf32>
    %get3A_15 = arith.constant 1 : index
    %get3A_16 = arith.constant 0 : index
    %get3A_17 = arith.constant 0 : index
    %get3A_18 = vector.load %arg1[%get3A_15, %get3A_16, %get3A_17] : memref<2x1024x128xf32, #tpu.memory_space<vmem>>, vector<1x1024x128xf32>
    %get3A_19 = vector.shape_cast %get3A_18 : vector<1x1024x128xf32> to vector<1024x128xf32>
    %add3A_20 = arith.addf %get3A_14, %get3A_19 : vector<1024x128xf32>
    %get3A_21 = arith.constant 0 : index
    %get3A_22 = arith.constant 0 : index
    %get3A_23 = vector.load %arg2[%get3A_21, %get3A_22] : memref<1024x128xf32, #tpu.memory_space<vmem>>, vector<1024x128xf32>
    %add3A_24 = arith.addf %add3A_20, %get3A_23 : vector<1024x128xf32>
    %mul3A = vector.broadcast %broadcast_in_dim3A : vector<1024x1xf32> to vector<1024x128xf32>
    %mul3A_25 = arith.mulf %mul3A, %add3A_24 : vector<1024x128xf32>
    %get3A_26 = arith.constant 0 : index
    %get3A_27 = vector.load %arg4[%get3A_26] : memref<128xf32, #tpu.memory_space<vmem>>, vector<128xf32>
    %broadcast_in_dim3A_28 = vector.shape_cast %get3A_27 : vector<128xf32> to vector<1x128xf32>
    %add3A_29 = vector.broadcast %broadcast_in_dim3A_28 : vector<1x128xf32> to vector<1024x128xf32>
    %add3A_30 = arith.addf %mul3A_25, %add3A_29 : vector<1024x128xf32>
    %get3A_31 = arith.constant 0 : index
    %get3A_32 = vector.load %arg5[%get3A_31] : memref<1024xi32, #tpu.memory_space<vmem>>, vector<1024xi32>
    %broadcast_in_dim3A_33 = vector.shape_cast %get3A_32 : vector<1024xi32> to vector<1x1024xi32>
    %iota3A = tpu.iota {dimensions = array<i32: 0>} : vector<64x1024xi32>
    %eq3A = vector.broadcast %broadcast_in_dim3A_33 : vector<1x1024xi32> to vector<64x1024xi32>
    %eq3A_34 = arith.cmpi eq, %eq3A, %iota3A : vector<64x1024xi32>
    %convert_element_type3A = arith.extui %eq3A_34 : vector<64x1024xi1> to vector<64x1024xi32>
    %convert_element_type3A_35 = arith.sitofp %convert_element_type3A : vector<64x1024xi32> to vector<64x1024xf32>
    %dot_general3A = arith.constant dense<0.000000e+00> : vector<64x128xf32>
    %dot_general3A_36 = tpu.matmul %convert_element_type3A_35, %add3A_30, %dot_general3A {dimension_numbers = #tpu.dot_dimension_numbers<[1], [0], [0], [1], [0, 0, 1, 1], [], []>, transpose_lhs_hint = false} : vector<64x1024xf32>, vector<1024x128xf32>, vector<64x128xf32> -> vector<64x128xf32>
    %eq3A_37 = arith.constant 0 : i32
    %eq3A_38 = arith.cmpi eq, %arg0, %eq3A_37 : i32
    %convert_element_type3A_39 = arith.extui %eq3A_38 : i1 to i32
    %cond3A = arith.constant 0 : i32
    %cond3A_40 = arith.cmpi ne, %convert_element_type3A_39, %cond3A : i32
    scf.if %cond3A_40 {
      %swap3A = arith.constant 0 : index
      %swap3A_45 = arith.constant 0 : index
      %swap3A_46 = vector.load %arg6[%swap3A, %swap3A_45] : memref<64x128xf32, #tpu.memory_space<vmem>>, vector<64x128xf32>
      tpu.vector_store %arg6[%swap3A, %swap3A_45], %dot_general3A_36 {strides = array<i32>} : memref<64x128xf32, #tpu.memory_space<vmem>>, vector<64x128xf32>,
    } else {
    }
    %ne3A = arith.constant 0 : i32
    %ne3A_41 = arith.cmpi ne, %arg0, %ne3A : i32
    %convert_element_type3A_42 = arith.extui %ne3A_41 : i1 to i32
    %cond3A_43 = arith.constant 0 : i32
    %cond3A_44 = arith.cmpi ne, %convert_element_type3A_42, %cond3A_43 : i32
    scf.if %cond3A_44 {
      %get3A_45 = arith.constant 0 : index
      %get3A_46 = arith.constant 0 : index
      %get3A_47 = vector.load %arg6[%get3A_45, %get3A_46] : memref<64x128xf32, #tpu.memory_space<vmem>>, vector<64x128xf32>
      %add3A_48 = arith.addf %get3A_47, %dot_general3A_36 : vector<64x128xf32>
      %swap3A = arith.constant 0 : index
      %swap3A_49 = arith.constant 0 : index
      %swap3A_50 = vector.load %arg6[%swap3A, %swap3A_49] : memref<64x128xf32, #tpu.memory_space<vmem>>, vector<64x128xf32>
      tpu.vector_store %arg6[%swap3A, %swap3A_49], %add3A_48 {strides = array<i32>} : memref<64x128xf32, #tpu.memory_space<vmem>>, vector<64x128xf32>,
    } else {
    }
    return
  }
  func.func @transform_0(%arg0: i32) -> (i32, i32, i32) {
    %c0_i32 = arith.constant 0 : i32
    %c0_i32_0 = arith.constant 0 : i32
    %c0_i32_1 = arith.constant 0 : i32
    return %c0_i32, %arg0, %c0_i32_0 : i32, i32, i32
  }
  func.func @transform_1(%arg0: i32) -> (i32, i32) {
    %c0_i32 = arith.constant 0 : i32
    %c0_i32_0 = arith.constant 0 : i32
    return %arg0, %c0_i32 : i32, i32
  }
  func.func @transform_2(%arg0: i32) -> (i32, i32) {
    %c0_i32 = arith.constant 0 : i32
    %c0_i32_0 = arith.constant 0 : i32
    return %c0_i32, %arg0 : i32, i32
  }
  func.func @transform_3(%arg0: i32) -> i32 {
    %c0_i32 = arith.constant 0 : i32
    %c0_i32_0 = arith.constant 0 : i32
    return %c0_i32 : i32
  }
  func.func @transform_4(%arg0: i32) -> i32 {
    %c0_i32 = arith.constant 0 : i32
    return %arg0 : i32
  }
  func.func @transform_5(%arg0: i32) -> (i32, i32) {
    %c0_i32 = arith.constant 0 : i32
    %c0_i32_0 = arith.constant 0 : i32
    %c0_i32_1 = arith.constant 0 : i32
    return %c0_i32, %c0_i32_0 : i32, i32
  }
}

</mosaic_0001>

<sc_bundles>
// kernel: kernel.10.cloned.1.call-start
scs
__scs_entry_jumppad:
0x0: {  	(pc) =	sbr.rel $0x88, $3  }
0x1: {  	(tag) =	ssettag $0x0;
	lr =	simm.s32 $0x1  }
0x2: {  	[smem:$0x3F96] =	sst lr;
	_ =	strace $0xD0000000  }
0x3: {  	_ = 	snop  }
0x4: {  	_ = 	snop  }
0x5: {  	_ = 	snop  }
0x6: {  	_ = 	snop  }
0x7: {  	_ = 	snop  }
__scs_overlays_trampoline_lowered:
0x8: {  	[smem:$0x3FA5] =	sst s0  }
0x9: {  	[smem:$0x3FA6] =	sst s1  }
0xa: {  	[smem:$0x3FA7] =	sst s2  }
0xb: {  	[smem:$0x3FA8] =	sst s3  }
0xc: {  	[smem:$0x3FA9] =	sst s4  }
0xd: {  	[smem:$0x3FAA] =	sst s5  }
0xe: {  	[smem:$0x3FAB] =	sst s6  }
0xf: {  	[smem:$0x3FAC] =	sst s7  }
0x10: {  	[smem:$0x3FAD] =	sst s8  }
0x11: {  	[smem:$0x3FAE] =	sst s9;
	s0 =	simm.s32 @!p0 $0x0  }
0x12: {  	s1 =	sld [smem:$0x3F94];
	s0 =	simm.s32 @p0 $0x1  }
0x13: {  	[smem:$0x3FAF] =	sst s0;
	s0 =	simm.s32 @!p1 $0x0  }
0x14: {  	s2 =	sld [smem:$0x3F93];
	s0 =	simm.s32 @p1 $0x1  }
0x15: {  	[smem:$0x3FB0] =	sst s0;
	s0 =	simm.s32 @!p2 $0x0  }
0x16: {  	s3 =	sld [smem:$0x3FDB];
	s0 =	simm.s32 @p2 $0x1  }
0x17: {  	s4 =	simm.s32 $0x1BF5;
	[smem:$0x3FB2] =	sst s0  }
0x18: {  	s0 =	sld [smem:$0x3F95];
	_ =	swait.ge [sflag:s4], $0x0  }
0x19: {  	s7 =	sld [smem:$0x3F96]  }
0x1a: {  	s8 =	sadd.s32 $0xFFFFE003, lr  }
0x1b: {  	s9 =	sadd.s32 $0xFFFFFEF7, lr;
	s5 =	simm.s32 $0xFFFFFFFF;
	p2 =	slt.u32 s8, $0xFFFFF086  }
0x1c: {  	p1 =	slt.u32 s9, $0xF7A;
	s5 =	simm.s32 @!p2 $0x0  }
0x1d: {  	s5 =	simm.s32 @p1 $0x1;
	p0 =	seq.s32 s7, s2  }
0x1e: {  	s7 =	smul.u32 @!p0 $0xF7A, s2;
	p2 =	seq.s32 @!p0 s5, $0x0  }
0x1f: {  	s9 =	smul.u32 $0xF7A, s1;
	s8 =	simm.s32 @!p0 $0x1BF5;
	p2 =	por !p2, p0  }
0x20: {  	[sflag:s8] =	ssyncset.s32 @!p0 $0xFFFFF086;
	s6 =	sadd.s32 @!p0 s3, s7;
	s7 =	simm.s32 @!p0 $0x108  }
0x21: {  	s3 =	sadd.s32 s3, s9;
	s6 =	sadd.s32 @!p0 $0x88, s6;
	s7 =	simm.s32 @p2 $0x1082  }
0x22: {  	[simem:s7], [sflag:s8] =	dma.local @!p0 [hbm:s6], $0xF7A  }
0x23: {  	s9 =	sor.u32 $0xD0000000, s2;
	s6 =	simm.s32 $0x108;
	_ =	swait.ge @!p0 [sflag:s8], $0x0  }
0x24: {  	s3 =	sadd.s32 $0x88, s3;
	s6 =	simm.s32 @!p1 $0x1082;
	[sflag:s4] =	ssyncset.s32 $0xFFFFF086  }
0x25: {  	[simem:s6], [sflag:s4] =	dma.local [hbm:s3], $0xF7A  }
0x26: {  	[smem:$0x3F96] =	sst s1;
	(tag) =	ssettag s2;
	_ =	strace s9  }
0x27: {  	s1 =	sld [smem:$0x3FA6]  }
0x28: {  	s2 =	sld [smem:$0x3FA7]  }
0x29: {  	s4 =	sld [smem:$0x3FA9]  }
0x2a: {  	p0 =	seq.s32 s5, $0x0;
	s5 =	sld [smem:$0x3FAA]  }
0x2b: {  	s6 =	sld [smem:$0x3FAB]  }
0x2c: {  	s7 =	sld [smem:$0x3FAC]  }
0x2d: {  	s3 =	simm.s32 $0x108;
	s8 =	sld [smem:$0x3FAD]  }
0x2e: {  	s3 =	simm.s32 @!p0 $0x1082;
	s9 =	sld [smem:$0x3FAE]  }
0x2f: {  	lr =	sadd.s32 s0, s3;
	s0 =	sld [smem:$0x3FA5]  }
0x30: {  	s3 =	sld [smem:$0x3FA8]  }
0x31: {  	[smem:$0x3FB1] =	sst s10  }
0x32: {  	s10 =	sld [smem:$0x3FAF];
	_ =	sdelay $0x3  }
0x33: {  	p0 =	seq.s32 s10, $0x1;
	s10 =	sld [smem:$0x3FB1];
	_ =	sdelay $0x3  }
0x34: {  	[smem:$0x3FB1] =	sst s10  }
0x35: {  	s10 =	sld [smem:$0x3FB0];
	_ =	sdelay $0x3  }
0x36: {  	p1 =	seq.s32 s10, $0x1;
	s10 =	sld [smem:$0x3FB1];
	_ =	sdelay $0x3  }
0x37: {  	[smem:$0x3FB1] =	sst s10  }
0x38: {  	s10 =	sld [smem:$0x3FB2]  }
0x39: {  	_ = 	snop;
	(pc) =	sbr.ind lr, $3  }
0x3a: {  	_ = 	snop  }
0x3b: {  	_ = 	snop  }
0x3c: {  	p2 =	seq.s32 s10, $0x1;
	s10 =	sld [smem:$0x3FB1]  }
0x3d: {  	_ =	shalt  }
0x3e: {  	_ =	shalt  }
0x3f: {  	_ =	shalt  }
0x40: {  	_ =	shalt  }
0x41: {  	_ =	shalt  }
0x42: {  	_ =	shalt  }
0x43: {  	_ =	shalt  }
0x44: {  	_ =	shalt  }
0x45: {  	_ =	shalt  }
0x46: {  	_ =	shalt  }
0x47: {  	_ =	shalt  }
0x48: {  	_ =	shalt  }
0x49: {  	_ =	shalt  }
0x4a: {  	_ =	shalt  }
0x4b: {  	_ =	shalt  }
0x4c: {  	_ =	shalt  }
0x4d: {  	_ =	shalt  }
0x4e: {  	_ =	shalt  }
0x4f: {  	_ =	shalt  }
0x50: {  	_ =	shalt  }
0x51: {  	_ =	shalt  }
0x52: {  	_ =	shalt  }
0x53: {  	_ =	shalt  }
0x54: {  	_ =	shalt  }
0x55: {  	_ =	shalt  }
0x56: {  	_ =	shalt  }
0x57: {  	_ =	shalt  }
0x58: {  	_ =	shalt  }
0x59: {  	_ =	shalt  }
0x5a: {  	_ =	shalt  }
0x5b: {  	_ =	shalt  }
0x5c: {  	_ =	shalt  }
0x5d: {  	_ =	shalt  }
0x5e: {  	_ =	shalt  }
0x5f: {  	_ =	shalt  }
0x60: {  	_ =	shalt  }
0x61: {  	_ =	shalt  }
0x62: {  	_ =	shalt  }
0x63: {  	_ =	shalt  }
0x64: {  	_ =	shalt  }
0x65: {  	_ =	shalt  }
0x66: {  	_ =	shalt  }
0x67: {  	_ =	shalt  }
0x68: {  	_ =	shalt  }
0x69: {  	_ =	shalt  }
0x6a: {  	_ =	shalt  }
0x6b: {  	_ =	shalt  }
0x6c: {  	_ =	shalt  }
0x6d: {  	_ =	shalt  }
0x6e: {  	_ =	shalt  }
0x6f: {  	_ =	shalt  }
0x70: {  	_ =	shalt  }
0x71: {  	_ =	shalt  }
0x72: {  	_ =	shalt  }
0x73: {  	_ =	shalt  }
0x74: {  	_ =	shalt  }
0x75: {  	_ =	shalt  }
0x76: {  	_ =	shalt  }
0x77: {  	_ =	shalt  }
0x78: {  	_ =	shalt  }
0x79: {  	_ =	shalt  }
0x7a: {  	_ =	shalt  }
0x7b: {  	_ =	shalt  }
0x7c: {  	_ =	shalt  }
0x7d: {  	_ =	shalt  }
0x7e: {  	_ =	shalt  }
0x7f: {  	_ =	shalt  }
0x80: {  	_ =	shalt  }
0x81: {  	_ =	shalt  }
0x82: {  	_ =	shalt  }
0x83: {  	_ =	shalt  }
0x84: {  	_ =	shalt  }
0x85: {  	_ =	shalt  }
0x86: {  	_ =	shalt  }
0x87: {  	_ =	shalt  }
.Lfunc_end0:
.L_simem_size_0:
called_computation_lowered:
.L_overlay_start_0:
0x88: {  	s2 =	sld [smem:$0x3FD9]  }
0x89: {  	s3 =	sld [smem:$0x3FFE];
	_ =	sdelay $0x1  }
0x8a: {  	s1 =	srdreg.scid  }
0x8b: {  	s0 =	sand.u32 $0x1, s1  }
0x8c: {  	s17 =	sshll.u32 s0, $0xA;
	s2 =	sadd.s32 s3, s2  }
0x8d: {  	s2 =	sadd.s32 s2, s17  }
0x8e: {  	[smem:$0x3FBD] =	sst s2  }
0x8f: {  	_ = 	snop  }
0x90: {  	s2 =	sld [smem:$0x3FD0];
	(tm) =	ssettm $0x1  }
0x91: {  	s18 =	sld [smem:$0x3FFB];
	_ =	sdelay $0x3  }
0x92: {  	_ =	strace s18  }
0x93: {  	s3 =	sld [smem:$0x3FFC];
	_ =	sdelay $0x3  }
0x94: {  	_ =	strace s3  }
0x95: {  	s3 =	sld [smem:$0x3FFD];
	_ =	sdelay $0x3  }
0x96: {  	_ =	strace s3  }
0x97: {  	_ =	strace $0x8FFFFFFF  }
0x98: {  	s19 =	sld [smem:$0x3FDB];
	_ =	sdelay $0x1  }
0x99: {  	s4 =	simm.s32 $_scs_section_size  }
0x9a: {  	s5 =	simm.s32 $_size__tile_overlayer_lowered;
	s6 =	simm.s32 $_tile_overlayer_lowered  }
0x9b: {  	s22 =	simm.s32 $0x1BFF;
	s21 =	sshll.u32 s6, $0x1;
	s3 =	sadd.s32 s4, s19  }
0x9c: {  	s7 =	simm.s32 $0x0;
	s20 =	sshll.u32 s5, $0x1;
	s5 =	sadd.s32 s21, s3  }
0x9d: {  	[timem:s7], [sflag:s22] =	dma.local [hbm:s5], s20  }
0x9e: {  	_ =	swait.ge [sflag:s22], s20  }
0x9f: {  	s4 =	ssub.s32 $0x0, s20;
	[sflag:s22] =	ssyncset.done $0x0  }
0xa0: {  	[sflag:s22] =	ssyncadd.s32 s4;
	_ =	sdelay $0x1  }
0xa1: {  	s23 =	simm.s32 $0x1B8B  }
0xa2: {  	_ =	swait.ge [sflag:s23], $0x1  }
0xa3: {  	[sflag:s23] =	ssyncset.done $0x0  }
0xa4: {  	s25 =	simm.s32 $0x1B8E;
	s24 =	sld [smem:$0x3FFE];
	[sflag:s23] =	ssyncadd.s32 $0xFFFFFFFF  }
0xa5: {  	s26 =	simm.s32 $execute0_lowered;
	[smem:$0x3FD2] =	sst s25  }
0xa6: {  	s5 =	sshll.u32 s26, $0x1;
	_ =	strace $0x80000046;
	[dreg:$0x1] =	wrdreg $0xFFFFFFFF  }
0xa7: {  	s28 =	simm.s32 $_size_execute0_lowered;
	s3 =	sadd.s32 s3, s5;
	[dreg:$0x0] =	wrdreg $0x0  }
0xa8: {  	s5 =	sshll.u32 s28, $0x1;
	[dreg:$0x2] =	wrdreg s3  }
0xa9: {  	[dreg:$0x3] =	wrdreg s5  }
0xaa: {  	[dreg:$0x4] =	wrdreg $0xC0  }
0xab: {  	_ =	task [dreg:s7], $0x5FFFF  }
0xac: {  	[dreg:$0x1] =	wrdreg $0xFFFFFFFF  }
0xad: {  	[dreg:$0x0] =	wrdreg $0x60  }
0xae: {  	[dreg:$0x2] =	wrdreg s24  }
0xaf: {  	[dreg:$0x3] =	wrdreg s2  }
0xb0: {  	[dreg:$0x4] =	wrdreg $0x5A800  }
0xb1: {  	[dreg:$0x5] =	wrdreg $0x9  }
0xb2: {  	_ =	task.clear_ibuf [dreg:s7], $0x6FFFF;
	_ =	strace $0x90000046  }
0xb3: {  	s29 =	simm.s32 $0x9;
	_ =	strace $0x80000048  }
0xb4: {  	_ =	swait.ge [sflag:s29], $0x1  }
0xb5: {  	[sflag:s29] =	ssyncadd.s32 $0xFFFFFFFF  }
0xb6: {  	_ =	strace $0x90000048  }
0xb7: {  	_ =	sfence  }
0xb8: {  	s30 =	sld [smem:$0x0];
	_ =	sdelay $0x2  }
0xb9: {  	s31 =	sshll.u32 s1, $0xD;
	s1 =	sshrl.u32 s1, $0x2  }
0xba: {  	s3 =	sand.u32 $0x4000, s31;
	s1 =	sadd.s32 s1, s30  }
0xbb: {  	s0 =	sor.u32 s3, s0;
	s1 =	sshll.u32 s1, $0x11  }
0xbc: {  	s0 =	sor.u32 s1, s0  }
0xbd: {  	s0 =	sadd.s32 $0x8F2B, s0  }
0xbe: {  	[sflag:s0] =	ssyncadd.remote.s32 $0x1  }
0xbf: {  	_ =	sfence.sel $0xFFFF  }
0xc0: {  	[dreg:$0x0] =	wrdreg $0xFFFFFFFF;
	(pc) =	sbr.abs _section_cstart, $3  }
0xc1: {  	[dreg:$0x1] =	wrdreg $0xFFFFFFFF  }
0xc2: {  	_ =	task.clear_ibuf [dreg:s7], $0x2FFFF;
	_ =	strace $0x9FFFFFFF  }
0xc3: {  	(tm) =	ssettm $0x7FFFFFFF  }
tec
execute0_lowered:
.L_overlay_start_1:
0x0: {  	(tag) =	ssettag $0x1  }
0x1: {  	s6 =	rddreg [dreg:$0x0]  }
0x2: {  	s0 =	srdreg.scid;
	s2 =	rddreg [dreg:$0x1]  }
0x3: {  	s3 =	rddreg [dreg:$0x2];
	s4 =	simm.s32 $0x0;
	s13 =	simm.s32 $0x70  }
0x4: {  	s14 =	simm.s32 $0x20;
	s5 =	sand.u32 $0x1, s0;
	s0 =	stileid.u32  }
0x5: {  	s15 =	simm.s32 $0x10;
	s16 =	simm.s32 $0x0;
	s8 =	smul.u32 $0x500, s0  }
0x6: {  	[smem:$0x7FF] =	sst s4;
	s1 =	sshll.u32 s5, $0x4;
	s9 =	smul.u32 $0x280, s0  }
0x7: {  	s10 =	sshll.u32 s5, $0x7;
	s5 =	ssub.s32 $0x2, s5;
	s1 =	sor.u32 s0, s1  }
0x8: {  	s31 =	sshll.u32 s0, $0x6;
	s30 =	sshrl.u32 s5, $0x1;
	s7 =	smul.u32 $0xB40, s1  }
0x9: {  	s1 =	rddreg [dreg:$0x3];
	_ =	strace $0x80000047;
	s8 =	sor.u32 s10, s8  }
0xa: {  	s29 =	sshrl.u32 s9, $0x3;
	s11 =	ssub.s32 s5, s30;
	s12 =	sadd.s32 s9, s3  }
0xb: {  	s8 =	sshrl.u32 s8, $0x3;
	s10 =	sadd.s32 s29, s6;
	s9 =	smax.u32 s11, $0x1  }
0xc: {  	s11 =	simm.s32 $0x1;
	s7 =	sadd.s32 s7, s6;
	s8 =	sadd.s32 s8, s6  }
0xd: {  	s5 =	sadd.s32 $0x19E00, s10;
	s6 =	sor.u32 $0x1C01, s31;
	s10 =	sshrl.u32 s12, $0x3  }
0xe: {  	s12 =	simm.s32 $0x5A00;
	s7 =	sadd.s32 $0x3600, s7;
	s8 =	sadd.s32 $0x1A400, s8  }
.LBB2_1:
0xf: {  	[spmem:s10], [sflag:s6] =	dma.local [hbm:s5], $0x50  }
0x10: {  	_ =	swait.ge [sflag:s11], $0x50  }
0x11: {  	[sflag:s11] =	ssyncset.done $0x0  }
0x12: {  	[sflag:s11] =	ssyncadd.s32 $0xFFFFFFB0  }
0x13: {  	[tilespmem:s12], [sflag:$0x1] =	stream.linear.gather [hbm4b:s2+s4], $0x80, $0x38;
	[tilespmem:$0x5D00] =	vst v63  }
0x14: {  	_ =	swait.ge [sflag:s11], $0x80  }
0x15: {  	[sflag:s11] =	ssyncset.done $0x0  }
0x16: {  	[sflag:s11] =	ssyncadd.s32 $0xFFFFFF80  }
0x17: {  	[tilespmem:s4], [sflag:$0x1] =	stream.linear.gather [hbm4b:s7+s4], $0x5A00, $0x38;
	[tilespmem:$0x5D00] =	vst v63  }
0x18: {  	_ =	swait.ge [sflag:s11], $0x5A00  }
0x19: {  	[sflag:s11] =	ssyncset.done $0x0  }
0x1a: {  	[sflag:s11] =	ssyncadd.s32 $0xFFFFA600  }
0x1b: {  	s17 =	simm.s32 $0x80;
	[bflag:$0x0] =	sbarrier.arrive $0xFFFF  }
0x1c: {  	[spmem:s3] =	stream.indirect.scatter.add.f32 [tilespmem:s12], [sflag:$0x1], $0x1, s17, s13, $0xb8;
	[tilespmem:$0x5D00] =	vst v63  }
0x1d: {  	_ =	swait.ge [sflag:s11], $0x70  }
0x1e: {  	s17 =	simm.s32 $0x600;
	[sflag:s11] =	ssyncset.done $0x0  }
.LBB2_2:
0x1f: {  	s18 =	sshra.s32 s17, $0x2;
	[sflag:s11] =	ssyncadd.s32 $0xFFFFFF90;
	p0 =	sne.s32 s17, $0x16600  }
0x20: {  	[spmem:s3] =	stream.indirect.scatter.add.f32 [tilespmem:s12], [sflag:$0x1], $0x1, s18, s13, $0xb8;
	[tilespmem:$0x5D00] =	vst v63  }
.Ltmp0:
0x21: {  	_ = 	snop;
	(pc) =	sbr.rel @p0 .LBB2_2-.Ltmp0, $4  }
0x22: {  	_ = 	snop  }
0x23: {  	s17 =	sadd.s32 $0x400, s17  }
0x24: {  	_ =	swait.ge [sflag:s11], $0x70  }
0x25: {  	[sflag:s11] =	ssyncset.done $0x0  }
0x26: {  	s16 =	sadd.s32 $0x1, s16  }
0x27: {  	[sflag:s11] =	ssyncadd.s32 $0xFFFFFF90;
	p0 =	sne.s32 s16, s9  }
.Ltmp1:
0x28: {  	[bflag:$0x0] =	sbarrier.arrive $0xFFFF;
	(pc) =	sbr.rel @p0 .LBB2_1-.Ltmp1, $4  }
0x29: {  	[hbm:s8@s14], [sflag:s6] =	dma.strided [spmem:s10@s15], $0x50, s11, $0x10   }
0x2a: {  	_ =	swait.ge [sflag:s11], $0x50  }
0x2b: {  	[sflag:s11] =	ssyncset.done $0x0  }
0x2c: {  	[sflag:s11] =	ssyncadd.s32 $0xFFFFFFB0  }
0x2d: {  	_ =	sfence.sel $0x180000  }
0x2e: {  	[bflag:$0x0] =	sbarrier.arrive $0xFFFF  }
0x2f: {  	p0 =	sne.s32 s0, $0x0;
	_ =	strace $0x90000047  }
0x30: {  	s0 =	sadd.s32 @!p0 $0x100000, s1;
	[bflag:$0x2] =	sbarrier.arrive $0xFFFF  }
0x31: {  	[sflag:s0] =	ssyncadd.tile.s32 @!p0 $0x1;
	_ =	shalt  }
.Lfunc_end2:
_tile_overlayer_lowered:
.L_overlay_start_2:
0x32: {  	(tag) =	ssettag $0x2  }
0x33: {  	s0 =	rddreg [dreg:$0x0];
	s2 =	stileid.u32  }
0x34: {  	s1 =	rddreg [dreg:$0x1];
	p0 =	sne.s32 s2, $0x0  }
0x35: {  	s3 =	rddreg [dreg:$0x2];
	[bflag:$0x3] =	sbarrier.arrive $0xFFFF;
	s2 =	simm.s32 @!p0 $0x1C01  }
0x36: {  	[timem:s3], [sflag:s2] =	dma.local @!p0 [hbm:s0], s1  }
0x37: {  	s0 =	simm.s32 @!p0 $0x1  }
0x38: {  	_ =	swait.ge @!p0 [sflag:s0], s1  }
0x39: {  	s1 =	ssub.s32 @!p0 $0x0, s1;
	[sflag:s0] =	ssyncset.done @!p0 $0x0  }
0x3a: {  	[sflag:s0] =	ssyncadd.s32 @!p0 s1  }
0x3b: {  	[bflag:$0x3] =	sbarrier.arrive $0xFFFF  }
0x3c: {  	_ =	shalt  }

// kernel: kernel.13.cloned.1.call-start
scs
__scs_entry_jumppad:
0x0: {  	(pc) =	sbr.rel $0x88, $3  }
0x1: {  	(tag) =	ssettag $0x0;
	lr =	simm.s32 $0x1  }
0x2: {  	[smem:$0x3F96] =	sst lr;
	_ =	strace $0xD0000000  }
0x3: {  	_ = 	snop  }
0x4: {  	_ = 	snop  }
0x5: {  	_ = 	snop  }
0x6: {  	_ = 	snop  }
0x7: {  	_ = 	snop  }
__scs_overlays_trampoline_lowered:
0x8: {  	[smem:$0x3FA5] =	sst s0  }
0x9: {  	[smem:$0x3FA6] =	sst s1  }
0xa: {  	[smem:$0x3FA7] =	sst s2  }
0xb: {  	[smem:$0x3FA8] =	sst s3  }
0xc: {  	[smem:$0x3FA9] =	sst s4  }
0xd: {  	[smem:$0x3FAA] =	sst s5  }
0xe: {  	[smem:$0x3FAB] =	sst s6  }
0xf: {  	[smem:$0x3FAC] =	sst s7  }
0x10: {  	[smem:$0x3FAD] =	sst s8  }
0x11: {  	[smem:$0x3FAE] =	sst s9;
	s0 =	simm.s32 @!p0 $0x0  }
0x12: {  	s1 =	sld [smem:$0x3F94];
	s0 =	simm.s32 @p0 $0x1  }
0x13: {  	[smem:$0x3FAF] =	sst s0;
	s0 =	simm.s32 @!p1 $0x0  }
0x14: {  	s2 =	sld [smem:$0x3F93];
	s0 =	simm.s32 @p1 $0x1  }
0x15: {  	[smem:$0x3FB0] =	sst s0;
	s0 =	simm.s32 @!p2 $0x0  }
0x16: {  	s3 =	sld [smem:$0x3FDB];
	s0 =	simm.s32 @p2 $0x1  }
0x17: {  	s4 =	simm.s32 $0x1BF5;
	[smem:$0x3FB2] =	sst s0  }
0x18: {  	s0 =	sld [smem:$0x3F95];
	_ =	swait.ge [sflag:s4], $0x0  }
0x19: {  	s7 =	sld [smem:$0x3F96]  }
0x1a: {  	s8 =	sadd.s32 $0xFFFFE003, lr  }
0x1b: {  	s9 =	sadd.s32 $0xFFFFFEF7, lr;
	s5 =	simm.s32 $0xFFFFFFFF;
	p2 =	slt.u32 s8, $0xFFFFF086  }
0x1c: {  	p1 =	slt.u32 s9, $0xF7A;
	s5 =	simm.s32 @!p2 $0x0  }
0x1d: {  	s5 =	simm.s32 @p1 $0x1;
	p0 =	seq.s32 s7, s2  }
0x1e: {  	s7 =	smul.u32 @!p0 $0xF7A, s2;
	p2 =	seq.s32 @!p0 s5, $0x0  }
0x1f: {  	s9 =	smul.u32 $0xF7A, s1;
	s8 =	simm.s32 @!p0 $0x1BF5;
	p2 =	por !p2, p0  }
0x20: {  	[sflag:s8] =	ssyncset.s32 @!p0 $0xFFFFF086;
	s6 =	sadd.s32 @!p0 s3, s7;
	s7 =	simm.s32 @!p0 $0x108  }
0x21: {  	s3 =	sadd.s32 s3, s9;
	s6 =	sadd.s32 @!p0 $0x88, s6;
	s7 =	simm.s32 @p2 $0x1082  }
0x22: {  	[simem:s7], [sflag:s8] =	dma.local @!p0 [hbm:s6], $0xF7A  }
0x23: {  	s9 =	sor.u32 $0xD0000000, s2;
	s6 =	simm.s32 $0x108;
	_ =	swait.ge @!p0 [sflag:s8], $0x0  }
0x24: {  	s3 =	sadd.s32 $0x88, s3;
	s6 =	simm.s32 @!p1 $0x1082;
	[sflag:s4] =	ssyncset.s32 $0xFFFFF086  }
0x25: {  	[simem:s6], [sflag:s4] =	dma.local [hbm:s3], $0xF7A  }
0x26: {  	[smem:$0x3F96] =	sst s1;
	(tag) =	ssettag s2;
	_ =	strace s9  }
0x27: {  	s1 =	sld [smem:$0x3FA6]  }
0x28: {  	s2 =	sld [smem:$0x3FA7]  }
0x29: {  	s4 =	sld [smem:$0x3FA9]  }
0x2a: {  	p0 =	seq.s32 s5, $0x0;
	s5 =	sld [smem:$0x3FAA]  }
0x2b: {  	s6 =	sld [smem:$0x3FAB]  }
0x2c: {  	s7 =	sld [smem:$0x3FAC]  }
0x2d: {  	s3 =	simm.s32 $0x108;
	s8 =	sld [smem:$0x3FAD]  }
0x2e: {  	s3 =	simm.s32 @!p0 $0x1082;
	s9 =	sld [smem:$0x3FAE]  }
0x2f: {  	lr =	sadd.s32 s0, s3;
	s0 =	sld [smem:$0x3FA5]  }
0x30: {  	s3 =	sld [smem:$0x3FA8]  }
0x31: {  	[smem:$0x3FB1] =	sst s10  }
0x32: {  	s10 =	sld [smem:$0x3FAF];
	_ =	sdelay $0x3  }
0x33: {  	p0 =	seq.s32 s10, $0x1;
	s10 =	sld [smem:$0x3FB1];
	_ =	sdelay $0x3  }
0x34: {  	[smem:$0x3FB1] =	sst s10  }
0x35: {  	s10 =	sld [smem:$0x3FB0];
	_ =	sdelay $0x3  }
0x36: {  	p1 =	seq.s32 s10, $0x1;
	s10 =	sld [smem:$0x3FB1];
	_ =	sdelay $0x3  }
0x37: {  	[smem:$0x3FB1] =	sst s10  }
0x38: {  	s10 =	sld [smem:$0x3FB2]  }
0x39: {  	_ = 	snop;
	(pc) =	sbr.ind lr, $3  }
0x3a: {  	_ = 	snop  }
0x3b: {  	_ = 	snop  }
0x3c: {  	p2 =	seq.s32 s10, $0x1;
	s10 =	sld [smem:$0x3FB1]  }
0x3d: {  	_ =	shalt  }
0x3e: {  	_ =	shalt  }
0x3f: {  	_ =	shalt  }
0x40: {  	_ =	shalt  }
0x41: {  	_ =	shalt  }
0x42: {  	_ =	shalt  }
0x43: {  	_ =	shalt  }
0x44: {  	_ =	shalt  }
0x45: {  	_ =	shalt  }
0x46: {  	_ =	shalt  }
0x47: {  	_ =	shalt  }
0x48: {  	_ =	shalt  }
0x49: {  	_ =	shalt  }
0x4a: {  	_ =	shalt  }
0x4b: {  	_ =	shalt  }
0x4c: {  	_ =	shalt  }
0x4d: {  	_ =	shalt  }
0x4e: {  	_ =	shalt  }
0x4f: {  	_ =	shalt  }
0x50: {  	_ =	shalt  }
0x51: {  	_ =	shalt  }
0x52: {  	_ =	shalt  }
0x53: {  	_ =	shalt  }
0x54: {  	_ =	shalt  }
0x55: {  	_ =	shalt  }
0x56: {  	_ =	shalt  }
0x57: {  	_ =	shalt  }
0x58: {  	_ =	shalt  }
0x59: {  	_ =	shalt  }
0x5a: {  	_ =	shalt  }
0x5b: {  	_ =	shalt  }
0x5c: {  	_ =	shalt  }
0x5d: {  	_ =	shalt  }
0x5e: {  	_ =	shalt  }
0x5f: {  	_ =	shalt  }
0x60: {  	_ =	shalt  }
0x61: {  	_ =	shalt  }
0x62: {  	_ =	shalt  }
0x63: {  	_ =	shalt  }
0x64: {  	_ =	shalt  }
0x65: {  	_ =	shalt  }
0x66: {  	_ =	shalt  }
0x67: {  	_ =	shalt  }
0x68: {  	_ =	shalt  }
0x69: {  	_ =	shalt  }
0x6a: {  	_ =	shalt  }
0x6b: {  	_ =	shalt  }
0x6c: {  	_ =	shalt  }
0x6d: {  	_ =	shalt  }
0x6e: {  	_ =	shalt  }
0x6f: {  	_ =	shalt  }
0x70: {  	_ =	shalt  }
0x71: {  	_ =	shalt  }
0x72: {  	_ =	shalt  }
0x73: {  	_ =	shalt  }
0x74: {  	_ =	shalt  }
0x75: {  	_ =	shalt  }
0x76: {  	_ =	shalt  }
0x77: {  	_ =	shalt  }
0x78: {  	_ =	shalt  }
0x79: {  	_ =	shalt  }
0x7a: {  	_ =	shalt  }
0x7b: {  	_ =	shalt  }
0x7c: {  	_ =	shalt  }
0x7d: {  	_ =	shalt  }
0x7e: {  	_ =	shalt  }
0x7f: {  	_ =	shalt  }
0x80: {  	_ =	shalt  }
0x81: {  	_ =	shalt  }
0x82: {  	_ =	shalt  }
0x83: {  	_ =	shalt  }
0x84: {  	_ =	shalt  }
0x85: {  	_ =	shalt  }
0x86: {  	_ =	shalt  }
0x87: {  	_ =	shalt  }
.Lfunc_end0:
.L_simem_size_0:
called_computation.1_lowered:
.L_overlay_start_0:
0x88: {  	s2 =	sld [smem:$0x3FD9]  }
0x89: {  	s3 =	sld [smem:$0x3FFE];
	_ =	sdelay $0x1  }
0x8a: {  	s1 =	srdreg.scid  }
0x8b: {  	s0 =	sand.u32 $0x1, s1  }
0x8c: {  	s16 =	sshll.u32 s0, $0xA;
	s2 =	sadd.s32 s3, s2  }
0x8d: {  	s2 =	sadd.s32 s2, s16  }
0x8e: {  	[smem:$0x3FBD] =	sst s2  }
0x8f: {  	_ = 	snop  }
0x90: {  	(tm) =	ssettm $0x1  }
0x91: {  	s17 =	sld [smem:$0x3FFB];
	_ =	sdelay $0x3  }
0x92: {  	_ =	strace s17  }
0x93: {  	s2 =	sld [smem:$0x3FFC];
	_ =	sdelay $0x3  }
0x94: {  	_ =	strace s2  }
0x95: {  	s2 =	sld [smem:$0x3FFD];
	_ =	sdelay $0x3  }
0x96: {  	_ =	strace s2  }
0x97: {  	_ =	strace $0x8FFFFFFF  }
0x98: {  	s18 =	sld [smem:$0x3FDB];
	_ =	sdelay $0x1  }
0x99: {  	s19 =	simm.s32 $_scs_section_size  }
0x9a: {  	s4 =	simm.s32 $_size__tile_overlayer_lowered;
	s5 =	simm.s32 $_tile_overlayer_lowered  }
0x9b: {  	s22 =	simm.s32 $0x1BFF;
	s21 =	sshll.u32 s5, $0x1;
	s2 =	sadd.s32 s19, s18  }
0x9c: {  	s6 =	simm.s32 $0x0;
	s20 =	sshll.u32 s4, $0x1;
	s4 =	sadd.s32 s21, s2  }
0x9d: {  	[timem:s6], [sflag:s22] =	dma.local [hbm:s4], s20  }
0x9e: {  	_ =	swait.ge [sflag:s22], s20  }
0x9f: {  	s3 =	ssub.s32 $0x0, s20;
	[sflag:s22] =	ssyncset.done $0x0  }
0xa0: {  	[sflag:s22] =	ssyncadd.s32 s3;
	_ =	sdelay $0x1  }
0xa1: {  	s23 =	simm.s32 $0x1B8B  }
0xa2: {  	_ =	swait.ge [sflag:s23], $0x1  }
0xa3: {  	[sflag:s23] =	ssyncset.done $0x0  }
0xa4: {  	s25 =	simm.s32 $0x1B8E;
	s24 =	sld [smem:$0x3FFE];
	[sflag:s23] =	ssyncadd.s32 $0xFFFFFFFF  }
0xa5: {  	s26 =	simm.s32 $execute0_lowered;
	[smem:$0x3FD2] =	sst s25  }
0xa6: {  	s4 =	sshll.u32 s26, $0x1;
	_ =	strace $0x80000049;
	[dreg:$0x1] =	wrdreg $0xFFFFFFFF  }
0xa7: {  	s28 =	simm.s32 $_size_execute0_lowered;
	s2 =	sadd.s32 s2, s4;
	[dreg:$0x0] =	wrdreg $0x0  }
0xa8: {  	s4 =	sshll.u32 s28, $0x1;
	[dreg:$0x2] =	wrdreg s2  }
0xa9: {  	[dreg:$0x3] =	wrdreg s4  }
0xaa: {  	[dreg:$0x4] =	wrdreg $0xC0  }
0xab: {  	_ =	task [dreg:s6], $0x5FFFF  }
0xac: {  	[dreg:$0x1] =	wrdreg $0xFFFFFFFF  }
0xad: {  	[dreg:$0x0] =	wrdreg $0x60  }
0xae: {  	[dreg:$0x2] =	wrdreg s24  }
0xaf: {  	[dreg:$0x3] =	wrdreg $0xB4000  }
0xb0: {  	[dreg:$0x4] =	wrdreg $0x9  }
0xb1: {  	_ =	task.clear_ibuf [dreg:s6], $0x5FFFF;
	_ =	strace $0x90000049  }
0xb2: {  	s29 =	simm.s32 $0x9;
	_ =	strace $0x8000004B  }
0xb3: {  	_ =	swait.ge [sflag:s29], $0x1  }
0xb4: {  	[sflag:s29] =	ssyncadd.s32 $0xFFFFFFFF  }
0xb5: {  	_ =	strace $0x9000004B  }
0xb6: {  	_ =	sfence  }
0xb7: {  	s30 =	sld [smem:$0x0];
	_ =	sdelay $0x2  }
0xb8: {  	s31 =	sshll.u32 s1, $0xD;
	s1 =	sshrl.u32 s1, $0x2  }
0xb9: {  	s3 =	sand.u32 $0x4000, s31;
	s1 =	sadd.s32 s1, s30  }
0xba: {  	s0 =	sor.u32 s3, s0;
	s1 =	sshll.u32 s1, $0x11  }
0xbb: {  	s0 =	sor.u32 s1, s0  }
0xbc: {  	s0 =	sadd.s32 $0x8F2B, s0  }
0xbd: {  	[sflag:s0] =	ssyncadd.remote.s32 $0x1  }
0xbe: {  	_ =	sfence.sel $0xFFFF  }
0xbf: {  	[dreg:$0x0] =	wrdreg $0xFFFFFFFF;
	(pc) =	sbr.abs _section_cstart, $3  }
0xc0: {  	[dreg:$0x1] =	wrdreg $0xFFFFFFFF  }
0xc1: {  	_ =	task.clear_ibuf [dreg:s6], $0x2FFFF;
	_ =	strace $0x9FFFFFFF  }
0xc2: {  	(tm) =	ssettm $0x7FFFFFFF  }
0xc3: {  	_ =	shalt  }
tec
execute0_lowered:
.L_overlay_start_1:
0x0: {  	(tag) =	ssettag $0x1  }
0x1: {  	s0 =	rddreg [dreg:$0x0]  }
0x2: {  	s2 =	rddreg [dreg:$0x1];
	s3 =	simm.s32 $0x0  }
0x3: {  	s14 =	stileid.u32;
	s1 =	srdreg.scid;
	s15 =	simm.s32 $0x70  }
0x4: {  	s16 =	simm.s32 $0xC00;
	s18 =	simm.s32 $0x4400;
	s28 =	simm.s32 $0x4  }
0x5: {  	s29 =	simm.s32 $0x5;
	s30 =	simm.s32 $0x6;
	s31 =	simm.s32 $0x2  }
0x6: {  	[smem:$0x7FF] =	sst s3;
	s5 =	smul.u32 $0x14000, s14;
	s1 =	sand.u32 $0x1, s1  }
0x7: {  	s4 =	sadd.s32 $0x19E00, s0;
	s11 =	sadd.s32 $0x3600, s0;
	s20 =	smul.u32 $0x50000, s14  }
0x8: {  	s10 =	smul.u32 $0x5A00, s14;
	s23 =	sshll.u32 s14, $0x6;
	_ =	strace $0x8000004A  }
0x9: {  	s6 =	smul.u32 $0x140000, s1;
	s8 =	sshll.u32 s1, $0x4;
	s21 =	ssub.s32 $0x2, s1  }
0xa: {  	s1 =	smul.u32 $0x5A000, s1;
	s7 =	sshrl.u32 s5, $0x3;
	s8 =	sor.u32 s14, s8  }
0xb: {  	s9 =	sshrl.u32 s21, $0x1;
	s14 =	simm.s32 $0x300;
	s5 =	sadd.s32 s5, s6  }
0xc: {  	s7 =	sadd.s32 s7, s0;
	s8 =	smul.u32 $0x5A00, s8;
	s6 =	sshrl.u32 s20, $0x2  }
0xd: {  	s12 =	ssub.s32 s21, s9;
	s1 =	sadd.s32 s10, s1;
	s20 =	simm.s32 $0x7C00  }
0xe: {  	s21 =	simm.s32 $0x1;
	s5 =	sshrl.u32 s5, $0x3;
	s13 =	sadd.s32 s6, s2  }
0xf: {  	s22 =	sadd.s32 $0x41E00, s7;
	s6 =	sor.u32 $0x1C08, s23;
	s1 =	sadd.s32 $0x600, s1  }
0x10: {  	s10 =	smax.u32 s12, $0x1;
	s23 =	simm.s32 $0x0;
	s0 =	sadd.s32 s5, s0  }
0x11: {  	[dreg:$0x3] =	wrdreg s22;
	s24 =	sshrl.u32 s8, $0x3;
	s26 =	sshrl.u32 s1, $0x3  }
0x12: {  	s12 =	sshrl.u32 s13, $0x3;
	s13 =	simm.s32 $0x8;
	s7 =	sadd.s32 s11, s24  }
0x13: {  	s9 =	sadd.s32 $0x69E00, s0;
	s24 =	simm.s32 $0x3;
	s25 =	sadd.s32 $0x60, s7  }
0x14: {  	[dreg:$0x4] =	wrdreg s25;
	s25 =	sadd.s32 s26, s11;
	s26 =	simm.s32 $0x7  }
.LBB2_1:
0x15: {  	s0 =	rddreg [dreg:$0x3]  }
0x16: {  	[spmem:s12], [sflag:s6] =	dma.local [hbm:s0], $0x2800  }
0x17: {  	_ =	swait.ge [sflag:s13], $0x2800  }
0x18: {  	[sflag:s13] =	ssyncset.done $0x0  }
0x19: {  	[sflag:s13] =	ssyncadd.s32 $0xFFFFD800  }
0x1a: {  	[tilespmem:s3], [sflag:$0x8] =	stream.linear.gather [hbm4b:s7+s3], $0x300, $0x38;
	[tilespmem:$0x1F400] =	vst v63  }
0x1b: {  	_ =	swait.ge [sflag:s13], $0x300  }
0x1c: {  	[sflag:s13] =	ssyncset.done $0x0  }
0x1d: {  	[sflag:s13] =	ssyncadd.s32 $0xFFFFFD00  }
0x1e: {  	[bflag:$0x0] =	sbarrier.arrive $0xFFFF  }
0x1f: {  	s11 =	rddreg [dreg:$0x4]  }
0x20: {  	[tilespmem:s14], [sflag:$0x7] =	stream.linear.gather [hbm4b:s11+s3], $0x300, $0x38;
	[tilespmem:$0x1F400] =	vst v63  }
0x21: {  	_ = 	snop  }
0x22: {  	[tilespmem:s16], [sflag:$0x1] =	stream.indirect.gather [hbm4b:s4+s15], $0x80, s3, s15, $0xb8;
	[tilespmem:$0x1F400] =	vst v63  }
0x23: {  	s17 =	simm.s32 $0x100  }
0x24: {  	[tilespmem:s18], [sflag:$0x2] =	stream.indirect.gather [hbm4b:s4+s15], $0x80, s17, s15, $0xb8;
	[tilespmem:$0x1F400] =	vst v63  }
0x25: {  	s19 =	simm.s32 $0x200  }
0x26: {  	[tilespmem:s20], [sflag:$0x3] =	stream.indirect.gather [hbm4b:s4+s15], $0x80, s19, s15, $0xb8;
	[tilespmem:$0x1F400] =	vst v63  }
0x27: {  	_ =	swait.ge [sflag:s21], $0x3800  }
0x28: {  	[sflag:s21] =	ssyncset.done $0x0  }
0x29: {  	s22 =	simm.s32 $0x80;
	[sflag:s21] =	ssyncadd.s32 $0xFFFFC800  }
0x2a: {  	[spmem:s2] =	stream.indirect.scatter.add.f32 [tilespmem:s16], [sflag:$0x4], $0x80, s22, s15, $0xb8;
	[tilespmem:$0x1F400] =	vst v63  }
0x2b: {  	_ =	swait.ge [sflag:s31], $0x3800  }
0x2c: {  	[sflag:s31] =	ssyncset.done $0x0  }
0x2d: {  	s1 =	simm.s32 $0x180;
	[sflag:s31] =	ssyncadd.s32 $0xFFFFC800  }
0x2e: {  	[spmem:s2] =	stream.indirect.scatter.add.f32 [tilespmem:s18], [sflag:$0x5], $0x80, s1, s15, $0xb8;
	[tilespmem:$0x1F400] =	vst v63  }
0x2f: {  	_ =	swait.ge [sflag:s24], $0x3800  }
0x30: {  	[sflag:s24] =	ssyncset.done $0x0  }
0x31: {  	s5 =	simm.s32 $0x280;
	s8 =	sand.u32 $0x3, s31;
	[sflag:s24] =	ssyncadd.s32 $0xFFFFC800  }
0x32: {  	[spmem:s2] =	stream.indirect.scatter.add.f32 [tilespmem:s20], [sflag:$0x6], $0x80, s5, s15, $0xb8;
	[tilespmem:$0x1F400] =	vst v63  }
0x33: {  	s0 =	smul.u32 $0xC00, s8;
	_ =	swait.ge [sflag:s26], $0x300  }
0x34: {  	s1 =	simm.s32 $0x1;
	[sflag:s26] =	ssyncset.done $0x0  }
0x35: {  	s0 =	sshrl.u32 s0, $0x2;
	s1 =	sand.u32 $0x3, s1;
	[sflag:s26] =	ssyncadd.s32 $0xFFFFFD00  }
0x36: {  	[tilespmem:s0], [sflag:$0x7] =	stream.linear.gather [hbm4b:s25+s3], $0x300, $0x38;
	[tilespmem:$0x1F400] =	vst v63  }
0x37: {  	s11 =	smul.u32 $0xC00, s1;
	_ =	swait.ge [sflag:s28], $0x3800  }
0x38: {  	[sflag:s28] =	ssyncset.done $0x0  }
0x39: {  	s11 =	sshrl.u32 s11, $0x2;
	[sflag:s28] =	ssyncadd.s32 $0xFFFFC800  }
0x3a: {  	[tilespmem:s16], [sflag:$0x1] =	stream.indirect.gather [hbm4b:s4+s15], $0x80, s11, s15, $0xb8;
	[tilespmem:$0x1F400] =	vst v63  }
0x3b: {  	_ =	swait.ge [sflag:s29], $0x3800  }
0x3c: {  	[sflag:s29] =	ssyncset.done $0x0  }
0x3d: {  	s0 =	sadd.s32 $0x100, s11;
	[sflag:s29] =	ssyncadd.s32 $0xFFFFC800  }
0x3e: {  	[tilespmem:s18], [sflag:$0x2] =	stream.indirect.gather [hbm4b:s4+s15], $0x80, s0, s15, $0xb8;
	[tilespmem:$0x1F400] =	vst v63  }
0x3f: {  	_ =	swait.ge [sflag:s30], $0x3800  }
0x40: {  	[sflag:s30] =	ssyncset.done $0x0  }
0x41: {  	s17 =	sadd.s32 $0x200, s11;
	[sflag:s30] =	ssyncadd.s32 $0xFFFFC800  }
0x42: {  	[tilespmem:s20], [sflag:$0x3] =	stream.indirect.gather [hbm4b:s4+s15], $0x80, s17, s15, $0xb8;
	[tilespmem:$0x1F400] =	vst v63  }
0x43: {  	_ =	swait.ge [sflag:s21], $0x3800  }
0x44: {  	[sflag:s21] =	ssyncset.done $0x0  }
0x45: {  	s19 =	sor.u32 $0x80, s11;
	[sflag:s21] =	ssyncadd.s32 $0xFFFFC800  }
0x46: {  	[spmem:s2] =	stream.indirect.scatter.add.f32 [tilespmem:s16], [sflag:$0x4], $0x80, s19, s15, $0xb8;
	[tilespmem:$0x1F400] =	vst v63  }
0x47: {  	_ =	swait.ge [sflag:s31], $0x3800  }
0x48: {  	s22 =	sadd.s32 $0x180, s11;
	s0 =	simm.s32 $0x3;
	[sflag:s31] =	ssyncset.done $0x0  }
0x49: {  	s1 =	sand.u32 $0x3, s0;
	s17 =	simm.s32 $0x4;
	[sflag:s31] =	ssyncadd.s32 $0xFFFFC800  }
0x4a: {  	[spmem:s2] =	stream.indirect.scatter.add.f32 [tilespmem:s18], [sflag:$0x5], $0x80, s22, s15, $0xb8;
	[tilespmem:$0x1F400] =	vst v63  }
0x4b: {  	s22 =	sadd.s32 $0x280, s11;
	s11 =	smov.u32 s25;
	_ =	swait.ge [sflag:s24], $0x3800  }
.LBB2_2:
0x4c: {  	[sflag:s24] =	ssyncset.done $0x0  }
0x4d: {  	s11 =	sadd.s32 $0x60, s11;
	s5 =	smov.u32 s17;
	s19 =	sadd.s32 $0x1, s17  }
0x4e: {  	s8 =	smul.u32 $0xC00, s1;
	s1 =	sand.u32 $0x3, s5;
	[sflag:s24] =	ssyncadd.s32 $0xFFFFC800  }
0x4f: {  	[spmem:s2] =	stream.indirect.scatter.add.f32 [tilespmem:s20], [sflag:$0x6], $0x80, s22, s15, $0xb8;
	[tilespmem:$0x1F400] =	vst v63  }
0x50: {  	s0 =	sadd.s32 $0xFFFFFFFF, s0;
	s8 =	sshrl.u32 s8, $0x2;
	_ =	swait.ge [sflag:s26], $0x300  }
0x51: {  	p0 =	sne.s32 s17, $0x1D;
	s0 =	sand.u32 $0x3, s0;
	[sflag:s26] =	ssyncset.done $0x0  }
0x52: {  	s17 =	smul.u32 $0xC00, s0;
	s0 =	smov.u32 s5;
	[sflag:s26] =	ssyncadd.s32 $0xFFFFFD00  }
0x53: {  	[tilespmem:s8], [sflag:$0x7] =	stream.linear.gather [hbm4b:s11+s3], $0x300, $0x38;
	[tilespmem:$0x1F400] =	vst v63  }
0x54: {  	s5 =	sshrl.u32 s17, $0x2;
	_ =	swait.ge [sflag:s28], $0x3800  }
0x55: {  	[sflag:s28] =	ssyncset.done $0x0  }
0x56: {  	[sflag:s28] =	ssyncadd.s32 $0xFFFFC800  }
0x57: {  	[tilespmem:s16], [sflag:$0x1] =	stream.indirect.gather [hbm4b:s4+s15], $0x80, s5, s15, $0xb8;
	[tilespmem:$0x1F400] =	vst v63  }
0x58: {  	_ =	swait.ge [sflag:s29], $0x3800  }
0x59: {  	s8 =	sadd.s32 $0x100, s5;
	[sflag:s29] =	ssyncset.done $0x0  }
0x5a: {  	[sflag:s29] =	ssyncadd.s32 $0xFFFFC800  }
0x5b: {  	[tilespmem:s18], [sflag:$0x2] =	stream.indirect.gather [hbm4b:s4+s15], $0x80, s8, s15, $0xb8;
	[tilespmem:$0x1F400] =	vst v63  }
0x5c: {  	_ =	swait.ge [sflag:s30], $0x3800  }
0x5d: {  	s8 =	sadd.s32 $0x200, s5;
	[sflag:s30] =	ssyncset.done $0x0  }
0x5e: {  	[sflag:s30] =	ssyncadd.s32 $0xFFFFC800  }
0x5f: {  	[tilespmem:s20], [sflag:$0x3] =	stream.indirect.gather [hbm4b:s4+s15], $0x80, s8, s15, $0xb8;
	[tilespmem:$0x1F400] =	vst v63  }
0x60: {  	s8 =	sor.u32 $0x80, s5;
	_ =	swait.ge [sflag:s21], $0x3800  }
0x61: {  	[sflag:s21] =	ssyncset.done $0x0  }
0x62: {  	[sflag:s21] =	ssyncadd.s32 $0xFFFFC800  }
0x63: {  	[spmem:s2] =	stream.indirect.scatter.add.f32 [tilespmem:s16], [sflag:$0x4], $0x80, s8, s15, $0xb8;
	[tilespmem:$0x1F400] =	vst v63  }
.Ltmp0:
0x64: {  	s8 =	sadd.s32 $0x180, s5;
	_ =	swait.ge [sflag:s31], $0x3800;
	(pc) =	sbr.rel @p0 .LBB2_2-.Ltmp0, $4  }
0x65: {  	[sflag:s31] =	ssyncset.done $0x0  }
0x66: {  	[sflag:s31] =	ssyncadd.s32 $0xFFFFC800  }
0x67: {  	[spmem:s2] =	stream.indirect.scatter.add.f32 [tilespmem:s18], [sflag:$0x5], $0x80, s8, s15, $0xb8;
	[tilespmem:$0x1F400] =	vst v63  }
0x68: {  	s17 =	smov.u32 s19;
	s22 =	sadd.s32 $0x280, s5;
	_ =	swait.ge [sflag:s24], $0x3800  }
0x69: {  	[sflag:s24] =	ssyncset.done $0x0  }
0x6a: {  	[sflag:s24] =	ssyncadd.s32 $0xFFFFC800  }
0x6b: {  	[spmem:s2] =	stream.indirect.scatter.add.f32 [tilespmem:s20], [sflag:$0x6], $0x80, s22, s15, $0xb8;
	[tilespmem:$0x1F400] =	vst v63  }
0x6c: {  	s1 =	smul.u32 $0xC00, s1;
	_ =	swait.ge [sflag:s26], $0x300  }
0x6d: {  	s5 =	sadd.s32 $0x60, s11;
	s0 =	sadd.s32 $0xFFFFFFFF, s0;
	[sflag:s26] =	ssyncset.done $0x0  }
0x6e: {  	s0 =	sand.u32 $0x3, s0;
	s1 =	sshrl.u32 s1, $0x2;
	[sflag:s26] =	ssyncadd.s32 $0xFFFFFD00  }
0x6f: {  	[tilespmem:s1], [sflag:$0x7] =	stream.linear.gather [hbm4b:s5+s3], $0x300, $0x38;
	[tilespmem:$0x1F400] =	vst v63  }
0x70: {  	s0 =	smul.u32 $0xC00, s0;
	_ =	swait.ge [sflag:s28], $0x3800  }
0x71: {  	[sflag:s28] =	ssyncset.done $0x0  }
0x72: {  	s0 =	sshrl.u32 s0, $0x2;
	[sflag:s28] =	ssyncadd.s32 $0xFFFFC800  }
0x73: {  	[tilespmem:s16], [sflag:$0x1] =	stream.indirect.gather [hbm4b:s4+s15], $0x80, s0, s15, $0xb8;
	[tilespmem:$0x1F400] =	vst v63  }
0x74: {  	_ =	swait.ge [sflag:s29], $0x3800  }
0x75: {  	[sflag:s29] =	ssyncset.done $0x0  }
0x76: {  	s17 =	sadd.s32 $0x100, s0;
	[sflag:s29] =	ssyncadd.s32 $0xFFFFC800  }
0x77: {  	[tilespmem:s18], [sflag:$0x2] =	stream.indirect.gather [hbm4b:s4+s15], $0x80, s17, s15, $0xb8;
	[tilespmem:$0x1F400] =	vst v63  }
0x78: {  	_ =	swait.ge [sflag:s30], $0x3800  }
0x79: {  	[sflag:s30] =	ssyncset.done $0x0  }
0x7a: {  	s19 =	sadd.s32 $0x200, s0;
	[sflag:s30] =	ssyncadd.s32 $0xFFFFC800  }
0x7b: {  	[tilespmem:s20], [sflag:$0x3] =	stream.indirect.gather [hbm4b:s4+s15], $0x80, s19, s15, $0xb8;
	[tilespmem:$0x1F400] =	vst v63  }
0x7c: {  	_ =	swait.ge [sflag:s21], $0x3800  }
0x7d: {  	[sflag:s21] =	ssyncset.done $0x0  }
0x7e: {  	s22 =	sor.u32 $0x80, s0;
	[sflag:s21] =	ssyncadd.s32 $0xFFFFC800  }
0x7f: {  	[spmem:s2] =	stream.indirect.scatter.add.f32 [tilespmem:s16], [sflag:$0x4], $0x80, s22, s15, $0xb8;
	[tilespmem:$0x1F400] =	vst v63  }
0x80: {  	_ =	swait.ge [sflag:s31], $0x3800  }
0x81: {  	[sflag:s31] =	ssyncset.done $0x0  }
0x82: {  	s5 =	sadd.s32 $0x180, s0;
	[sflag:s31] =	ssyncadd.s32 $0xFFFFC800  }
0x83: {  	[spmem:s2] =	stream.indirect.scatter.add.f32 [tilespmem:s18], [sflag:$0x5], $0x80, s5, s15, $0xb8;
	[tilespmem:$0x1F400] =	vst v63  }
0x84: {  	_ =	swait.ge [sflag:s24], $0x3800  }
0x85: {  	[sflag:s24] =	ssyncset.done $0x0  }
0x86: {  	s0 =	sadd.s32 $0x280, s0;
	[sflag:s24] =	ssyncadd.s32 $0xFFFFC800  }
0x87: {  	[spmem:s2] =	stream.indirect.scatter.add.f32 [tilespmem:s20], [sflag:$0x6], $0x80, s0, s15, $0xb8;
	[tilespmem:$0x1F400] =	vst v63  }
0x88: {  	_ =	swait.ge [sflag:s26], $0x300  }
0x89: {  	[sflag:s26] =	ssyncset.done $0x0  }
0x8a: {  	[sflag:s26] =	ssyncadd.s32 $0xFFFFFD00  }
0x8b: {  	_ =	swait.ge [sflag:s28], $0x3800  }
0x8c: {  	[sflag:s28] =	ssyncset.done $0x0  }
0x8d: {  	[sflag:s28] =	ssyncadd.s32 $0xFFFFC800  }
0x8e: {  	[tilespmem:s16], [sflag:$0x1] =	stream.indirect.gather [hbm4b:s4+s15], $0x80, s14, s15, $0xb8;
	[tilespmem:$0x1F400] =	vst v63  }
0x8f: {  	_ =	swait.ge [sflag:s29], $0x3800  }
0x90: {  	[sflag:s29] =	ssyncset.done $0x0  }
0x91: {  	s8 =	simm.s32 $0x400;
	[sflag:s29] =	ssyncadd.s32 $0xFFFFC800  }
0x92: {  	[tilespmem:s18], [sflag:$0x2] =	stream.indirect.gather [hbm4b:s4+s15], $0x80, s8, s15, $0xb8;
	[tilespmem:$0x1F400] =	vst v63  }
0x93: {  	_ =	swait.ge [sflag:s30], $0x3800  }
0x94: {  	[sflag:s30] =	ssyncset.done $0x0  }
0x95: {  	s11 =	simm.s32 $0x500;
	[sflag:s30] =	ssyncadd.s32 $0xFFFFC800  }
0x96: {  	[tilespmem:s20], [sflag:$0x3] =	stream.indirect.gather [hbm4b:s4+s15], $0x80, s11, s15, $0xb8;
	[tilespmem:$0x1F400] =	vst v63  }
0x97: {  	_ =	swait.ge [sflag:s21], $0x3800  }
0x98: {  	[sflag:s21] =	ssyncset.done $0x0  }
0x99: {  	s17 =	simm.s32 $0x380;
	[sflag:s21] =	ssyncadd.s32 $0xFFFFC800  }
0x9a: {  	[spmem:s2] =	stream.indirect.scatter.add.f32 [tilespmem:s16], [sflag:$0x4], $0x80, s17, s15, $0xb8;
	[tilespmem:$0x1F400] =	vst v63  }
0x9b: {  	_ =	swait.ge [sflag:s31], $0x3800  }
0x9c: {  	[sflag:s31] =	ssyncset.done $0x0  }
0x9d: {  	s19 =	simm.s32 $0x480;
	[sflag:s31] =	ssyncadd.s32 $0xFFFFC800  }
0x9e: {  	[spmem:s2] =	stream.indirect.scatter.add.f32 [tilespmem:s18], [sflag:$0x5], $0x80, s19, s15, $0xb8;
	[tilespmem:$0x1F400] =	vst v63  }
0x9f: {  	_ =	swait.ge [sflag:s24], $0x3800  }
0xa0: {  	[sflag:s24] =	ssyncset.done $0x0  }
0xa1: {  	s22 =	simm.s32 $0x580;
	[sflag:s24] =	ssyncadd.s32 $0xFFFFC800  }
0xa2: {  	[spmem:s2] =	stream.indirect.scatter.add.f32 [tilespmem:s20], [sflag:$0x6], $0x80, s22, s15, $0xb8;
	[tilespmem:$0x1F400] =	vst v63  }
0xa3: {  	_ =	swait.ge [sflag:s28], $0x3800  }
0xa4: {  	[sflag:s28] =	ssyncset.done $0x0  }
0xa5: {  	[sflag:s28] =	ssyncadd.s32 $0xFFFFC800  }
0xa6: {  	_ =	swait.ge [sflag:s29], $0x3800  }
0xa7: {  	[sflag:s29] =	ssyncset.done $0x0  }
0xa8: {  	[sflag:s29] =	ssyncadd.s32 $0xFFFFC800  }
0xa9: {  	_ =	swait.ge [sflag:s30], $0x3800  }
0xaa: {  	s23 =	sadd.s32 $0x1, s23;
	[sflag:s30] =	ssyncset.done $0x0  }
0xab: {  	p0 =	sne.s32 s23, s10;
	[sflag:s30] =	ssyncadd.s32 $0xFFFFC800  }
.Ltmp1:
0xac: {  	[bflag:$0x0] =	sbarrier.arrive $0xFFFF;
	(pc) =	sbr.rel @p0 .LBB2_1-.Ltmp1, $4  }
0xad: {  	[hbm:s9], [sflag:s6] =	dma.local [spmem:s12], $0x2800  }
0xae: {  	_ =	swait.ge [sflag:s13], $0x2800  }
0xaf: {  	[sflag:s13] =	ssyncset.done $0x0  }
0xb0: {  	[sflag:s13] =	ssyncadd.s32 $0xFFFFD800  }
0xb1: {  	_ =	sfence.sel $0x180000  }
0xb2: {  	[bflag:$0x0] =	sbarrier.arrive $0xFFFF  }
0xb3: {  	_ =	strace $0x9000004A  }
0xb4: {  	s0 =	stileid.u32;
	[bflag:$0x2] =	sbarrier.arrive $0xFFFF  }
0xb5: {  	p0 =	sne.s32 s0, $0x0;
	s0 =	rddreg [dreg:$0x2]  }
0xb6: {  	s0 =	sadd.s32 @!p0 $0x100000, s0  }
0xb7: {  	[sflag:s0] =	ssyncadd.tile.s32 @!p0 $0x1;
	_ =	shalt  }
.Lfunc_end2:
_tile_overlayer_lowered:
.L_overlay_start_2:
0xb8: {  	(tag) =	ssettag $0x2  }
0xb9: {  	s0 =	rddreg [dreg:$0x0];
	s2 =	stileid.u32  }
0xba: {  	s1 =	rddreg [dreg:$0x1];
	p0 =	sne.s32 s2, $0x0  }
0xbb: {  	s3 =	rddreg [dreg:$0x2];
	[bflag:$0x3] =	sbarrier.arrive $0xFFFF;
	s2 =	simm.s32 @!p0 $0x1C08  }
0xbc: {  	[timem:s3], [sflag:s2] =	dma.local @!p0 [hbm:s0], s1  }
0xbd: {  	s0 =	simm.s32 @!p0 $0x8  }
0xbe: {  	_ =	swait.ge @!p0 [sflag:s0], s1  }
0xbf: {  	s1 =	ssub.s32 @!p0 $0x0, s1;
	[sflag:s0] =	ssyncset.done @!p0 $0x0  }
0xc0: {  	[sflag:s0] =	ssyncadd.s32 @!p0 s1  }
0xc1: {  	[bflag:$0x3] =	sbarrier.arrive $0xFFFF  }
0xc2: {  	_ =	shalt  }

// kernel: kernel.16.cloned.1.call-start
scs
__scs_entry_jumppad:
0x0: {  	(pc) =	sbr.rel $0x88, $3  }
0x1: {  	(tag) =	ssettag $0x0;
	lr =	simm.s32 $0x1  }
0x2: {  	[smem:$0x3F96] =	sst lr;
	_ =	strace $0xD0000000  }
0x3: {  	_ = 	snop  }
0x4: {  	_ = 	snop  }
0x5: {  	_ = 	snop  }
0x6: {  	_ = 	snop  }
0x7: {  	_ = 	snop  }
__scs_overlays_trampoline_lowered:
0x8: {  	[smem:$0x3FA5] =	sst s0  }
0x9: {  	[smem:$0x3FA6] =	sst s1  }
0xa: {  	[smem:$0x3FA7] =	sst s2  }
0xb: {  	[smem:$0x3FA8] =	sst s3  }
0xc: {  	[smem:$0x3FA9] =	sst s4  }
0xd: {  	[smem:$0x3FAA] =	sst s5  }
0xe: {  	[smem:$0x3FAB] =	sst s6  }
0xf: {  	[smem:$0x3FAC] =	sst s7  }
0x10: {  	[smem:$0x3FAD] =	sst s8  }
0x11: {  	[smem:$0x3FAE] =	sst s9;
	s0 =	simm.s32 @!p0 $0x0  }
0x12: {  	s1 =	sld [smem:$0x3F94];
	s0 =	simm.s32 @p0 $0x1  }
0x13: {  	[smem:$0x3FAF] =	sst s0;
	s0 =	simm.s32 @!p1 $0x0  }
0x14: {  	s2 =	sld [smem:$0x3F93];
	s0 =	simm.s32 @p1 $0x1  }
0x15: {  	[smem:$0x3FB0] =	sst s0;
	s0 =	simm.s32 @!p2 $0x0  }
0x16: {  	s3 =	sld [smem:$0x3FDB];
	s0 =	simm.s32 @p2 $0x1  }
0x17: {  	s4 =	simm.s32 $0x1BF5;
	[smem:$0x3FB2] =	sst s0  }
0x18: {  	s0 =	sld [smem:$0x3F95];
	_ =	swait.ge [sflag:s4], $0x0  }
0x19: {  	s7 =	sld [smem:$0x3F96]  }
0x1a: {  	s8 =	sadd.s32 $0xFFFFE003, lr  }
0x1b: {  	s9 =	sadd.s32 $0xFFFFFEF7, lr;
	s5 =	simm.s32 $0xFFFFFFFF;
	p2 =	slt.u32 s8, $0xFFFFF086  }
0x1c: {  	p1 =	slt.u32 s9, $0xF7A;
	s5 =	simm.s32 @!p2 $0x0  }
0x1d: {  	s5 =	simm.s32 @p1 $0x1;
	p0 =	seq.s32 s7, s2  }
0x1e: {  	s7 =	smul.u32 @!p0 $0xF7A, s2;
	p2 =	seq.s32 @!p0 s5, $0x0  }
0x1f: {  	s9 =	smul.u32 $0xF7A, s1;
	s8 =	simm.s32 @!p0 $0x1BF5;
	p2 =	por !p2, p0  }
0x20: {  	[sflag:s8] =	ssyncset.s32 @!p0 $0xFFFFF086;
	s6 =	sadd.s32 @!p0 s3, s7;
	s7 =	simm.s32 @!p0 $0x108  }
0x21: {  	s3 =	sadd.s32 s3, s9;
	s6 =	sadd.s32 @!p0 $0x88, s6;
	s7 =	simm.s32 @p2 $0x1082  }
0x22: {  	[simem:s7], [sflag:s8] =	dma.local @!p0 [hbm:s6], $0xF7A  }
0x23: {  	s9 =	sor.u32 $0xD0000000, s2;
	s6 =	simm.s32 $0x108;
	_ =	swait.ge @!p0 [sflag:s8], $0x0  }
0x24: {  	s3 =	sadd.s32 $0x88, s3;
	s6 =	simm.s32 @!p1 $0x1082;
	[sflag:s4] =	ssyncset.s32 $0xFFFFF086  }
0x25: {  	[simem:s6], [sflag:s4] =	dma.local [hbm:s3], $0xF7A  }
0x26: {  	[smem:$0x3F96] =	sst s1;
	(tag) =	ssettag s2;
	_ =	strace s9  }
0x27: {  	s1 =	sld [smem:$0x3FA6]  }
0x28: {  	s2 =	sld [smem:$0x3FA7]  }
0x29: {  	s4 =	sld [smem:$0x3FA9]  }
0x2a: {  	p0 =	seq.s32 s5, $0x0;
	s5 =	sld [smem:$0x3FAA]  }
0x2b: {  	s6 =	sld [smem:$0x3FAB]  }
0x2c: {  	s7 =	sld [smem:$0x3FAC]  }
0x2d: {  	s3 =	simm.s32 $0x108;
	s8 =	sld [smem:$0x3FAD]  }
0x2e: {  	s3 =	simm.s32 @!p0 $0x1082;
	s9 =	sld [smem:$0x3FAE]  }
0x2f: {  	lr =	sadd.s32 s0, s3;
	s0 =	sld [smem:$0x3FA5]  }
0x30: {  	s3 =	sld [smem:$0x3FA8]  }
0x31: {  	[smem:$0x3FB1] =	sst s10  }
0x32: {  	s10 =	sld [smem:$0x3FAF];
	_ =	sdelay $0x3  }
0x33: {  	p0 =	seq.s32 s10, $0x1;
	s10 =	sld [smem:$0x3FB1];
	_ =	sdelay $0x3  }
0x34: {  	[smem:$0x3FB1] =	sst s10  }
0x35: {  	s10 =	sld [smem:$0x3FB0];
	_ =	sdelay $0x3  }
0x36: {  	p1 =	seq.s32 s10, $0x1;
	s10 =	sld [smem:$0x3FB1];
	_ =	sdelay $0x3  }
0x37: {  	[smem:$0x3FB1] =	sst s10  }
0x38: {  	s10 =	sld [smem:$0x3FB2]  }
0x39: {  	_ = 	snop;
	(pc) =	sbr.ind lr, $3  }
0x3a: {  	_ = 	snop  }
0x3b: {  	_ = 	snop  }
0x3c: {  	p2 =	seq.s32 s10, $0x1;
	s10 =	sld [smem:$0x3FB1]  }
0x3d: {  	_ =	shalt  }
0x3e: {  	_ =	shalt  }
0x3f: {  	_ =	shalt  }
0x40: {  	_ =	shalt  }
0x41: {  	_ =	shalt  }
0x42: {  	_ =	shalt  }
0x43: {  	_ =	shalt  }
0x44: {  	_ =	shalt  }
0x45: {  	_ =	shalt  }
0x46: {  	_ =	shalt  }
0x47: {  	_ =	shalt  }
0x48: {  	_ =	shalt  }
0x49: {  	_ =	shalt  }
0x4a: {  	_ =	shalt  }
0x4b: {  	_ =	shalt  }
0x4c: {  	_ =	shalt  }
0x4d: {  	_ =	shalt  }
0x4e: {  	_ =	shalt  }
0x4f: {  	_ =	shalt  }
0x50: {  	_ =	shalt  }
0x51: {  	_ =	shalt  }
0x52: {  	_ =	shalt  }
0x53: {  	_ =	shalt  }
0x54: {  	_ =	shalt  }
0x55: {  	_ =	shalt  }
0x56: {  	_ =	shalt  }
0x57: {  	_ =	shalt  }
0x58: {  	_ =	shalt  }
0x59: {  	_ =	shalt  }
0x5a: {  	_ =	shalt  }
0x5b: {  	_ =	shalt  }
0x5c: {  	_ =	shalt  }
0x5d: {  	_ =	shalt  }
0x5e: {  	_ =	shalt  }
0x5f: {  	_ =	shalt  }
0x60: {  	_ =	shalt  }
0x61: {  	_ =	shalt  }
0x62: {  	_ =	shalt  }
0x63: {  	_ =	shalt  }
0x64: {  	_ =	shalt  }
0x65: {  	_ =	shalt  }
0x66: {  	_ =	shalt  }
0x67: {  	_ =	shalt  }
0x68: {  	_ =	shalt  }
0x69: {  	_ =	shalt  }
0x6a: {  	_ =	shalt  }
0x6b: {  	_ =	shalt  }
0x6c: {  	_ =	shalt  }
0x6d: {  	_ =	shalt  }
0x6e: {  	_ =	shalt  }
0x6f: {  	_ =	shalt  }
0x70: {  	_ =	shalt  }
0x71: {  	_ =	shalt  }
0x72: {  	_ =	shalt  }
0x73: {  	_ =	shalt  }
0x74: {  	_ =	shalt  }
0x75: {  	_ =	shalt  }
0x76: {  	_ =	shalt  }
0x77: {  	_ =	shalt  }
0x78: {  	_ =	shalt  }
0x79: {  	_ =	shalt  }
0x7a: {  	_ =	shalt  }
0x7b: {  	_ =	shalt  }
0x7c: {  	_ =	shalt  }
0x7d: {  	_ =	shalt  }
0x7e: {  	_ =	shalt  }
0x7f: {  	_ =	shalt  }
0x80: {  	_ =	shalt  }
0x81: {  	_ =	shalt  }
0x82: {  	_ =	shalt  }
0x83: {  	_ =	shalt  }
0x84: {  	_ =	shalt  }
0x85: {  	_ =	shalt  }
0x86: {  	_ =	shalt  }
0x87: {  	_ =	shalt  }
.Lfunc_end0:
.L_simem_size_0:
called_computation.2_lowered:
.L_overlay_start_0:
0x88: {  	s2 =	sld [smem:$0x3FD9]  }
0x89: {  	s3 =	sld [smem:$0x3FFE];
	_ =	sdelay $0x1  }
0x8a: {  	s1 =	srdreg.scid  }
0x8b: {  	s0 =	sand.u32 $0x1, s1  }
0x8c: {  	s16 =	sshll.u32 s0, $0xA;
	s2 =	sadd.s32 s3, s2  }
0x8d: {  	s2 =	sadd.s32 s2, s16  }
0x8e: {  	[smem:$0x3FBD] =	sst s2  }
0x8f: {  	_ = 	snop  }
0x90: {  	(tm) =	ssettm $0x1  }
0x91: {  	s17 =	sld [smem:$0x3FFB];
	_ =	sdelay $0x3  }
0x92: {  	_ =	strace s17  }
0x93: {  	s2 =	sld [smem:$0x3FFC];
	_ =	sdelay $0x3  }
0x94: {  	_ =	strace s2  }
0x95: {  	s2 =	sld [smem:$0x3FFD];
	_ =	sdelay $0x3  }
0x96: {  	_ =	strace s2  }
0x97: {  	_ =	strace $0x8FFFFFFF  }
0x98: {  	s18 =	sld [smem:$0x3FDB];
	_ =	sdelay $0x1  }
0x99: {  	s19 =	simm.s32 $_scs_section_size  }
0x9a: {  	s4 =	simm.s32 $_size__tile_overlayer_lowered;
	s5 =	simm.s32 $_tile_overlayer_lowered  }
0x9b: {  	s22 =	simm.s32 $0x1BFF;
	s21 =	sshll.u32 s5, $0x1;
	s2 =	sadd.s32 s19, s18  }
0x9c: {  	s6 =	simm.s32 $0x0;
	s20 =	sshll.u32 s4, $0x1;
	s4 =	sadd.s32 s21, s2  }
0x9d: {  	[timem:s6], [sflag:s22] =	dma.local [hbm:s4], s20  }
0x9e: {  	_ =	swait.ge [sflag:s22], s20  }
0x9f: {  	s3 =	ssub.s32 $0x0, s20;
	[sflag:s22] =	ssyncset.done $0x0  }
0xa0: {  	[sflag:s22] =	ssyncadd.s32 s3;
	_ =	sdelay $0x1  }
0xa1: {  	s23 =	simm.s32 $0x1B8B  }
0xa2: {  	_ =	swait.ge [sflag:s23], $0x1  }
0xa3: {  	[sflag:s23] =	ssyncset.done $0x0  }
0xa4: {  	s25 =	simm.s32 $0x1B8E;
	s24 =	sld [smem:$0x3FFE];
	[sflag:s23] =	ssyncadd.s32 $0xFFFFFFFF  }
0xa5: {  	s26 =	simm.s32 $execute0_lowered;
	[smem:$0x3FD2] =	sst s25  }
0xa6: {  	s4 =	sshll.u32 s26, $0x1;
	_ =	strace $0x8000004C;
	[dreg:$0x1] =	wrdreg $0xFFFFFFFF  }
0xa7: {  	s28 =	simm.s32 $_size_execute0_lowered;
	s2 =	sadd.s32 s2, s4;
	[dreg:$0x0] =	wrdreg $0x0  }
0xa8: {  	s4 =	sshll.u32 s28, $0x1;
	[dreg:$0x2] =	wrdreg s2  }
0xa9: {  	[dreg:$0x3] =	wrdreg s4  }
0xaa: {  	[dreg:$0x4] =	wrdreg $0xC0  }
0xab: {  	_ =	task [dreg:s6], $0x5FFFF  }
0xac: {  	[dreg:$0x1] =	wrdreg $0xFFFFFFFF  }
0xad: {  	[dreg:$0x0] =	wrdreg $0x60  }
0xae: {  	[dreg:$0x2] =	wrdreg s24  }
0xaf: {  	[dreg:$0x3] =	wrdreg $0xB4000  }
0xb0: {  	[dreg:$0x4] =	wrdreg $0x9  }
0xb1: {  	_ =	task.clear_ibuf [dreg:s6], $0x5FFFF;
	_ =	strace $0x9000004C  }
0xb2: {  	s29 =	simm.s32 $0x9;
	_ =	strace $0x8000004E  }
0xb3: {  	_ =	swait.ge [sflag:s29], $0x1  }
0xb4: {  	[sflag:s29] =	ssyncadd.s32 $0xFFFFFFFF  }
0xb5: {  	_ =	strace $0x9000004E  }
0xb6: {  	_ =	sfence  }
0xb7: {  	s30 =	sld [smem:$0x0];
	_ =	sdelay $0x2  }
0xb8: {  	s31 =	sshll.u32 s1, $0xD;
	s1 =	sshrl.u32 s1, $0x2  }
0xb9: {  	s3 =	sand.u32 $0x4000, s31;
	s1 =	sadd.s32 s1, s30  }
0xba: {  	s0 =	sor.u32 s3, s0;
	s1 =	sshll.u32 s1, $0x11  }
0xbb: {  	s0 =	sor.u32 s1, s0  }
0xbc: {  	s0 =	sadd.s32 $0x8F2B, s0  }
0xbd: {  	[sflag:s0] =	ssyncadd.remote.s32 $0x1  }
0xbe: {  	_ =	sfence.sel $0xFFFF  }
0xbf: {  	[dreg:$0x0] =	wrdreg $0xFFFFFFFF;
	(pc) =	sbr.abs _section_cstart, $3  }
0xc0: {  	[dreg:$0x1] =	wrdreg $0xFFFFFFFF  }
0xc1: {  	_ =	task.clear_ibuf [dreg:s6], $0x2FFFF;
	_ =	strace $0x9FFFFFFF  }
0xc2: {  	(tm) =	ssettm $0x7FFFFFFF  }
0xc3: {  	_ =	shalt  }
tec
execute0_lowered:
.L_overlay_start_1:
0x0: {  	(tag) =	ssettag $0x1  }
0x1: {  	s0 =	rddreg [dreg:$0x0]  }
0x2: {  	s2 =	rddreg [dreg:$0x1];
	s3 =	simm.s32 $0x0  }
0x3: {  	s14 =	stileid.u32;
	s1 =	srdreg.scid;
	s15 =	simm.s32 $0x70  }
0x4: {  	s16 =	simm.s32 $0xC00;
	s18 =	simm.s32 $0x4400;
	s28 =	simm.s32 $0x4  }
0x5: {  	s29 =	simm.s32 $0x5;
	s30 =	simm.s32 $0x6;
	s31 =	simm.s32 $0x2  }
0x6: {  	[smem:$0x7FF] =	sst s3;
	s5 =	smul.u32 $0x14000, s14;
	s1 =	sand.u32 $0x1, s1  }
0x7: {  	s4 =	sadd.s32 $0x19E00, s0;
	s11 =	sadd.s32 $0x3600, s0;
	s20 =	smul.u32 $0x50000, s14  }
0x8: {  	s10 =	smul.u32 $0x5A00, s14;
	s23 =	sshll.u32 s14, $0x6;
	_ =	strace $0x8000004D  }
0x9: {  	s6 =	smul.u32 $0x140000, s1;
	s8 =	sshll.u32 s1, $0x4;
	s21 =	ssub.s32 $0x2, s1  }
0xa: {  	s1 =	smul.u32 $0x5A000, s1;
	s7 =	sshrl.u32 s5, $0x3;
	s8 =	sor.u32 s14, s8  }
0xb: {  	s9 =	sshrl.u32 s21, $0x1;
	s14 =	simm.s32 $0x300;
	s5 =	sadd.s32 s5, s6  }
0xc: {  	s7 =	sadd.s32 s7, s0;
	s8 =	smul.u32 $0x5A00, s8;
	s6 =	sshrl.u32 s20, $0x2  }
0xd: {  	s12 =	ssub.s32 s21, s9;
	s1 =	sadd.s32 s10, s1;
	s20 =	simm.s32 $0x7C00  }
0xe: {  	s21 =	simm.s32 $0x1;
	s5 =	sshrl.u32 s5, $0x3;
	s13 =	sadd.s32 s6, s2  }
0xf: {  	s22 =	sadd.s32 $0x41E00, s7;
	s6 =	sor.u32 $0x1C08, s23;
	s1 =	sadd.s32 $0x600, s1  }
0x10: {  	s10 =	smax.u32 s12, $0x1;
	s23 =	simm.s32 $0x0;
	s0 =	sadd.s32 s5, s0  }
0x11: {  	[dreg:$0x3] =	wrdreg s22;
	s24 =	sshrl.u32 s8, $0x3;
	s26 =	sshrl.u32 s1, $0x3  }
0x12: {  	s12 =	sshrl.u32 s13, $0x3;
	s13 =	simm.s32 $0x8;
	s7 =	sadd.s32 s11, s24  }
0x13: {  	s9 =	sadd.s32 $0x69E00, s0;
	s24 =	simm.s32 $0x3;
	s25 =	sadd.s32 $0x60, s7  }
0x14: {  	[dreg:$0x4] =	wrdreg s25;
	s25 =	sadd.s32 s26, s11;
	s26 =	simm.s32 $0x7  }
.LBB2_1:
0x15: {  	s0 =	rddreg [dreg:$0x3]  }
0x16: {  	[spmem:s12], [sflag:s6] =	dma.local [hbm:s0], $0x2800  }
0x17: {  	_ =	swait.ge [sflag:s13], $0x2800  }
0x18: {  	[sflag:s13] =	ssyncset.done $0x0  }
0x19: {  	[sflag:s13] =	ssyncadd.s32 $0xFFFFD800  }
0x1a: {  	[tilespmem:s3], [sflag:$0x8] =	stream.linear.gather [hbm4b:s7+s3], $0x300, $0x38;
	[tilespmem:$0x1F400] =	vst v63  }
0x1b: {  	_ =	swait.ge [sflag:s13], $0x300  }
0x1c: {  	[sflag:s13] =	ssyncset.done $0x0  }
0x1d: {  	[sflag:s13] =	ssyncadd.s32 $0xFFFFFD00  }
0x1e: {  	[bflag:$0x0] =	sbarrier.arrive $0xFFFF  }
0x1f: {  	s11 =	rddreg [dreg:$0x4]  }
0x20: {  	[tilespmem:s14], [sflag:$0x7] =	stream.linear.gather [hbm4b:s11+s3], $0x300, $0x38;
	[tilespmem:$0x1F400] =	vst v63  }
0x21: {  	_ = 	snop  }
0x22: {  	[tilespmem:s16], [sflag:$0x1] =	stream.indirect.gather [hbm4b:s4+s15], $0x80, s3, s15, $0xb8;
	[tilespmem:$0x1F400] =	vst v63  }
0x23: {  	s17 =	simm.s32 $0x100  }
0x24: {  	[tilespmem:s18], [sflag:$0x2] =	stream.indirect.gather [hbm4b:s4+s15], $0x80, s17, s15, $0xb8;
	[tilespmem:$0x1F400] =	vst v63  }
0x25: {  	s19 =	simm.s32 $0x200  }
0x26: {  	[tilespmem:s20], [sflag:$0x3] =	stream.indirect.gather [hbm4b:s4+s15], $0x80, s19, s15, $0xb8;
	[tilespmem:$0x1F400] =	vst v63  }
0x27: {  	_ =	swait.ge [sflag:s21], $0x3800  }
0x28: {  	[sflag:s21] =	ssyncset.done $0x0  }
0x29: {  	s22 =	simm.s32 $0x80;
	[sflag:s21] =	ssyncadd.s32 $0xFFFFC800  }
0x2a: {  	[spmem:s2] =	stream.indirect.scatter.add.f32 [tilespmem:s16], [sflag:$0x4], $0x80, s22, s15, $0xb8;
	[tilespmem:$0x1F400] =	vst v63  }
0x2b: {  	_ =	swait.ge [sflag:s31], $0x3800  }
0x2c: {  	[sflag:s31] =	ssyncset.done $0x0  }
0x2d: {  	s1 =	simm.s32 $0x180;
	[sflag:s31] =	ssyncadd.s32 $0xFFFFC800  }
0x2e: {  	[spmem:s2] =	stream.indirect.scatter.add.f32 [tilespmem:s18], [sflag:$0x5], $0x80, s1, s15, $0xb8;
	[tilespmem:$0x1F400] =	vst v63  }
0x2f: {  	_ =	swait.ge [sflag:s24], $0x3800  }
0x30: {  	[sflag:s24] =	ssyncset.done $0x0  }
0x31: {  	s5 =	simm.s32 $0x280;
	s8 =	sand.u32 $0x3, s31;
	[sflag:s24] =	ssyncadd.s32 $0xFFFFC800  }
0x32: {  	[spmem:s2] =	stream.indirect.scatter.add.f32 [tilespmem:s20], [sflag:$0x6], $0x80, s5, s15, $0xb8;
	[tilespmem:$0x1F400] =	vst v63  }
0x33: {  	s0 =	smul.u32 $0xC00, s8;
	_ =	swait.ge [sflag:s26], $0x300  }
0x34: {  	s1 =	simm.s32 $0x1;
	[sflag:s26] =	ssyncset.done $0x0  }
0x35: {  	s0 =	sshrl.u32 s0, $0x2;
	s1 =	sand.u32 $0x3, s1;
	[sflag:s26] =	ssyncadd.s32 $0xFFFFFD00  }
0x36: {  	[tilespmem:s0], [sflag:$0x7] =	stream.linear.gather [hbm4b:s25+s3], $0x300, $0x38;
	[tilespmem:$0x1F400] =	vst v63  }
0x37: {  	s11 =	smul.u32 $0xC00, s1;
	_ =	swait.ge [sflag:s28], $0x3800  }
0x38: {  	[sflag:s28] =	ssyncset.done $0x0  }
0x39: {  	s11 =	sshrl.u32 s11, $0x2;
	[sflag:s28] =	ssyncadd.s32 $0xFFFFC800  }
0x3a: {  	[tilespmem:s16], [sflag:$0x1] =	stream.indirect.gather [hbm4b:s4+s15], $0x80, s11, s15, $0xb8;
	[tilespmem:$0x1F400] =	vst v63  }
0x3b: {  	_ =	swait.ge [sflag:s29], $0x3800  }
0x3c: {  	[sflag:s29] =	ssyncset.done $0x0  }
0x3d: {  	s0 =	sadd.s32 $0x100, s11;
	[sflag:s29] =	ssyncadd.s32 $0xFFFFC800  }
0x3e: {  	[tilespmem:s18], [sflag:$0x2] =	stream.indirect.gather [hbm4b:s4+s15], $0x80, s0, s15, $0xb8;
	[tilespmem:$0x1F400] =	vst v63  }
0x3f: {  	_ =	swait.ge [sflag:s30], $0x3800  }
0x40: {  	[sflag:s30] =	ssyncset.done $0x0  }
0x41: {  	s17 =	sadd.s32 $0x200, s11;
	[sflag:s30] =	ssyncadd.s32 $0xFFFFC800  }
0x42: {  	[tilespmem:s20], [sflag:$0x3] =	stream.indirect.gather [hbm4b:s4+s15], $0x80, s17, s15, $0xb8;
	[tilespmem:$0x1F400] =	vst v63  }
0x43: {  	_ =	swait.ge [sflag:s21], $0x3800  }
0x44: {  	[sflag:s21] =	ssyncset.done $0x0  }
0x45: {  	s19 =	sor.u32 $0x80, s11;
	[sflag:s21] =	ssyncadd.s32 $0xFFFFC800  }
0x46: {  	[spmem:s2] =	stream.indirect.scatter.add.f32 [tilespmem:s16], [sflag:$0x4], $0x80, s19, s15, $0xb8;
	[tilespmem:$0x1F400] =	vst v63  }
0x47: {  	_ =	swait.ge [sflag:s31], $0x3800  }
0x48: {  	s22 =	sadd.s32 $0x180, s11;
	s0 =	simm.s32 $0x3;
	[sflag:s31] =	ssyncset.done $0x0  }
0x49: {  	s1 =	sand.u32 $0x3, s0;
	s17 =	simm.s32 $0x4;
	[sflag:s31] =	ssyncadd.s32 $0xFFFFC800  }
0x4a: {  	[spmem:s2] =	stream.indirect.scatter.add.f32 [tilespmem:s18], [sflag:$0x5], $0x80, s22, s15, $0xb8;
	[tilespmem:$0x1F400] =	vst v63  }
0x4b: {  	s22 =	sadd.s32 $0x280, s11;
	s11 =	smov.u32 s25;
	_ =	swait.ge [sflag:s24], $0x3800  }
.LBB2_2:
0x4c: {  	[sflag:s24] =	ssyncset.done $0x0  }
0x4d: {  	s11 =	sadd.s32 $0x60, s11;
	s5 =	smov.u32 s17;
	s19 =	sadd.s32 $0x1, s17  }
0x4e: {  	s8 =	smul.u32 $0xC00, s1;
	s1 =	sand.u32 $0x3, s5;
	[sflag:s24] =	ssyncadd.s32 $0xFFFFC800  }
0x4f: {  	[spmem:s2] =	stream.indirect.scatter.add.f32 [tilespmem:s20], [sflag:$0x6], $0x80, s22, s15, $0xb8;
	[tilespmem:$0x1F400] =	vst v63  }
0x50: {  	s0 =	sadd.s32 $0xFFFFFFFF, s0;
	s8 =	sshrl.u32 s8, $0x2;
	_ =	swait.ge [sflag:s26], $0x300  }
0x51: {  	p0 =	sne.s32 s17, $0x1D;
	s0 =	sand.u32 $0x3, s0;
	[sflag:s26] =	ssyncset.done $0x0  }
0x52: {  	s17 =	smul.u32 $0xC00, s0;
	s0 =	smov.u32 s5;
	[sflag:s26] =	ssyncadd.s32 $0xFFFFFD00  }
0x53: {  	[tilespmem:s8], [sflag:$0x7] =	stream.linear.gather [hbm4b:s11+s3], $0x300, $0x38;
	[tilespmem:$0x1F400] =	vst v63  }
0x54: {  	s5 =	sshrl.u32 s17, $0x2;
	_ =	swait.ge [sflag:s28], $0x3800  }
0x55: {  	[sflag:s28] =	ssyncset.done $0x0  }
0x56: {  	[sflag:s28] =	ssyncadd.s32 $0xFFFFC800  }
0x57: {  	[tilespmem:s16], [sflag:$0x1] =	stream.indirect.gather [hbm4b:s4+s15], $0x80, s5, s15, $0xb8;
	[tilespmem:$0x1F400] =	vst v63  }
0x58: {  	_ =	swait.ge [sflag:s29], $0x3800  }
0x59: {  	s8 =	sadd.s32 $0x100, s5;
	[sflag:s29] =	ssyncset.done $0x0  }
0x5a: {  	[sflag:s29] =	ssyncadd.s32 $0xFFFFC800  }
0x5b: {  	[tilespmem:s18], [sflag:$0x2] =	stream.indirect.gather [hbm4b:s4+s15], $0x80, s8, s15, $0xb8;
	[tilespmem:$0x1F400] =	vst v63  }
0x5c: {  	_ =	swait.ge [sflag:s30], $0x3800  }
0x5d: {  	s8 =	sadd.s32 $0x200, s5;
	[sflag:s30] =	ssyncset.done $0x0  }
0x5e: {  	[sflag:s30] =	ssyncadd.s32 $0xFFFFC800  }
0x5f: {  	[tilespmem:s20], [sflag:$0x3] =	stream.indirect.gather [hbm4b:s4+s15], $0x80, s8, s15, $0xb8;
	[tilespmem:$0x1F400] =	vst v63  }
0x60: {  	s8 =	sor.u32 $0x80, s5;
	_ =	swait.ge [sflag:s21], $0x3800  }
0x61: {  	[sflag:s21] =	ssyncset.done $0x0  }
0x62: {  	[sflag:s21] =	ssyncadd.s32 $0xFFFFC800  }
0x63: {  	[spmem:s2] =	stream.indirect.scatter.add.f32 [tilespmem:s16], [sflag:$0x4], $0x80, s8, s15, $0xb8;
	[tilespmem:$0x1F400] =	vst v63  }
.Ltmp0:
0x64: {  	s8 =	sadd.s32 $0x180, s5;
	_ =	swait.ge [sflag:s31], $0x3800;
	(pc) =	sbr.rel @p0 .LBB2_2-.Ltmp0, $4  }
0x65: {  	[sflag:s31] =	ssyncset.done $0x0  }
0x66: {  	[sflag:s31] =	ssyncadd.s32 $0xFFFFC800  }
0x67: {  	[spmem:s2] =	stream.indirect.scatter.add.f32 [tilespmem:s18], [sflag:$0x5], $0x80, s8, s15, $0xb8;
	[tilespmem:$0x1F400] =	vst v63  }
0x68: {  	s17 =	smov.u32 s19;
	s22 =	sadd.s32 $0x280, s5;
	_ =	swait.ge [sflag:s24], $0x3800  }
0x69: {  	[sflag:s24] =	ssyncset.done $0x0  }
0x6a: {  	[sflag:s24] =	ssyncadd.s32 $0xFFFFC800  }
0x6b: {  	[spmem:s2] =	stream.indirect.scatter.add.f32 [tilespmem:s20], [sflag:$0x6], $0x80, s22, s15, $0xb8;
	[tilespmem:$0x1F400] =	vst v63  }
0x6c: {  	s1 =	smul.u32 $0xC00, s1;
	_ =	swait.ge [sflag:s26], $0x300  }
0x6d: {  	s5 =	sadd.s32 $0x60, s11;
	s0 =	sadd.s32 $0xFFFFFFFF, s0;
	[sflag:s26] =	ssyncset.done $0x0  }
0x6e: {  	s0 =	sand.u32 $0x3, s0;
	s1 =	sshrl.u32 s1, $0x2;
	[sflag:s26] =	ssyncadd.s32 $0xFFFFFD00  }
0x6f: {  	[tilespmem:s1], [sflag:$0x7] =	stream.linear.gather [hbm4b:s5+s3], $0x300, $0x38;
	[tilespmem:$0x1F400] =	vst v63  }
0x70: {  	s0 =	smul.u32 $0xC00, s0;
	_ =	swait.ge [sflag:s28], $0x3800  }
0x71: {  	[sflag:s28] =	ssyncset.done $0x0  }
0x72: {  	s0 =	sshrl.u32 s0, $0x2;
	[sflag:s28] =	ssyncadd.s32 $0xFFFFC800  }
0x73: {  	[tilespmem:s16], [sflag:$0x1] =	stream.indirect.gather [hbm4b:s4+s15], $0x80, s0, s15, $0xb8;
	[tilespmem:$0x1F400] =	vst v63  }
0x74: {  	_ =	swait.ge [sflag:s29], $0x3800  }
0x75: {  	[sflag:s29] =	ssyncset.done $0x0  }
0x76: {  	s17 =	sadd.s32 $0x100, s0;
	[sflag:s29] =	ssyncadd.s32 $0xFFFFC800  }
0x77: {  	[tilespmem:s18], [sflag:$0x2] =	stream.indirect.gather [hbm4b:s4+s15], $0x80, s17, s15, $0xb8;
	[tilespmem:$0x1F400] =	vst v63  }
0x78: {  	_ =	swait.ge [sflag:s30], $0x3800  }
0x79: {  	[sflag:s30] =	ssyncset.done $0x0  }
0x7a: {  	s19 =	sadd.s32 $0x200, s0;
	[sflag:s30] =	ssyncadd.s32 $0xFFFFC800  }
0x7b: {  	[tilespmem:s20], [sflag:$0x3] =	stream.indirect.gather [hbm4b:s4+s15], $0x80, s19, s15, $0xb8;
	[tilespmem:$0x1F400] =	vst v63  }
0x7c: {  	_ =	swait.ge [sflag:s21], $0x3800  }
0x7d: {  	[sflag:s21] =	ssyncset.done $0x0  }
0x7e: {  	s22 =	sor.u32 $0x80, s0;
	[sflag:s21] =	ssyncadd.s32 $0xFFFFC800  }
0x7f: {  	[spmem:s2] =	stream.indirect.scatter.add.f32 [tilespmem:s16], [sflag:$0x4], $0x80, s22, s15, $0xb8;
	[tilespmem:$0x1F400] =	vst v63  }
0x80: {  	_ =	swait.ge [sflag:s31], $0x3800  }
0x81: {  	[sflag:s31] =	ssyncset.done $0x0  }
0x82: {  	s5 =	sadd.s32 $0x180, s0;
	[sflag:s31] =	ssyncadd.s32 $0xFFFFC800  }
0x83: {  	[spmem:s2] =	stream.indirect.scatter.add.f32 [tilespmem:s18], [sflag:$0x5], $0x80, s5, s15, $0xb8;
	[tilespmem:$0x1F400] =	vst v63  }
0x84: {  	_ =	swait.ge [sflag:s24], $0x3800  }
0x85: {  	[sflag:s24] =	ssyncset.done $0x0  }
0x86: {  	s0 =	sadd.s32 $0x280, s0;
	[sflag:s24] =	ssyncadd.s32 $0xFFFFC800  }
0x87: {  	[spmem:s2] =	stream.indirect.scatter.add.f32 [tilespmem:s20], [sflag:$0x6], $0x80, s0, s15, $0xb8;
	[tilespmem:$0x1F400] =	vst v63  }
0x88: {  	_ =	swait.ge [sflag:s26], $0x300  }
0x89: {  	[sflag:s26] =	ssyncset.done $0x0  }
0x8a: {  	[sflag:s26] =	ssyncadd.s32 $0xFFFFFD00  }
0x8b: {  	_ =	swait.ge [sflag:s28], $0x3800  }
0x8c: {  	[sflag:s28] =	ssyncset.done $0x0  }
0x8d: {  	[sflag:s28] =	ssyncadd.s32 $0xFFFFC800  }
0x8e: {  	[tilespmem:s16], [sflag:$0x1] =	stream.indirect.gather [hbm4b:s4+s15], $0x80, s14, s15, $0xb8;
	[tilespmem:$0x1F400] =	vst v63  }
0x8f: {  	_ =	swait.ge [sflag:s29], $0x3800  }
0x90: {  	[sflag:s29] =	ssyncset.done $0x0  }
0x91: {  	s8 =	simm.s32 $0x400;
	[sflag:s29] =	ssyncadd.s32 $0xFFFFC800  }
0x92: {  	[tilespmem:s18], [sflag:$0x2] =	stream.indirect.gather [hbm4b:s4+s15], $0x80, s8, s15, $0xb8;
	[tilespmem:$0x1F400] =	vst v63  }
0x93: {  	_ =	swait.ge [sflag:s30], $0x3800  }
0x94: {  	[sflag:s30] =	ssyncset.done $0x0  }
0x95: {  	s11 =	simm.s32 $0x500;
	[sflag:s30] =	ssyncadd.s32 $0xFFFFC800  }
0x96: {  	[tilespmem:s20], [sflag:$0x3] =	stream.indirect.gather [hbm4b:s4+s15], $0x80, s11, s15, $0xb8;
	[tilespmem:$0x1F400] =	vst v63  }
0x97: {  	_ =	swait.ge [sflag:s21], $0x3800  }
0x98: {  	[sflag:s21] =	ssyncset.done $0x0  }
0x99: {  	s17 =	simm.s32 $0x380;
	[sflag:s21] =	ssyncadd.s32 $0xFFFFC800  }
0x9a: {  	[spmem:s2] =	stream.indirect.scatter.add.f32 [tilespmem:s16], [sflag:$0x4], $0x80, s17, s15, $0xb8;
	[tilespmem:$0x1F400] =	vst v63  }
0x9b: {  	_ =	swait.ge [sflag:s31], $0x3800  }
0x9c: {  	[sflag:s31] =	ssyncset.done $0x0  }
0x9d: {  	s19 =	simm.s32 $0x480;
	[sflag:s31] =	ssyncadd.s32 $0xFFFFC800  }
0x9e: {  	[spmem:s2] =	stream.indirect.scatter.add.f32 [tilespmem:s18], [sflag:$0x5], $0x80, s19, s15, $0xb8;
	[tilespmem:$0x1F400] =	vst v63  }
0x9f: {  	_ =	swait.ge [sflag:s24], $0x3800  }
0xa0: {  	[sflag:s24] =	ssyncset.done $0x0  }
0xa1: {  	s22 =	simm.s32 $0x580;
	[sflag:s24] =	ssyncadd.s32 $0xFFFFC800  }
0xa2: {  	[spmem:s2] =	stream.indirect.scatter.add.f32 [tilespmem:s20], [sflag:$0x6], $0x80, s22, s15, $0xb8;
	[tilespmem:$0x1F400] =	vst v63  }
0xa3: {  	_ =	swait.ge [sflag:s28], $0x3800  }
0xa4: {  	[sflag:s28] =	ssyncset.done $0x0  }
0xa5: {  	[sflag:s28] =	ssyncadd.s32 $0xFFFFC800  }
0xa6: {  	_ =	swait.ge [sflag:s29], $0x3800  }
0xa7: {  	[sflag:s29] =	ssyncset.done $0x0  }
0xa8: {  	[sflag:s29] =	ssyncadd.s32 $0xFFFFC800  }
0xa9: {  	_ =	swait.ge [sflag:s30], $0x3800  }
0xaa: {  	s23 =	sadd.s32 $0x1, s23;
	[sflag:s30] =	ssyncset.done $0x0  }
0xab: {  	p0 =	sne.s32 s23, s10;
	[sflag:s30] =	ssyncadd.s32 $0xFFFFC800  }
.Ltmp1:
0xac: {  	[bflag:$0x0] =	sbarrier.arrive $0xFFFF;
	(pc) =	sbr.rel @p0 .LBB2_1-.Ltmp1, $4  }
0xad: {  	[hbm:s9], [sflag:s6] =	dma.local [spmem:s12], $0x2800  }
0xae: {  	_ =	swait.ge [sflag:s13], $0x2800  }
0xaf: {  	[sflag:s13] =	ssyncset.done $0x0  }
0xb0: {  	[sflag:s13] =	ssyncadd.s32 $0xFFFFD800  }
0xb1: {  	_ =	sfence.sel $0x180000  }
0xb2: {  	[bflag:$0x0] =	sbarrier.arrive $0xFFFF  }
0xb3: {  	_ =	strace $0x9000004D  }
0xb4: {  	s0 =	stileid.u32;
	[bflag:$0x2] =	sbarrier.arrive $0xFFFF  }
0xb5: {  	p0 =	sne.s32 s0, $0x0;
	s0 =	rddreg [dreg:$0x2]  }
0xb6: {  	s0 =	sadd.s32 @!p0 $0x100000, s0  }
0xb7: {  	[sflag:s0] =	ssyncadd.tile.s32 @!p0 $0x1;
	_ =	shalt  }
.Lfunc_end2:
_tile_overlayer_lowered:
.L_overlay_start_2:
0xb8: {  	(tag) =	ssettag $0x2  }
0xb9: {  	s0 =	rddreg [dreg:$0x0];
	s2 =	stileid.u32  }
0xba: {  	s1 =	rddreg [dreg:$0x1];
	p0 =	sne.s32 s2, $0x0  }
0xbb: {  	s3 =	rddreg [dreg:$0x2];
	[bflag:$0x3] =	sbarrier.arrive $0xFFFF;
	s2 =	simm.s32 @!p0 $0x1C08  }
0xbc: {  	[timem:s3], [sflag:s2] =	dma.local @!p0 [hbm:s0], s1  }
0xbd: {  	s0 =	simm.s32 @!p0 $0x8  }
0xbe: {  	_ =	swait.ge @!p0 [sflag:s0], s1  }
0xbf: {  	s1 =	ssub.s32 @!p0 $0x0, s1;
	[sflag:s0] =	ssyncset.done @!p0 $0x0  }
0xc0: {  	[sflag:s0] =	ssyncadd.s32 @!p0 s1  }
0xc1: {  	[bflag:$0x3] =	sbarrier.arrive $0xFFFF  }
0xc2: {  	_ =	shalt  }

// kernel: kernel.19.cloned.1.call-start
scs
__scs_entry_jumppad:
0x0: {  	(pc) =	sbr.rel $0x88, $3  }
0x1: {  	(tag) =	ssettag $0x0;
	lr =	simm.s32 $0x1  }
0x2: {  	[smem:$0x3F96] =	sst lr;
	_ =	strace $0xD0000000  }
0x3: {  	_ = 	snop  }
0x4: {  	_ = 	snop  }
0x5: {  	_ = 	snop  }
0x6: {  	_ = 	snop  }
0x7: {  	_ = 	snop  }
__scs_overlays_trampoline_lowered:
0x8: {  	[smem:$0x3FA5] =	sst s0  }
0x9: {  	[smem:$0x3FA6] =	sst s1  }
0xa: {  	[smem:$0x3FA7] =	sst s2  }
0xb: {  	[smem:$0x3FA8] =	sst s3  }
0xc: {  	[smem:$0x3FA9] =	sst s4  }
0xd: {  	[smem:$0x3FAA] =	sst s5  }
0xe: {  	[smem:$0x3FAB] =	sst s6  }
0xf: {  	[smem:$0x3FAC] =	sst s7  }
0x10: {  	[smem:$0x3FAD] =	sst s8  }
0x11: {  	[smem:$0x3FAE] =	sst s9;
	s0 =	simm.s32 @!p0 $0x0  }
0x12: {  	s1 =	sld [smem:$0x3F94];
	s0 =	simm.s32 @p0 $0x1  }
0x13: {  	[smem:$0x3FAF] =	sst s0;
	s0 =	simm.s32 @!p1 $0x0  }
0x14: {  	s2 =	sld [smem:$0x3F93];
	s0 =	simm.s32 @p1 $0x1  }
0x15: {  	[smem:$0x3FB0] =	sst s0;
	s0 =	simm.s32 @!p2 $0x0  }
0x16: {  	s3 =	sld [smem:$0x3FDB];
	s0 =	simm.s32 @p2 $0x1  }
0x17: {  	s4 =	simm.s32 $0x1BF5;
	[smem:$0x3FB2] =	sst s0  }
0x18: {  	s0 =	sld [smem:$0x3F95];
	_ =	swait.ge [sflag:s4], $0x0  }
0x19: {  	s7 =	sld [smem:$0x3F96]  }
0x1a: {  	s8 =	sadd.s32 $0xFFFFE003, lr  }
0x1b: {  	s9 =	sadd.s32 $0xFFFFFEF7, lr;
	s5 =	simm.s32 $0xFFFFFFFF;
	p2 =	slt.u32 s8, $0xFFFFF086  }
0x1c: {  	p1 =	slt.u32 s9, $0xF7A;
	s5 =	simm.s32 @!p2 $0x0  }
0x1d: {  	s5 =	simm.s32 @p1 $0x1;
	p0 =	seq.s32 s7, s2  }
0x1e: {  	s7 =	smul.u32 @!p0 $0xF7A, s2;
	p2 =	seq.s32 @!p0 s5, $0x0  }
0x1f: {  	s9 =	smul.u32 $0xF7A, s1;
	s8 =	simm.s32 @!p0 $0x1BF5;
	p2 =	por !p2, p0  }
0x20: {  	[sflag:s8] =	ssyncset.s32 @!p0 $0xFFFFF086;
	s6 =	sadd.s32 @!p0 s3, s7;
	s7 =	simm.s32 @!p0 $0x108  }
0x21: {  	s3 =	sadd.s32 s3, s9;
	s6 =	sadd.s32 @!p0 $0x88, s6;
	s7 =	simm.s32 @p2 $0x1082  }
0x22: {  	[simem:s7], [sflag:s8] =	dma.local @!p0 [hbm:s6], $0xF7A  }
0x23: {  	s9 =	sor.u32 $0xD0000000, s2;
	s6 =	simm.s32 $0x108;
	_ =	swait.ge @!p0 [sflag:s8], $0x0  }
0x24: {  	s3 =	sadd.s32 $0x88, s3;
	s6 =	simm.s32 @!p1 $0x1082;
	[sflag:s4] =	ssyncset.s32 $0xFFFFF086  }
0x25: {  	[simem:s6], [sflag:s4] =	dma.local [hbm:s3], $0xF7A  }
0x26: {  	[smem:$0x3F96] =	sst s1;
	(tag) =	ssettag s2;
	_ =	strace s9  }
0x27: {  	s1 =	sld [smem:$0x3FA6]  }
0x28: {  	s2 =	sld [smem:$0x3FA7]  }
0x29: {  	s4 =	sld [smem:$0x3FA9]  }
0x2a: {  	p0 =	seq.s32 s5, $0x0;
	s5 =	sld [smem:$0x3FAA]  }
0x2b: {  	s6 =	sld [smem:$0x3FAB]  }
0x2c: {  	s7 =	sld [smem:$0x3FAC]  }
0x2d: {  	s3 =	simm.s32 $0x108;
	s8 =	sld [smem:$0x3FAD]  }
0x2e: {  	s3 =	simm.s32 @!p0 $0x1082;
	s9 =	sld [smem:$0x3FAE]  }
0x2f: {  	lr =	sadd.s32 s0, s3;
	s0 =	sld [smem:$0x3FA5]  }
0x30: {  	s3 =	sld [smem:$0x3FA8]  }
0x31: {  	[smem:$0x3FB1] =	sst s10  }
0x32: {  	s10 =	sld [smem:$0x3FAF];
	_ =	sdelay $0x3  }
0x33: {  	p0 =	seq.s32 s10, $0x1;
	s10 =	sld [smem:$0x3FB1];
	_ =	sdelay $0x3  }
0x34: {  	[smem:$0x3FB1] =	sst s10  }
0x35: {  	s10 =	sld [smem:$0x3FB0];
	_ =	sdelay $0x3  }
0x36: {  	p1 =	seq.s32 s10, $0x1;
	s10 =	sld [smem:$0x3FB1];
	_ =	sdelay $0x3  }
0x37: {  	[smem:$0x3FB1] =	sst s10  }
0x38: {  	s10 =	sld [smem:$0x3FB2]  }
0x39: {  	_ = 	snop;
	(pc) =	sbr.ind lr, $3  }
0x3a: {  	_ = 	snop  }
0x3b: {  	_ = 	snop  }
0x3c: {  	p2 =	seq.s32 s10, $0x1;
	s10 =	sld [smem:$0x3FB1]  }
0x3d: {  	_ =	shalt  }
0x3e: {  	_ =	shalt  }
0x3f: {  	_ =	shalt  }
0x40: {  	_ =	shalt  }
0x41: {  	_ =	shalt  }
0x42: {  	_ =	shalt  }
0x43: {  	_ =	shalt  }
0x44: {  	_ =	shalt  }
0x45: {  	_ =	shalt  }
0x46: {  	_ =	shalt  }
0x47: {  	_ =	shalt  }
0x48: {  	_ =	shalt  }
0x49: {  	_ =	shalt  }
0x4a: {  	_ =	shalt  }
0x4b: {  	_ =	shalt  }
0x4c: {  	_ =	shalt  }
0x4d: {  	_ =	shalt  }
0x4e: {  	_ =	shalt  }
0x4f: {  	_ =	shalt  }
0x50: {  	_ =	shalt  }
0x51: {  	_ =	shalt  }
0x52: {  	_ =	shalt  }
0x53: {  	_ =	shalt  }
0x54: {  	_ =	shalt  }
0x55: {  	_ =	shalt  }
0x56: {  	_ =	shalt  }
0x57: {  	_ =	shalt  }
0x58: {  	_ =	shalt  }
0x59: {  	_ =	shalt  }
0x5a: {  	_ =	shalt  }
0x5b: {  	_ =	shalt  }
0x5c: {  	_ =	shalt  }
0x5d: {  	_ =	shalt  }
0x5e: {  	_ =	shalt  }
0x5f: {  	_ =	shalt  }
0x60: {  	_ =	shalt  }
0x61: {  	_ =	shalt  }
0x62: {  	_ =	shalt  }
0x63: {  	_ =	shalt  }
0x64: {  	_ =	shalt  }
0x65: {  	_ =	shalt  }
0x66: {  	_ =	shalt  }
0x67: {  	_ =	shalt  }
0x68: {  	_ =	shalt  }
0x69: {  	_ =	shalt  }
0x6a: {  	_ =	shalt  }
0x6b: {  	_ =	shalt  }
0x6c: {  	_ =	shalt  }
0x6d: {  	_ =	shalt  }
0x6e: {  	_ =	shalt  }
0x6f: {  	_ =	shalt  }
0x70: {  	_ =	shalt  }
0x71: {  	_ =	shalt  }
0x72: {  	_ =	shalt  }
0x73: {  	_ =	shalt  }
0x74: {  	_ =	shalt  }
0x75: {  	_ =	shalt  }
0x76: {  	_ =	shalt  }
0x77: {  	_ =	shalt  }
0x78: {  	_ =	shalt  }
0x79: {  	_ =	shalt  }
0x7a: {  	_ =	shalt  }
0x7b: {  	_ =	shalt  }
0x7c: {  	_ =	shalt  }
0x7d: {  	_ =	shalt  }
0x7e: {  	_ =	shalt  }
0x7f: {  	_ =	shalt  }
0x80: {  	_ =	shalt  }
0x81: {  	_ =	shalt  }
0x82: {  	_ =	shalt  }
0x83: {  	_ =	shalt  }
0x84: {  	_ =	shalt  }
0x85: {  	_ =	shalt  }
0x86: {  	_ =	shalt  }
0x87: {  	_ =	shalt  }
.Lfunc_end0:
.L_simem_size_0:
called_computation.3_lowered:
.L_overlay_start_0:
0x88: {  	s2 =	sld [smem:$0x3FD9]  }
0x89: {  	s3 =	sld [smem:$0x3FFE];
	_ =	sdelay $0x1  }
0x8a: {  	s1 =	srdreg.scid  }
0x8b: {  	s0 =	sand.u32 $0x1, s1  }
0x8c: {  	s16 =	sshll.u32 s0, $0xA;
	s2 =	sadd.s32 s3, s2  }
0x8d: {  	s2 =	sadd.s32 s2, s16  }
0x8e: {  	[smem:$0x3FBD] =	sst s2  }
0x8f: {  	_ = 	snop  }
0x90: {  	(tm) =	ssettm $0x1  }
0x91: {  	s17 =	sld [smem:$0x3FFB];
	_ =	sdelay $0x3  }
0x92: {  	_ =	strace s17  }
0x93: {  	s2 =	sld [smem:$0x3FFC];
	_ =	sdelay $0x3  }
0x94: {  	_ =	strace s2  }
0x95: {  	s2 =	sld [smem:$0x3FFD];
	_ =	sdelay $0x3  }
0x96: {  	_ =	strace s2  }
0x97: {  	_ =	strace $0x8FFFFFFF  }
0x98: {  	s18 =	sld [smem:$0x3FDB];
	_ =	sdelay $0x1  }
0x99: {  	s19 =	simm.s32 $_scs_section_size  }
0x9a: {  	s4 =	simm.s32 $_size__tile_overlayer_lowered;
	s5 =	simm.s32 $_tile_overlayer_lowered  }
0x9b: {  	s22 =	simm.s32 $0x1BFF;
	s21 =	sshll.u32 s5, $0x1;
	s2 =	sadd.s32 s19, s18  }
0x9c: {  	s6 =	simm.s32 $0x0;
	s20 =	sshll.u32 s4, $0x1;
	s4 =	sadd.s32 s21, s2  }
0x9d: {  	[timem:s6], [sflag:s22] =	dma.local [hbm:s4], s20  }
0x9e: {  	_ =	swait.ge [sflag:s22], s20  }
0x9f: {  	s3 =	ssub.s32 $0x0, s20;
	[sflag:s22] =	ssyncset.done $0x0  }
0xa0: {  	[sflag:s22] =	ssyncadd.s32 s3;
	_ =	sdelay $0x1  }
0xa1: {  	s23 =	simm.s32 $0x1B8B  }
0xa2: {  	_ =	swait.ge [sflag:s23], $0x1  }
0xa3: {  	[sflag:s23] =	ssyncset.done $0x0  }
0xa4: {  	s25 =	simm.s32 $0x1B8E;
	s24 =	sld [smem:$0x3FFE];
	[sflag:s23] =	ssyncadd.s32 $0xFFFFFFFF  }
0xa5: {  	s26 =	simm.s32 $execute0_lowered;
	[smem:$0x3FD2] =	sst s25  }
0xa6: {  	s4 =	sshll.u32 s26, $0x1;
	_ =	strace $0x8000004F;
	[dreg:$0x1] =	wrdreg $0xFFFFFFFF  }
0xa7: {  	s28 =	simm.s32 $_size_execute0_lowered;
	s2 =	sadd.s32 s2, s4;
	[dreg:$0x0] =	wrdreg $0x0  }
0xa8: {  	s4 =	sshll.u32 s28, $0x1;
	[dreg:$0x2] =	wrdreg s2  }
0xa9: {  	[dreg:$0x3] =	wrdreg s4  }
0xaa: {  	[dreg:$0x4] =	wrdreg $0xC0  }
0xab: {  	_ =	task [dreg:s6], $0x5FFFF  }
0xac: {  	[dreg:$0x1] =	wrdreg $0xFFFFFFFF  }
0xad: {  	[dreg:$0x0] =	wrdreg $0x60  }
0xae: {  	[dreg:$0x2] =	wrdreg s24  }
0xaf: {  	[dreg:$0x3] =	wrdreg $0xB4000  }
0xb0: {  	[dreg:$0x4] =	wrdreg $0x9  }
0xb1: {  	_ =	task.clear_ibuf [dreg:s6], $0x5FFFF;
	_ =	strace $0x9000004F  }
0xb2: {  	s29 =	simm.s32 $0x9;
	_ =	strace $0x80000051  }
0xb3: {  	_ =	swait.ge [sflag:s29], $0x1  }
0xb4: {  	[sflag:s29] =	ssyncadd.s32 $0xFFFFFFFF  }
0xb5: {  	_ =	strace $0x90000051  }
0xb6: {  	_ =	sfence  }
0xb7: {  	s30 =	sld [smem:$0x0];
	_ =	sdelay $0x2  }
0xb8: {  	s31 =	sshll.u32 s1, $0xD;
	s1 =	sshrl.u32 s1, $0x2  }
0xb9: {  	s3 =	sand.u32 $0x4000, s31;
	s1 =	sadd.s32 s1, s30  }
0xba: {  	s0 =	sor.u32 s3, s0;
	s1 =	sshll.u32 s1, $0x11  }
0xbb: {  	s0 =	sor.u32 s1, s0  }
0xbc: {  	s0 =	sadd.s32 $0x8F2B, s0  }
0xbd: {  	[sflag:s0] =	ssyncadd.remote.s32 $0x1  }
0xbe: {  	_ =	sfence.sel $0xFFFF  }
0xbf: {  	[dreg:$0x0] =	wrdreg $0xFFFFFFFF;
	(pc) =	sbr.abs _section_cstart, $3  }
0xc0: {  	[dreg:$0x1] =	wrdreg $0xFFFFFFFF  }
0xc1: {  	_ =	task.clear_ibuf [dreg:s6], $0x2FFFF;
	_ =	strace $0x9FFFFFFF  }
0xc2: {  	(tm) =	ssettm $0x7FFFFFFF  }
0xc3: {  	_ =	shalt  }
tec
execute0_lowered:
.L_overlay_start_1:
0x0: {  	(tag) =	ssettag $0x1  }
0x1: {  	s0 =	rddreg [dreg:$0x0]  }
0x2: {  	s2 =	rddreg [dreg:$0x1];
	s3 =	simm.s32 $0x0  }
0x3: {  	s14 =	stileid.u32;
	s1 =	srdreg.scid;
	s15 =	simm.s32 $0x70  }
0x4: {  	s16 =	simm.s32 $0xC00;
	s18 =	simm.s32 $0x4400;
	s28 =	simm.s32 $0x4  }
0x5: {  	s29 =	simm.s32 $0x5;
	s30 =	simm.s32 $0x6;
	s31 =	simm.s32 $0x2  }
0x6: {  	[smem:$0x7FF] =	sst s3;
	s5 =	smul.u32 $0x14000, s14;
	s1 =	sand.u32 $0x1, s1  }
0x7: {  	s4 =	sadd.s32 $0x19E00, s0;
	s11 =	sadd.s32 $0x3600, s0;
	s20 =	smul.u32 $0x50000, s14  }
0x8: {  	s10 =	smul.u32 $0x5A00, s14;
	s23 =	sshll.u32 s14, $0x6;
	_ =	strace $0x80000050  }
0x9: {  	s6 =	smul.u32 $0x140000, s1;
	s8 =	sshll.u32 s1, $0x4;
	s21 =	ssub.s32 $0x2, s1  }
0xa: {  	s1 =	smul.u32 $0x5A000, s1;
	s7 =	sshrl.u32 s5, $0x3;
	s8 =	sor.u32 s14, s8  }
0xb: {  	s9 =	sshrl.u32 s21, $0x1;
	s14 =	simm.s32 $0x300;
	s5 =	sadd.s32 s5, s6  }
0xc: {  	s7 =	sadd.s32 s7, s0;
	s8 =	smul.u32 $0x5A00, s8;
	s6 =	sshrl.u32 s20, $0x2  }
0xd: {  	s12 =	ssub.s32 s21, s9;
	s1 =	sadd.s32 s10, s1;
	s20 =	simm.s32 $0x7C00  }
0xe: {  	s21 =	simm.s32 $0x1;
	s5 =	sshrl.u32 s5, $0x3;
	s13 =	sadd.s32 s6, s2  }
0xf: {  	s22 =	sadd.s32 $0x41E00, s7;
	s6 =	sor.u32 $0x1C08, s23;
	s1 =	sadd.s32 $0x600, s1  }
0x10: {  	s10 =	smax.u32 s12, $0x1;
	s23 =	simm.s32 $0x0;
	s0 =	sadd.s32 s5, s0  }
0x11: {  	[dreg:$0x3] =	wrdreg s22;
	s24 =	sshrl.u32 s8, $0x3;
	s26 =	sshrl.u32 s1, $0x3  }
0x12: {  	s12 =	sshrl.u32 s13, $0x3;
	s13 =	simm.s32 $0x8;
	s7 =	sadd.s32 s11, s24  }
0x13: {  	s9 =	sadd.s32 $0x69E00, s0;
	s24 =	simm.s32 $0x3;
	s25 =	sadd.s32 $0x60, s7  }
0x14: {  	[dreg:$0x4] =	wrdreg s25;
	s25 =	sadd.s32 s26, s11;
	s26 =	simm.s32 $0x7  }
.LBB2_1:
0x15: {  	s0 =	rddreg [dreg:$0x3]  }
0x16: {  	[spmem:s12], [sflag:s6] =	dma.local [hbm:s0], $0x2800  }
0x17: {  	_ =	swait.ge [sflag:s13], $0x2800  }
0x18: {  	[sflag:s13] =	ssyncset.done $0x0  }
0x19: {  	[sflag:s13] =	ssyncadd.s32 $0xFFFFD800  }
0x1a: {  	[tilespmem:s3], [sflag:$0x8] =	stream.linear.gather [hbm4b:s7+s3], $0x300, $0x38;
	[tilespmem:$0x1F400] =	vst v63  }
0x1b: {  	_ =	swait.ge [sflag:s13], $0x300  }
0x1c: {  	[sflag:s13] =	ssyncset.done $0x0  }
0x1d: {  	[sflag:s13] =	ssyncadd.s32 $0xFFFFFD00  }
0x1e: {  	[bflag:$0x0] =	sbarrier.arrive $0xFFFF  }
0x1f: {  	s11 =	rddreg [dreg:$0x4]  }
0x20: {  	[tilespmem:s14], [sflag:$0x7] =	stream.linear.gather [hbm4b:s11+s3], $0x300, $0x38;
	[tilespmem:$0x1F400] =	vst v63  }
0x21: {  	_ = 	snop  }
0x22: {  	[tilespmem:s16], [sflag:$0x1] =	stream.indirect.gather [hbm4b:s4+s15], $0x80, s3, s15, $0xb8;
	[tilespmem:$0x1F400] =	vst v63  }
0x23: {  	s17 =	simm.s32 $0x100  }
0x24: {  	[tilespmem:s18], [sflag:$0x2] =	stream.indirect.gather [hbm4b:s4+s15], $0x80, s17, s15, $0xb8;
	[tilespmem:$0x1F400] =	vst v63  }
0x25: {  	s19 =	simm.s32 $0x200  }
0x26: {  	[tilespmem:s20], [sflag:$0x3] =	stream.indirect.gather [hbm4b:s4+s15], $0x80, s19, s15, $0xb8;
	[tilespmem:$0x1F400] =	vst v63  }
0x27: {  	_ =	swait.ge [sflag:s21], $0x3800  }
0x28: {  	[sflag:s21] =	ssyncset.done $0x0  }
0x29: {  	s22 =	simm.s32 $0x80;
	[sflag:s21] =	ssyncadd.s32 $0xFFFFC800  }
0x2a: {  	[spmem:s2] =	stream.indirect.scatter.add.f32 [tilespmem:s16], [sflag:$0x4], $0x80, s22, s15, $0xb8;
	[tilespmem:$0x1F400] =	vst v63  }
0x2b: {  	_ =	swait.ge [sflag:s31], $0x3800  }
0x2c: {  	[sflag:s31] =	ssyncset.done $0x0  }
0x2d: {  	s1 =	simm.s32 $0x180;
	[sflag:s31] =	ssyncadd.s32 $0xFFFFC800  }
0x2e: {  	[spmem:s2] =	stream.indirect.scatter.add.f32 [tilespmem:s18], [sflag:$0x5], $0x80, s1, s15, $0xb8;
	[tilespmem:$0x1F400] =	vst v63  }
0x2f: {  	_ =	swait.ge [sflag:s24], $0x3800  }
0x30: {  	[sflag:s24] =	ssyncset.done $0x0  }
0x31: {  	s5 =	simm.s32 $0x280;
	s8 =	sand.u32 $0x3, s31;
	[sflag:s24] =	ssyncadd.s32 $0xFFFFC800  }
0x32: {  	[spmem:s2] =	stream.indirect.scatter.add.f32 [tilespmem:s20], [sflag:$0x6], $0x80, s5, s15, $0xb8;
	[tilespmem:$0x1F400] =	vst v63  }
0x33: {  	s0 =	smul.u32 $0xC00, s8;
	_ =	swait.ge [sflag:s26], $0x300  }
0x34: {  	s1 =	simm.s32 $0x1;
	[sflag:s26] =	ssyncset.done $0x0  }
0x35: {  	s0 =	sshrl.u32 s0, $0x2;
	s1 =	sand.u32 $0x3, s1;
	[sflag:s26] =	ssyncadd.s32 $0xFFFFFD00  }
0x36: {  	[tilespmem:s0], [sflag:$0x7] =	stream.linear.gather [hbm4b:s25+s3], $0x300, $0x38;
	[tilespmem:$0x1F400] =	vst v63  }
0x37: {  	s11 =	smul.u32 $0xC00, s1;
	_ =	swait.ge [sflag:s28], $0x3800  }
0x38: {  	[sflag:s28] =	ssyncset.done $0x0  }
0x39: {  	s11 =	sshrl.u32 s11, $0x2;
	[sflag:s28] =	ssyncadd.s32 $0xFFFFC800  }
0x3a: {  	[tilespmem:s16], [sflag:$0x1] =	stream.indirect.gather [hbm4b:s4+s15], $0x80, s11, s15, $0xb8;
	[tilespmem:$0x1F400] =	vst v63  }
0x3b: {  	_ =	swait.ge [sflag:s29], $0x3800  }
0x3c: {  	[sflag:s29] =	ssyncset.done $0x0  }
0x3d: {  	s0 =	sadd.s32 $0x100, s11;
	[sflag:s29] =	ssyncadd.s32 $0xFFFFC800  }
0x3e: {  	[tilespmem:s18], [sflag:$0x2] =	stream.indirect.gather [hbm4b:s4+s15], $0x80, s0, s15, $0xb8;
	[tilespmem:$0x1F400] =	vst v63  }
0x3f: {  	_ =	swait.ge [sflag:s30], $0x3800  }
0x40: {  	[sflag:s30] =	ssyncset.done $0x0  }
0x41: {  	s17 =	sadd.s32 $0x200, s11;
	[sflag:s30] =	ssyncadd.s32 $0xFFFFC800  }
0x42: {  	[tilespmem:s20], [sflag:$0x3] =	stream.indirect.gather [hbm4b:s4+s15], $0x80, s17, s15, $0xb8;
	[tilespmem:$0x1F400] =	vst v63  }
0x43: {  	_ =	swait.ge [sflag:s21], $0x3800  }
0x44: {  	[sflag:s21] =	ssyncset.done $0x0  }
0x45: {  	s19 =	sor.u32 $0x80, s11;
	[sflag:s21] =	ssyncadd.s32 $0xFFFFC800  }
0x46: {  	[spmem:s2] =	stream.indirect.scatter.add.f32 [tilespmem:s16], [sflag:$0x4], $0x80, s19, s15, $0xb8;
	[tilespmem:$0x1F400] =	vst v63  }
0x47: {  	_ =	swait.ge [sflag:s31], $0x3800  }
0x48: {  	s22 =	sadd.s32 $0x180, s11;
	s0 =	simm.s32 $0x3;
	[sflag:s31] =	ssyncset.done $0x0  }
0x49: {  	s1 =	sand.u32 $0x3, s0;
	s17 =	simm.s32 $0x4;
	[sflag:s31] =	ssyncadd.s32 $0xFFFFC800  }
0x4a: {  	[spmem:s2] =	stream.indirect.scatter.add.f32 [tilespmem:s18], [sflag:$0x5], $0x80, s22, s15, $0xb8;
	[tilespmem:$0x1F400] =	vst v63  }
0x4b: {  	s22 =	sadd.s32 $0x280, s11;
	s11 =	smov.u32 s25;
	_ =	swait.ge [sflag:s24], $0x3800  }
.LBB2_2:
0x4c: {  	[sflag:s24] =	ssyncset.done $0x0  }
0x4d: {  	s11 =	sadd.s32 $0x60, s11;
	s5 =	smov.u32 s17;
	s19 =	sadd.s32 $0x1, s17  }
0x4e: {  	s8 =	smul.u32 $0xC00, s1;
	s1 =	sand.u32 $0x3, s5;
	[sflag:s24] =	ssyncadd.s32 $0xFFFFC800  }
0x4f: {  	[spmem:s2] =	stream.indirect.scatter.add.f32 [tilespmem:s20], [sflag:$0x6], $0x80, s22, s15, $0xb8;
	[tilespmem:$0x1F400] =	vst v63  }
0x50: {  	s0 =	sadd.s32 $0xFFFFFFFF, s0;
	s8 =	sshrl.u32 s8, $0x2;
	_ =	swait.ge [sflag:s26], $0x300  }
0x51: {  	p0 =	sne.s32 s17, $0x1D;
	s0 =	sand.u32 $0x3, s0;
	[sflag:s26] =	ssyncset.done $0x0  }
0x52: {  	s17 =	smul.u32 $0xC00, s0;
	s0 =	smov.u32 s5;
	[sflag:s26] =	ssyncadd.s32 $0xFFFFFD00  }
0x53: {  	[tilespmem:s8], [sflag:$0x7] =	stream.linear.gather [hbm4b:s11+s3], $0x300, $0x38;
	[tilespmem:$0x1F400] =	vst v63  }
0x54: {  	s5 =	sshrl.u32 s17, $0x2;
	_ =	swait.ge [sflag:s28], $0x3800  }
0x55: {  	[sflag:s28] =	ssyncset.done $0x0  }
0x56: {  	[sflag:s28] =	ssyncadd.s32 $0xFFFFC800  }
0x57: {  	[tilespmem:s16], [sflag:$0x1] =	stream.indirect.gather [hbm4b:s4+s15], $0x80, s5, s15, $0xb8;
	[tilespmem:$0x1F400] =	vst v63  }
0x58: {  	_ =	swait.ge [sflag:s29], $0x3800  }
0x59: {  	s8 =	sadd.s32 $0x100, s5;
	[sflag:s29] =	ssyncset.done $0x0  }
0x5a: {  	[sflag:s29] =	ssyncadd.s32 $0xFFFFC800  }
0x5b: {  	[tilespmem:s18], [sflag:$0x2] =	stream.indirect.gather [hbm4b:s4+s15], $0x80, s8, s15, $0xb8;
	[tilespmem:$0x1F400] =	vst v63  }
0x5c: {  	_ =	swait.ge [sflag:s30], $0x3800  }
0x5d: {  	s8 =	sadd.s32 $0x200, s5;
	[sflag:s30] =	ssyncset.done $0x0  }
0x5e: {  	[sflag:s30] =	ssyncadd.s32 $0xFFFFC800  }
0x5f: {  	[tilespmem:s20], [sflag:$0x3] =	stream.indirect.gather [hbm4b:s4+s15], $0x80, s8, s15, $0xb8;
	[tilespmem:$0x1F400] =	vst v63  }
0x60: {  	s8 =	sor.u32 $0x80, s5;
	_ =	swait.ge [sflag:s21], $0x3800  }
0x61: {  	[sflag:s21] =	ssyncset.done $0x0  }
0x62: {  	[sflag:s21] =	ssyncadd.s32 $0xFFFFC800  }
0x63: {  	[spmem:s2] =	stream.indirect.scatter.add.f32 [tilespmem:s16], [sflag:$0x4], $0x80, s8, s15, $0xb8;
	[tilespmem:$0x1F400] =	vst v63  }
.Ltmp0:
0x64: {  	s8 =	sadd.s32 $0x180, s5;
	_ =	swait.ge [sflag:s31], $0x3800;
	(pc) =	sbr.rel @p0 .LBB2_2-.Ltmp0, $4  }
0x65: {  	[sflag:s31] =	ssyncset.done $0x0  }
0x66: {  	[sflag:s31] =	ssyncadd.s32 $0xFFFFC800  }
0x67: {  	[spmem:s2] =	stream.indirect.scatter.add.f32 [tilespmem:s18], [sflag:$0x5], $0x80, s8, s15, $0xb8;
	[tilespmem:$0x1F400] =	vst v63  }
0x68: {  	s17 =	smov.u32 s19;
	s22 =	sadd.s32 $0x280, s5;
	_ =	swait.ge [sflag:s24], $0x3800  }
0x69: {  	[sflag:s24] =	ssyncset.done $0x0  }
0x6a: {  	[sflag:s24] =	ssyncadd.s32 $0xFFFFC800  }
0x6b: {  	[spmem:s2] =	stream.indirect.scatter.add.f32 [tilespmem:s20], [sflag:$0x6], $0x80, s22, s15, $0xb8;
	[tilespmem:$0x1F400] =	vst v63  }
0x6c: {  	s1 =	smul.u32 $0xC00, s1;
	_ =	swait.ge [sflag:s26], $0x300  }
0x6d: {  	s5 =	sadd.s32 $0x60, s11;
	s0 =	sadd.s32 $0xFFFFFFFF, s0;
	[sflag:s26] =	ssyncset.done $0x0  }
0x6e: {  	s0 =	sand.u32 $0x3, s0;
	s1 =	sshrl.u32 s1, $0x2;
	[sflag:s26] =	ssyncadd.s32 $0xFFFFFD00  }
0x6f: {  	[tilespmem:s1], [sflag:$0x7] =	stream.linear.gather [hbm4b:s5+s3], $0x300, $0x38;
	[tilespmem:$0x1F400] =	vst v63  }
0x70: {  	s0 =	smul.u32 $0xC00, s0;
	_ =	swait.ge [sflag:s28], $0x3800  }
0x71: {  	[sflag:s28] =	ssyncset.done $0x0  }
0x72: {  	s0 =	sshrl.u32 s0, $0x2;
	[sflag:s28] =	ssyncadd.s32 $0xFFFFC800  }
0x73: {  	[tilespmem:s16], [sflag:$0x1] =	stream.indirect.gather [hbm4b:s4+s15], $0x80, s0, s15, $0xb8;
	[tilespmem:$0x1F400] =	vst v63  }
0x74: {  	_ =	swait.ge [sflag:s29], $0x3800  }
0x75: {  	[sflag:s29] =	ssyncset.done $0x0  }
0x76: {  	s17 =	sadd.s32 $0x100, s0;
	[sflag:s29] =	ssyncadd.s32 $0xFFFFC800  }
0x77: {  	[tilespmem:s18], [sflag:$0x2] =	stream.indirect.gather [hbm4b:s4+s15], $0x80, s17, s15, $0xb8;
	[tilespmem:$0x1F400] =	vst v63  }
0x78: {  	_ =	swait.ge [sflag:s30], $0x3800  }
0x79: {  	[sflag:s30] =	ssyncset.done $0x0  }
0x7a: {  	s19 =	sadd.s32 $0x200, s0;
	[sflag:s30] =	ssyncadd.s32 $0xFFFFC800  }
0x7b: {  	[tilespmem:s20], [sflag:$0x3] =	stream.indirect.gather [hbm4b:s4+s15], $0x80, s19, s15, $0xb8;
	[tilespmem:$0x1F400] =	vst v63  }
0x7c: {  	_ =	swait.ge [sflag:s21], $0x3800  }
0x7d: {  	[sflag:s21] =	ssyncset.done $0x0  }
0x7e: {  	s22 =	sor.u32 $0x80, s0;
	[sflag:s21] =	ssyncadd.s32 $0xFFFFC800  }
0x7f: {  	[spmem:s2] =	stream.indirect.scatter.add.f32 [tilespmem:s16], [sflag:$0x4], $0x80, s22, s15, $0xb8;
	[tilespmem:$0x1F400] =	vst v63  }
0x80: {  	_ =	swait.ge [sflag:s31], $0x3800  }
0x81: {  	[sflag:s31] =	ssyncset.done $0x0  }
0x82: {  	s5 =	sadd.s32 $0x180, s0;
	[sflag:s31] =	ssyncadd.s32 $0xFFFFC800  }
0x83: {  	[spmem:s2] =	stream.indirect.scatter.add.f32 [tilespmem:s18], [sflag:$0x5], $0x80, s5, s15, $0xb8;
	[tilespmem:$0x1F400] =	vst v63  }
0x84: {  	_ =	swait.ge [sflag:s24], $0x3800  }
0x85: {  	[sflag:s24] =	ssyncset.done $0x0  }
0x86: {  	s0 =	sadd.s32 $0x280, s0;
	[sflag:s24] =	ssyncadd.s32 $0xFFFFC800  }
0x87: {  	[spmem:s2] =	stream.indirect.scatter.add.f32 [tilespmem:s20], [sflag:$0x6], $0x80, s0, s15, $0xb8;
	[tilespmem:$0x1F400] =	vst v63  }
0x88: {  	_ =	swait.ge [sflag:s26], $0x300  }
0x89: {  	[sflag:s26] =	ssyncset.done $0x0  }
0x8a: {  	[sflag:s26] =	ssyncadd.s32 $0xFFFFFD00  }
0x8b: {  	_ =	swait.ge [sflag:s28], $0x3800  }
0x8c: {  	[sflag:s28] =	ssyncset.done $0x0  }
0x8d: {  	[sflag:s28] =	ssyncadd.s32 $0xFFFFC800  }
0x8e: {  	[tilespmem:s16], [sflag:$0x1] =	stream.indirect.gather [hbm4b:s4+s15], $0x80, s14, s15, $0xb8;
	[tilespmem:$0x1F400] =	vst v63  }
0x8f: {  	_ =	swait.ge [sflag:s29], $0x3800  }
0x90: {  	[sflag:s29] =	ssyncset.done $0x0  }
0x91: {  	s8 =	simm.s32 $0x400;
	[sflag:s29] =	ssyncadd.s32 $0xFFFFC800  }
0x92: {  	[tilespmem:s18], [sflag:$0x2] =	stream.indirect.gather [hbm4b:s4+s15], $0x80, s8, s15, $0xb8;
	[tilespmem:$0x1F400] =	vst v63  }
0x93: {  	_ =	swait.ge [sflag:s30], $0x3800  }
0x94: {  	[sflag:s30] =	ssyncset.done $0x0  }
0x95: {  	s11 =	simm.s32 $0x500;
	[sflag:s30] =	ssyncadd.s32 $0xFFFFC800  }
0x96: {  	[tilespmem:s20], [sflag:$0x3] =	stream.indirect.gather [hbm4b:s4+s15], $0x80, s11, s15, $0xb8;
	[tilespmem:$0x1F400] =	vst v63  }
0x97: {  	_ =	swait.ge [sflag:s21], $0x3800  }
0x98: {  	[sflag:s21] =	ssyncset.done $0x0  }
0x99: {  	s17 =	simm.s32 $0x380;
	[sflag:s21] =	ssyncadd.s32 $0xFFFFC800  }
0x9a: {  	[spmem:s2] =	stream.indirect.scatter.add.f32 [tilespmem:s16], [sflag:$0x4], $0x80, s17, s15, $0xb8;
	[tilespmem:$0x1F400] =	vst v63  }
0x9b: {  	_ =	swait.ge [sflag:s31], $0x3800  }
0x9c: {  	[sflag:s31] =	ssyncset.done $0x0  }
0x9d: {  	s19 =	simm.s32 $0x480;
	[sflag:s31] =	ssyncadd.s32 $0xFFFFC800  }
0x9e: {  	[spmem:s2] =	stream.indirect.scatter.add.f32 [tilespmem:s18], [sflag:$0x5], $0x80, s19, s15, $0xb8;
	[tilespmem:$0x1F400] =	vst v63  }
0x9f: {  	_ =	swait.ge [sflag:s24], $0x3800  }
0xa0: {  	[sflag:s24] =	ssyncset.done $0x0  }
0xa1: {  	s22 =	simm.s32 $0x580;
	[sflag:s24] =	ssyncadd.s32 $0xFFFFC800  }
0xa2: {  	[spmem:s2] =	stream.indirect.scatter.add.f32 [tilespmem:s20], [sflag:$0x6], $0x80, s22, s15, $0xb8;
	[tilespmem:$0x1F400] =	vst v63  }
0xa3: {  	_ =	swait.ge [sflag:s28], $0x3800  }
0xa4: {  	[sflag:s28] =	ssyncset.done $0x0  }
0xa5: {  	[sflag:s28] =	ssyncadd.s32 $0xFFFFC800  }
0xa6: {  	_ =	swait.ge [sflag:s29], $0x3800  }
0xa7: {  	[sflag:s29] =	ssyncset.done $0x0  }
0xa8: {  	[sflag:s29] =	ssyncadd.s32 $0xFFFFC800  }
0xa9: {  	_ =	swait.ge [sflag:s30], $0x3800  }
0xaa: {  	s23 =	sadd.s32 $0x1, s23;
	[sflag:s30] =	ssyncset.done $0x0  }
0xab: {  	p0 =	sne.s32 s23, s10;
	[sflag:s30] =	ssyncadd.s32 $0xFFFFC800  }
.Ltmp1:
0xac: {  	[bflag:$0x0] =	sbarrier.arrive $0xFFFF;
	(pc) =	sbr.rel @p0 .LBB2_1-.Ltmp1, $4  }
0xad: {  	[hbm:s9], [sflag:s6] =	dma.local [spmem:s12], $0x2800  }
0xae: {  	_ =	swait.ge [sflag:s13], $0x2800  }
0xaf: {  	[sflag:s13] =	ssyncset.done $0x0  }
0xb0: {  	[sflag:s13] =	ssyncadd.s32 $0xFFFFD800  }
0xb1: {  	_ =	sfence.sel $0x180000  }
0xb2: {  	[bflag:$0x0] =	sbarrier.arrive $0xFFFF  }
0xb3: {  	_ =	strace $0x90000050  }
0xb4: {  	s0 =	stileid.u32;
	[bflag:$0x2] =	sbarrier.arrive $0xFFFF  }
0xb5: {  	p0 =	sne.s32 s0, $0x0;
	s0 =	rddreg [dreg:$0x2]  }
0xb6: {  	s0 =	sadd.s32 @!p0 $0x100000, s0  }
0xb7: {  	[sflag:s0] =	ssyncadd.tile.s32 @!p0 $0x1;
	_ =	shalt  }
.Lfunc_end2:
_tile_overlayer_lowered:
.L_overlay_start_2:
0xb8: {  	(tag) =	ssettag $0x2  }
0xb9: {  	s0 =	rddreg [dreg:$0x0];
	s2 =	stileid.u32  }
0xba: {  	s1 =	rddreg [dreg:$0x1];
	p0 =	sne.s32 s2, $0x0  }
0xbb: {  	s3 =	rddreg [dreg:$0x2];
	[bflag:$0x3] =	sbarrier.arrive $0xFFFF;
	s2 =	simm.s32 @!p0 $0x1C08  }
0xbc: {  	[timem:s3], [sflag:s2] =	dma.local @!p0 [hbm:s0], s1  }
0xbd: {  	s0 =	simm.s32 @!p0 $0x8  }
0xbe: {  	_ =	swait.ge @!p0 [sflag:s0], s1  }
0xbf: {  	s1 =	ssub.s32 @!p0 $0x0, s1;
	[sflag:s0] =	ssyncset.done @!p0 $0x0  }
0xc0: {  	[sflag:s0] =	ssyncadd.s32 @!p0 s1  }
0xc1: {  	[bflag:$0x3] =	sbarrier.arrive $0xFFFF  }
0xc2: {  	_ =	shalt  }

</sc_bundles>
